<compile_context>
chip_gen: v7x
topology: tpu7x:2x2x1
jax: 0.10.2.dev20260603
libtpu: 0.0.44.dev20260713+nightly
codegen_flags: <defaults>
</compile_context>

<pallas_src>
import functools

import jax
import jax.numpy as jnp
from jax import lax
from jax.experimental import pallas as pl
from jax.experimental.pallas import tpu as pltpu
from jax.experimental.pallas import tpu_sc as plsc

N = 10000
E = 320000
C = 128
K = 27

CH = 128
NCHUNK = E // CH
NW = 32
ITERS = -(-NCHUNK // NW)
NPAD = 10112
RT = NPAD // 16
LANES = 16


def _sc_conv_body(h_hbm, idx_hbm, out_hbm,
                  idx_a, idx_b, flat_a, flat_b, rows_v, acc_sh, sem, isem):
    c = lax.axis_index("c")
    s = lax.axis_index("s")
    wid = c * 16 + s

    def _zero_rows(i, carry):
        for j in range(C // LANES):
            rows_v[i, pl.ds(j * LANES, LANES)] = jnp.zeros((LANES,), jnp.float32)
        return carry

    lax.fori_loop(0, CH, _zero_rows, 0)

    r0 = s * RT
    for t in range(RT // CH):
        pltpu.sync_copy(rows_v, acc_sh.at[pl.ds(r0 + t * CH, CH)])
    rem = RT % CH
    if rem:
        pltpu.sync_copy(rows_v.at[pl.ds(0, rem)],
                        acc_sh.at[pl.ds(r0 + (RT // CH) * CH, rem)])

    plsc.subcore_barrier()

    def _flat(idx, flat):
        for j in range(CH // LANES):
            sl = pl.ds(j * LANES, LANES)
            flat[sl] = idx[1, sl] * N + idx[0, sl]

    @pl.when(wid < NCHUNK)
    def _():
        pltpu.sync_copy(idx_hbm.at[wid], idx_a)
        _flat(idx_a, flat_a)

    bufs = ((idx_a, flat_a), (idx_b, flat_b))

    def _body(p, carry):
        for b in range(2):
            i = 2 * p + b
            chunk = i * NW + wid
            nxt = chunk + NW
            idx_c, flat_c = bufs[b]
            idx_n, flat_n = bufs[1 - b]

            @pl.when(nxt < NCHUNK)
            def _():
                pltpu.async_copy(idx_hbm.at[nxt], idx_n, isem)
                pltpu.async_copy(h_hbm.at[flat_c], rows_v, sem).wait()
                pltpu.sync_copy(rows_v, acc_sh.at[idx_c.at[2]], add=True)
                pltpu.make_async_copy(idx_hbm.at[nxt], idx_n, isem).wait()
                _flat(idx_n, flat_n)

            @pl.when((nxt >= NCHUNK) & (chunk < NCHUNK))
            def _():
                pltpu.async_copy(h_hbm.at[flat_c], rows_v, sem).wait()
                pltpu.sync_copy(rows_v, acc_sh.at[idx_c.at[2]], add=True)
        return carry

    lax.fori_loop(0, (ITERS + 1) // 2, _body, 0)

    plsc.subcore_barrier()

    pltpu.sync_copy(acc_sh.at[pl.ds(r0, RT)],
                    out_hbm.at[pl.ds(c * NPAD + r0, RT)])


_sc_conv = functools.partial(
    pl.kernel,
    out_type=jax.ShapeDtypeStruct((2 * NPAD, C), jnp.float32),
    mesh=plsc.VectorSubcoreMesh(core_axis_name="c", subcore_axis_name="s"),
    scratch_types=[
        pltpu.VMEM((3, CH), jnp.int32),
        pltpu.VMEM((3, CH), jnp.int32),
        pltpu.VMEM((CH,), jnp.int32),
        pltpu.VMEM((CH,), jnp.int32),
        pltpu.VMEM((CH, C), jnp.float32),
        pltpu.VMEM_SHARED((NPAD, C), jnp.float32),
        pltpu.SemaphoreType.DMA,
        pltpu.SemaphoreType.DMA,
    ],
)(_sc_conv_body)


def _mm_kernel(x_ref, w_ref, o_ref):
    o_ref[0] = jnp.dot(x_ref[...], w_ref[0],
                       preferred_element_type=jnp.float32)


_MM_NB = 1
_MM_BN = N // _MM_NB


def _matmul(x, w):
    return pl.pallas_call(
        _mm_kernel,
        grid=(_MM_NB, K),
        in_specs=[
            pl.BlockSpec((_MM_BN, C), lambda j, k: (j, 0)),
            pl.BlockSpec((1, C, C), lambda j, k: (k, 0, 0)),
        ],
        out_specs=pl.BlockSpec((1, _MM_BN, C), lambda j, k: (k, j, 0)),
        out_shape=jax.ShapeDtypeStruct((K, N, C), jnp.float32),
    )(x, w)


def _bn_relu_kernel(p_ref, g_ref, b_ref, o_ref):
    s = p_ref[0, :N, :] + p_ref[1, :N, :]
    mu = jnp.mean(s, axis=0, keepdims=True)
    var = jnp.mean(jnp.square(s - mu), axis=0, keepdims=True)
    y = g_ref[...] * (s - mu) * lax.rsqrt(var + 1e-5) + b_ref[...]
    o_ref[...] = jnp.maximum(y, 0.0)


def _bn_res_relu_kernel(p_ref, x_ref, g_ref, b_ref, o_ref):
    s = p_ref[0, :N, :] + p_ref[1, :N, :]
    mu = jnp.mean(s, axis=0, keepdims=True)
    var = jnp.mean(jnp.square(s - mu), axis=0, keepdims=True)
    y = g_ref[...] * (s - mu) * lax.rsqrt(var + 1e-5) + b_ref[...]
    o_ref[...] = jnp.maximum(y + x_ref[...], 0.0)


def _bn_relu(p, gamma, beta):
    return pl.pallas_call(
        _bn_relu_kernel,
        out_shape=jax.ShapeDtypeStruct((N, C), jnp.float32),
    )(p, gamma.reshape(1, C), beta.reshape(1, C))


def _bn_res_relu(p, x, gamma, beta):
    return pl.pallas_call(
        _bn_res_relu_kernel,
        out_shape=jax.ShapeDtypeStruct((N, C), jnp.float32),
    )(p, x, gamma.reshape(1, C), beta.reshape(1, C))


def kernel(x, edge_index, kernel_idx, W1, gamma1, beta1, W2, gamma2, beta2):
    idx = jnp.stack(
        [edge_index[0].reshape(NCHUNK, CH),
         kernel_idx.reshape(NCHUNK, CH),
         edge_index[1].reshape(NCHUNK, CH)], axis=1)

    h1 = _matmul(x, W1).reshape(K * N, C)
    p1 = _sc_conv(h1, idx).reshape(2, NPAD, C)
    out1 = _bn_relu(p1, gamma1, beta1)

    h2 = _matmul(out1, W2).reshape(K * N, C)
    p2 = _sc_conv(h2, idx).reshape(2, NPAD, C)
    out = _bn_res_relu(p2, x, gamma2, beta2)
    return out

# --- scband reference (transcript-rebuilt; emitter-appended) ---
"""Pipeline reference for scband-residual-block-18279380811795 (READ-ONLY COPY).

The authoritative reference and input builder live on the scoring server;
editing this copy changes nothing except your own understanding.
"""

import jax, jax.numpy as jnp
import numpy as np

N = 10000   # number of occupied voxels (sparse tensor rows)
E = 320000  # number of (src -> dst) kernel-map pairs, avg 32 occupied neighbors per voxel
C = 128     # in_ch == out_ch -> no projection branch (stride=1)
K = 27      # 3x3x3 kernel offsets, dimension=3


def setup_inputs(seed: int = 0) -> dict:
    key = jax.random.key(seed)
    ks = jax.random.split(key, 8)
    x = jax.random.normal(ks[0], (N, C), dtype=jnp.float32)
    edge_index = jax.random.randint(ks[1], (2, E), 0, N, dtype=jnp.int32)
    kernel_idx = jax.random.randint(ks[2], (E,), 0, K, dtype=jnp.int32)
    scale = 1.0 / np.sqrt(C * K)
    W1 = jax.random.normal(ks[3], (K, C, C), dtype=jnp.float32) * scale
    gamma1 = jnp.ones((C,), dtype=jnp.float32)
    beta1 = jnp.zeros((C,), dtype=jnp.float32)
    W2 = jax.random.normal(ks[4], (K, C, C), dtype=jnp.float32) * scale
    gamma2 = jnp.ones((C,), dtype=jnp.float32)
    beta2 = jnp.zeros((C,), dtype=jnp.float32)
    return {
        "x": x,
        "edge_index": edge_index,
        "kernel_idx": kernel_idx,
        "W1": W1,
        "gamma1": gamma1,
        "beta1": beta1,
        "W2": W2,
        "gamma2": gamma2,
        "beta2": beta2,
    }


def sparse_conv(x, src, dst, kidx, W):
    # Minkowski convolution as message passing: for each kernel offset k,
    # transform features with W[k], gather at src, scatter-add at dst.
    h = jnp.einsum("ni,kio->kno", x, W)          # [K, N, C_out]
    msg = h[kidx, src]                             # per-edge gather: [E, C_out]
    return jax.ops.segment_sum(msg, dst, num_segments=x.shape[0])


def batch_norm(x, gamma, beta, eps=1e-5):
    mu = jnp.mean(x, axis=0, keepdims=True)
    var = jnp.var(x, axis=0, keepdims=True)
    return gamma * (x - mu) / jnp.sqrt(var + eps) + beta


def reference(x, edge_index, kernel_idx, W1, gamma1, beta1, W2, gamma2, beta2):
    src = edge_index[0]
    dst = edge_index[1]
    identity = x
    # ConvBNReLU (conv1 + bn + relu)
    out = sparse_conv(x, src, dst, kernel_idx, W1)
    out = batch_norm(out, gamma1, beta1)
    out = jax.nn.relu(out)
    # conv2 + bn2
    out = sparse_conv(out, src, dst, kernel_idx, W2)
    out = batch_norm(out, gamma2, beta2)
    # residual (proj is None: stride=1 and in_ch == out_ch)
    out = out + identity
    out = jax.nn.relu(out)
    return out

if __name__ == "__main__":
    import jax
    _d = setup_inputs()
    print(jax.jit(kernel)(*tuple(_d.values())))

</pallas_src>

<mosaic_0001>
#map = affine_map<(d0, d1) -> (0, 0)>
#map1 = affine_map<(d0, d1) -> (0, 0, 0)>
module attributes {stable_mosaic.version = 14 : i64} {
  func.func @_sc_conv_body(%arg0: i32, %arg1: i32, %arg2: memref<270000x128xf32, #tpu.memory_space<hbm>>, %arg3: memref<2500x3x128xi32, #tpu.memory_space<hbm>>, %arg4: memref<20224x128xf32, #tpu.memory_space<hbm>>, %arg5: memref<3x128xi32, #tpu.memory_space<vmem>>, %arg6: memref<3x128xi32, #tpu.memory_space<vmem>>, %arg7: memref<128xi32, #tpu.memory_space<vmem>>, %arg8: memref<128xi32, #tpu.memory_space<vmem>>, %arg9: memref<128x128xf32, #tpu.memory_space<vmem>>, %arg10: memref<10112x128xf32, #tpu.memory_space<vmem_shared>>, %arg11: memref<!tpu.dma_semaphore, #tpu.memory_space<semaphore_mem>>, %arg12: memref<!tpu.dma_semaphore, #tpu.memory_space<semaphore_mem>>) attributes {dimension_semantics = [#tpu.dimension_semantics<core_parallel>, #tpu.dimension_semantics<subcore_parallel>], iteration_bounds = array<i64: 2, 16>, scalar_prefetch = 0 : i64, scratch_operands = 8 : i64, tpu.core_type = #tpu.core_type<sc_vector_subcore>, window_params = [{transform_indices = #map}, {transform_indices = #map1}, {transform_indices = #map}]} {
    %mul3A = arith.constant 16 : i32
    %mul3A_0 = arith.muli %arg0, %mul3A : i32
    %add3A = arith.addi %mul3A_0, %arg1 : i32
    %scan3A = arith.constant 0 : i32
    %scan3A_1 = arith.constant 0 : i32
    %scan3A_2 = arith.constant 128 : i32
    %scan3A_3 = arith.addi %scan3A_1, %scan3A_2 : i32
    %scan3A_4 = arith.constant 1 : i32
    scf.for %scan3A_30 = %scan3A_1 to %scan3A_3 step %scan3A_4  : i32 {
      %broadcast_in_dim3A = arith.constant 0.000000e+00 : f32
      %broadcast_in_dim3A_31 = vector.broadcast %broadcast_in_dim3A : f32 to vector<16xf32>
      %swap3A = arith.index_cast %scan3A_30 : i32 to index
      %swap3A_32 = arith.constant 0 : index
      %swap3A_33 = tpu.vector_load %arg9[%swap3A, %swap3A_32] {strides = array<i32>} : memref<128x128xf32, #tpu.memory_space<vmem>>, vector<1x16xf32>,
      %swap3A_34 = vector.shape_cast %swap3A_33 : vector<1x16xf32> to vector<16xf32>
      %swap3A_35 = vector.shape_cast %broadcast_in_dim3A_31 : vector<16xf32> to vector<1x16xf32>
      tpu.vector_store %arg9[%swap3A, %swap3A_32], %swap3A_35 {strides = array<i32>} : memref<128x128xf32, #tpu.memory_space<vmem>>, vector<1x16xf32>,
      %broadcast_in_dim3A_36 = arith.constant 0.000000e+00 : f32
      %broadcast_in_dim3A_37 = vector.broadcast %broadcast_in_dim3A_36 : f32 to vector<16xf32>
      %swap3A_38 = arith.index_cast %scan3A_30 : i32 to index
      %swap3A_39 = arith.constant 16 : index
      %swap3A_40 = tpu.vector_load %arg9[%swap3A_38, %swap3A_39] {strides = array<i32>} : memref<128x128xf32, #tpu.memory_space<vmem>>, vector<1x16xf32>,
      %swap3A_41 = vector.shape_cast %swap3A_40 : vector<1x16xf32> to vector<16xf32>
      %swap3A_42 = vector.shape_cast %broadcast_in_dim3A_37 : vector<16xf32> to vector<1x16xf32>
      tpu.vector_store %arg9[%swap3A_38, %swap3A_39], %swap3A_42 {strides = array<i32>} : memref<128x128xf32, #tpu.memory_space<vmem>>, vector<1x16xf32>,
      %broadcast_in_dim3A_43 = arith.constant 0.000000e+00 : f32
      %broadcast_in_dim3A_44 = vector.broadcast %broadcast_in_dim3A_43 : f32 to vector<16xf32>
      %swap3A_45 = arith.index_cast %scan3A_30 : i32 to index
      %swap3A_46 = arith.constant 32 : index
      %swap3A_47 = tpu.vector_load %arg9[%swap3A_45, %swap3A_46] {strides = array<i32>} : memref<128x128xf32, #tpu.memory_space<vmem>>, vector<1x16xf32>,
      %swap3A_48 = vector.shape_cast %swap3A_47 : vector<1x16xf32> to vector<16xf32>
      %swap3A_49 = vector.shape_cast %broadcast_in_dim3A_44 : vector<16xf32> to vector<1x16xf32>
      tpu.vector_store %arg9[%swap3A_45, %swap3A_46], %swap3A_49 {strides = array<i32>} : memref<128x128xf32, #tpu.memory_space<vmem>>, vector<1x16xf32>,
      %broadcast_in_dim3A_50 = arith.constant 0.000000e+00 : f32
      %broadcast_in_dim3A_51 = vector.broadcast %broadcast_in_dim3A_50 : f32 to vector<16xf32>
      %swap3A_52 = arith.index_cast %scan3A_30 : i32 to index
      %swap3A_53 = arith.constant 48 : index
      %swap3A_54 = tpu.vector_load %arg9[%swap3A_52, %swap3A_53] {strides = array<i32>} : memref<128x128xf32, #tpu.memory_space<vmem>>, vector<1x16xf32>,
      %swap3A_55 = vector.shape_cast %swap3A_54 : vector<1x16xf32> to vector<16xf32>
      %swap3A_56 = vector.shape_cast %broadcast_in_dim3A_51 : vector<16xf32> to vector<1x16xf32>
      tpu.vector_store %arg9[%swap3A_52, %swap3A_53], %swap3A_56 {strides = array<i32>} : memref<128x128xf32, #tpu.memory_space<vmem>>, vector<1x16xf32>,
      %broadcast_in_dim3A_57 = arith.constant 0.000000e+00 : f32
      %broadcast_in_dim3A_58 = vector.broadcast %broadcast_in_dim3A_57 : f32 to vector<16xf32>
      %swap3A_59 = arith.index_cast %scan3A_30 : i32 to index
      %swap3A_60 = arith.constant 64 : index
      %swap3A_61 = tpu.vector_load %arg9[%swap3A_59, %swap3A_60] {strides = array<i32>} : memref<128x128xf32, #tpu.memory_space<vmem>>, vector<1x16xf32>,
      %swap3A_62 = vector.shape_cast %swap3A_61 : vector<1x16xf32> to vector<16xf32>
      %swap3A_63 = vector.shape_cast %broadcast_in_dim3A_58 : vector<16xf32> to vector<1x16xf32>
      tpu.vector_store %arg9[%swap3A_59, %swap3A_60], %swap3A_63 {strides = array<i32>} : memref<128x128xf32, #tpu.memory_space<vmem>>, vector<1x16xf32>,
      %broadcast_in_dim3A_64 = arith.constant 0.000000e+00 : f32
      %broadcast_in_dim3A_65 = vector.broadcast %broadcast_in_dim3A_64 : f32 to vector<16xf32>
      %swap3A_66 = arith.index_cast %scan3A_30 : i32 to index
      %swap3A_67 = arith.constant 80 : index
      %swap3A_68 = tpu.vector_load %arg9[%swap3A_66, %swap3A_67] {strides = array<i32>} : memref<128x128xf32, #tpu.memory_space<vmem>>, vector<1x16xf32>,
      %swap3A_69 = vector.shape_cast %swap3A_68 : vector<1x16xf32> to vector<16xf32>
      %swap3A_70 = vector.shape_cast %broadcast_in_dim3A_65 : vector<16xf32> to vector<1x16xf32>
      tpu.vector_store %arg9[%swap3A_66, %swap3A_67], %swap3A_70 {strides = array<i32>} : memref<128x128xf32, #tpu.memory_space<vmem>>, vector<1x16xf32>,
      %broadcast_in_dim3A_71 = arith.constant 0.000000e+00 : f32
      %broadcast_in_dim3A_72 = vector.broadcast %broadcast_in_dim3A_71 : f32 to vector<16xf32>
      %swap3A_73 = arith.index_cast %scan3A_30 : i32 to index
      %swap3A_74 = arith.constant 96 : index
      %swap3A_75 = tpu.vector_load %arg9[%swap3A_73, %swap3A_74] {strides = array<i32>} : memref<128x128xf32, #tpu.memory_space<vmem>>, vector<1x16xf32>,
      %swap3A_76 = vector.shape_cast %swap3A_75 : vector<1x16xf32> to vector<16xf32>
      %swap3A_77 = vector.shape_cast %broadcast_in_dim3A_72 : vector<16xf32> to vector<1x16xf32>
      tpu.vector_store %arg9[%swap3A_73, %swap3A_74], %swap3A_77 {strides = array<i32>} : memref<128x128xf32, #tpu.memory_space<vmem>>, vector<1x16xf32>,
      %broadcast_in_dim3A_78 = arith.constant 0.000000e+00 : f32
      %broadcast_in_dim3A_79 = vector.broadcast %broadcast_in_dim3A_78 : f32 to vector<16xf32>
      %swap3A_80 = arith.index_cast %scan3A_30 : i32 to index
      %swap3A_81 = arith.constant 112 : index
      %swap3A_82 = tpu.vector_load %arg9[%swap3A_80, %swap3A_81] {strides = array<i32>} : memref<128x128xf32, #tpu.memory_space<vmem>>, vector<1x16xf32>,
      %swap3A_83 = vector.shape_cast %swap3A_82 : vector<1x16xf32> to vector<16xf32>
      %swap3A_84 = vector.shape_cast %broadcast_in_dim3A_79 : vector<16xf32> to vector<1x16xf32>
      tpu.vector_store %arg9[%swap3A_80, %swap3A_81], %swap3A_84 {strides = array<i32>} : memref<128x128xf32, #tpu.memory_space<vmem>>, vector<1x16xf32>,
    }
    %scan3A_5 = arith.constant 128 : i32
    %mul3A_6 = arith.constant 632 : i32
    %mul3A_7 = arith.muli %arg1, %mul3A_6 : i32
    %add3A_8 = arith.constant 0 : i32
    %add3A_9 = arith.addi %mul3A_7, %add3A_8 : i32
    "tpu.region"() ({
      %run_scoped3A = tpu.sem_alloc : memref<!tpu.dma_semaphore, #tpu.memory_space<semaphore_mem>>
      %dma_start3A = arith.constant 0 : i32
      %dma_start3A_30 = tpu.memref_slice %arg10[%add3A_9, %dma_start3A] : memref<10112x128xf32, #tpu.memory_space<vmem_shared>> -> memref<128x128xf32, #tpu.memory_space<vmem_shared>>
      %dma_start3A_31 = arith.constant 0 : i32
      %dma_start3A_32 = tpu.memref_slice %arg10[%add3A_9, %dma_start3A_31] : memref<10112x128xf32, #tpu.memory_space<vmem_shared>> -> memref<128x128xf32, #tpu.memory_space<vmem_shared>>
      tpu.enqueue_dma source(%arg9 : memref<128x128xf32, #tpu.memory_space<vmem>>) target(%dma_start3A_32 : memref<128x128xf32, #tpu.memory_space<vmem_shared>>) target_semaphore(%run_scoped3A : memref<!tpu.dma_semaphore, #tpu.memory_space<semaphore_mem>>)
      %dma_wait3A = arith.constant 0 : i32
      %dma_wait3A_33 = tpu.memref_slice %arg10[%add3A_9, %dma_wait3A] : memref<10112x128xf32, #tpu.memory_space<vmem_shared>> -> memref<128x128xf32, #tpu.memory_space<vmem_shared>>
      %dma_wait3A_34 = arith.constant 0 : i32
      %dma_wait3A_35 = tpu.memref_slice %arg10[%add3A_9, %dma_wait3A_34] : memref<10112x128xf32, #tpu.memory_space<vmem_shared>> -> memref<128x128xf32, #tpu.memory_space<vmem_shared>>
      tpu.wait_dma2 semaphore(%run_scoped3A : memref<!tpu.dma_semaphore, #tpu.memory_space<semaphore_mem>>) src(%arg9 : memref<128x128xf32, #tpu.memory_space<vmem>>) dst(%dma_wait3A_35 : memref<128x128xf32, #tpu.memory_space<vmem_shared>>)
      tpu.yield
    }) : () -> ()
    %add3A_10 = arith.constant 128 : i32
    %add3A_11 = arith.addi %mul3A_7, %add3A_10 : i32
    "tpu.region"() ({
      %run_scoped3A = tpu.sem_alloc : memref<!tpu.dma_semaphore, #tpu.memory_space<semaphore_mem>>
      %dma_start3A = arith.constant 0 : i32
      %dma_start3A_30 = tpu.memref_slice %arg10[%add3A_11, %dma_start3A] : memref<10112x128xf32, #tpu.memory_space<vmem_shared>> -> memref<128x128xf32, #tpu.memory_space<vmem_shared>>
      %dma_start3A_31 = arith.constant 0 : i32
      %dma_start3A_32 = tpu.memref_slice %arg10[%add3A_11, %dma_start3A_31] : memref<10112x128xf32, #tpu.memory_space<vmem_shared>> -> memref<128x128xf32, #tpu.memory_space<vmem_shared>>
      tpu.enqueue_dma source(%arg9 : memref<128x128xf32, #tpu.memory_space<vmem>>) target(%dma_start3A_32 : memref<128x128xf32, #tpu.memory_space<vmem_shared>>) target_semaphore(%run_scoped3A : memref<!tpu.dma_semaphore, #tpu.memory_space<semaphore_mem>>)
      %dma_wait3A = arith.constant 0 : i32
      %dma_wait3A_33 = tpu.memref_slice %arg10[%add3A_11, %dma_wait3A] : memref<10112x128xf32, #tpu.memory_space<vmem_shared>> -> memref<128x128xf32, #tpu.memory_space<vmem_shared>>
      %dma_wait3A_34 = arith.constant 0 : i32
      %dma_wait3A_35 = tpu.memref_slice %arg10[%add3A_11, %dma_wait3A_34] : memref<10112x128xf32, #tpu.memory_space<vmem_shared>> -> memref<128x128xf32, #tpu.memory_space<vmem_shared>>
      tpu.wait_dma2 semaphore(%run_scoped3A : memref<!tpu.dma_semaphore, #tpu.memory_space<semaphore_mem>>) src(%arg9 : memref<128x128xf32, #tpu.memory_space<vmem>>) dst(%dma_wait3A_35 : memref<128x128xf32, #tpu.memory_space<vmem_shared>>)
      tpu.yield
    }) : () -> ()
    %add3A_12 = arith.constant 256 : i32
    %add3A_13 = arith.addi %mul3A_7, %add3A_12 : i32
    "tpu.region"() ({
      %run_scoped3A = tpu.sem_alloc : memref<!tpu.dma_semaphore, #tpu.memory_space<semaphore_mem>>
      %dma_start3A = arith.constant 0 : i32
      %dma_start3A_30 = tpu.memref_slice %arg10[%add3A_13, %dma_start3A] : memref<10112x128xf32, #tpu.memory_space<vmem_shared>> -> memref<128x128xf32, #tpu.memory_space<vmem_shared>>
      %dma_start3A_31 = arith.constant 0 : i32
      %dma_start3A_32 = tpu.memref_slice %arg10[%add3A_13, %dma_start3A_31] : memref<10112x128xf32, #tpu.memory_space<vmem_shared>> -> memref<128x128xf32, #tpu.memory_space<vmem_shared>>
      tpu.enqueue_dma source(%arg9 : memref<128x128xf32, #tpu.memory_space<vmem>>) target(%dma_start3A_32 : memref<128x128xf32, #tpu.memory_space<vmem_shared>>) target_semaphore(%run_scoped3A : memref<!tpu.dma_semaphore, #tpu.memory_space<semaphore_mem>>)
      %dma_wait3A = arith.constant 0 : i32
      %dma_wait3A_33 = tpu.memref_slice %arg10[%add3A_13, %dma_wait3A] : memref<10112x128xf32, #tpu.memory_space<vmem_shared>> -> memref<128x128xf32, #tpu.memory_space<vmem_shared>>
      %dma_wait3A_34 = arith.constant 0 : i32
      %dma_wait3A_35 = tpu.memref_slice %arg10[%add3A_13, %dma_wait3A_34] : memref<10112x128xf32, #tpu.memory_space<vmem_shared>> -> memref<128x128xf32, #tpu.memory_space<vmem_shared>>
      tpu.wait_dma2 semaphore(%run_scoped3A : memref<!tpu.dma_semaphore, #tpu.memory_space<semaphore_mem>>) src(%arg9 : memref<128x128xf32, #tpu.memory_space<vmem>>) dst(%dma_wait3A_35 : memref<128x128xf32, #tpu.memory_space<vmem_shared>>)
      tpu.yield
    }) : () -> ()
    %add3A_14 = arith.constant 384 : i32
    %add3A_15 = arith.addi %mul3A_7, %add3A_14 : i32
    "tpu.region"() ({
      %run_scoped3A = tpu.sem_alloc : memref<!tpu.dma_semaphore, #tpu.memory_space<semaphore_mem>>
      %dma_start3A = arith.constant 0 : i32
      %dma_start3A_30 = tpu.memref_slice %arg10[%add3A_15, %dma_start3A] : memref<10112x128xf32, #tpu.memory_space<vmem_shared>> -> memref<128x128xf32, #tpu.memory_space<vmem_shared>>
      %dma_start3A_31 = arith.constant 0 : i32
      %dma_start3A_32 = tpu.memref_slice %arg10[%add3A_15, %dma_start3A_31] : memref<10112x128xf32, #tpu.memory_space<vmem_shared>> -> memref<128x128xf32, #tpu.memory_space<vmem_shared>>
      tpu.enqueue_dma source(%arg9 : memref<128x128xf32, #tpu.memory_space<vmem>>) target(%dma_start3A_32 : memref<128x128xf32, #tpu.memory_space<vmem_shared>>) target_semaphore(%run_scoped3A : memref<!tpu.dma_semaphore, #tpu.memory_space<semaphore_mem>>)
      %dma_wait3A = arith.constant 0 : i32
      %dma_wait3A_33 = tpu.memref_slice %arg10[%add3A_15, %dma_wait3A] : memref<10112x128xf32, #tpu.memory_space<vmem_shared>> -> memref<128x128xf32, #tpu.memory_space<vmem_shared>>
      %dma_wait3A_34 = arith.constant 0 : i32
      %dma_wait3A_35 = tpu.memref_slice %arg10[%add3A_15, %dma_wait3A_34] : memref<10112x128xf32, #tpu.memory_space<vmem_shared>> -> memref<128x128xf32, #tpu.memory_space<vmem_shared>>
      tpu.wait_dma2 semaphore(%run_scoped3A : memref<!tpu.dma_semaphore, #tpu.memory_space<semaphore_mem>>) src(%arg9 : memref<128x128xf32, #tpu.memory_space<vmem>>) dst(%dma_wait3A_35 : memref<128x128xf32, #tpu.memory_space<vmem_shared>>)
      tpu.yield
    }) : () -> ()
    %add3A_16 = arith.constant 512 : i32
    %add3A_17 = arith.addi %mul3A_7, %add3A_16 : i32
    "tpu.region"() ({
      %run_scoped3A = tpu.sem_alloc : memref<!tpu.dma_semaphore, #tpu.memory_space<semaphore_mem>>
      %dma_start3A = arith.constant 0 : i32
      %dma_start3A_30 = arith.constant 0 : i32
      %dma_start3A_31 = tpu.memref_slice %arg9[%dma_start3A, %dma_start3A_30] : memref<128x128xf32, #tpu.memory_space<vmem>> -> memref<120x128xf32, #tpu.memory_space<vmem>>
      %dma_start3A_32 = arith.constant 0 : i32
      %dma_start3A_33 = tpu.memref_slice %arg10[%add3A_17, %dma_start3A_32] : memref<10112x128xf32, #tpu.memory_space<vmem_shared>> -> memref<120x128xf32, #tpu.memory_space<vmem_shared>>
      %dma_start3A_34 = arith.constant 0 : i32
      %dma_start3A_35 = tpu.memref_slice %arg10[%add3A_17, %dma_start3A_34] : memref<10112x128xf32, #tpu.memory_space<vmem_shared>> -> memref<120x128xf32, #tpu.memory_space<vmem_shared>>
      %dma_start3A_36 = arith.constant 0 : i32
      %dma_start3A_37 = arith.constant 0 : i32
      %dma_start3A_38 = tpu.memref_slice %arg9[%dma_start3A_36, %dma_start3A_37] : memref<128x128xf32, #tpu.memory_space<vmem>> -> memref<120x128xf32, #tpu.memory_space<vmem>>
      tpu.enqueue_dma source(%dma_start3A_38 : memref<120x128xf32, #tpu.memory_space<vmem>>) target(%dma_start3A_35 : memref<120x128xf32, #tpu.memory_space<vmem_shared>>) target_semaphore(%run_scoped3A : memref<!tpu.dma_semaphore, #tpu.memory_space<semaphore_mem>>)
      %dma_wait3A = arith.constant 0 : i32
      %dma_wait3A_39 = arith.constant 0 : i32
      %dma_wait3A_40 = tpu.memref_slice %arg9[%dma_wait3A, %dma_wait3A_39] : memref<128x128xf32, #tpu.memory_space<vmem>> -> memref<120x128xf32, #tpu.memory_space<vmem>>
      %dma_wait3A_41 = arith.constant 0 : i32
      %dma_wait3A_42 = tpu.memref_slice %arg10[%add3A_17, %dma_wait3A_41] : memref<10112x128xf32, #tpu.memory_space<vmem_shared>> -> memref<120x128xf32, #tpu.memory_space<vmem_shared>>
      %dma_wait3A_43 = arith.constant 0 : i32
      %dma_wait3A_44 = tpu.memref_slice %arg10[%add3A_17, %dma_wait3A_43] : memref<10112x128xf32, #tpu.memory_space<vmem_shared>> -> memref<120x128xf32, #tpu.memory_space<vmem_shared>>
      %dma_wait3A_45 = arith.constant 0 : i32
      %dma_wait3A_46 = arith.constant 0 : i32
      %dma_wait3A_47 = tpu.memref_slice %arg9[%dma_wait3A_45, %dma_wait3A_46] : memref<128x128xf32, #tpu.memory_space<vmem>> -> memref<120x128xf32, #tpu.memory_space<vmem>>
      tpu.wait_dma2 semaphore(%run_scoped3A : memref<!tpu.dma_semaphore, #tpu.memory_space<semaphore_mem>>) src(%dma_wait3A_47 : memref<120x128xf32, #tpu.memory_space<vmem>>) dst(%dma_wait3A_44 : memref<120x128xf32, #tpu.memory_space<vmem_shared>>)
      tpu.yield
    }) : () -> ()
    %barrier3A = arith.constant 0 : index
    tpu.barrier barrier_id(%barrier3A)
    %lt3A = arith.constant 2500 : i32
    %lt3A_18 = arith.cmpi slt, %add3A, %lt3A : i32
    %convert_element_type3A = arith.extui %lt3A_18 : i1 to i32
    %cond3A = arith.constant 0 : i32
    %cond3A_19 = arith.cmpi ne, %convert_element_type3A, %cond3A : i32
    scf.if %cond3A_19 {
      "tpu.region"() ({
        %run_scoped3A = tpu.sem_alloc : memref<!tpu.dma_semaphore, #tpu.memory_space<semaphore_mem>>
        %dma_start3A = arith.constant 0 : i32
        %dma_start3A_172 = arith.constant 0 : i32
        %dma_start3A_173 = tpu.memref_slice %arg3[%add3A, %dma_start3A, %dma_start3A_172] : memref<2500x3x128xi32, #tpu.memory_space<hbm>> -> memref<1x3x128xi32, #tpu.memory_space<hbm>>
        %dma_start3A_174 = tpu.memref_squeeze %dma_start3A_173 : memref<1x3x128xi32, #tpu.memory_space<hbm>> -> memref<3x128xi32, #tpu.memory_space<hbm>>
        %dma_start3A_175 = arith.constant 0 : i32
        %dma_start3A_176 = arith.constant 0 : i32
        %dma_start3A_177 = tpu.memref_slice %arg3[%add3A, %dma_start3A_175, %dma_start3A_176] : memref<2500x3x128xi32, #tpu.memory_space<hbm>> -> memref<1x3x128xi32, #tpu.memory_space<hbm>>
        %dma_start3A_178 = tpu.memref_squeeze %dma_start3A_177 : memref<1x3x128xi32, #tpu.memory_space<hbm>> -> memref<3x128xi32, #tpu.memory_space<hbm>>
        tpu.enqueue_dma source(%dma_start3A_178 : memref<3x128xi32, #tpu.memory_space<hbm>>) target(%arg5 : memref<3x128xi32, #tpu.memory_space<vmem>>) target_semaphore(%run_scoped3A : memref<!tpu.dma_semaphore, #tpu.memory_space<semaphore_mem>>)
        %dma_wait3A = arith.constant 0 : i32
        %dma_wait3A_179 = arith.constant 0 : i32
        %dma_wait3A_180 = tpu.memref_slice %arg3[%add3A, %dma_wait3A, %dma_wait3A_179] : memref<2500x3x128xi32, #tpu.memory_space<hbm>> -> memref<1x3x128xi32, #tpu.memory_space<hbm>>
        %dma_wait3A_181 = tpu.memref_squeeze %dma_wait3A_180 : memref<1x3x128xi32, #tpu.memory_space<hbm>> -> memref<3x128xi32, #tpu.memory_space<hbm>>
        %dma_wait3A_182 = arith.constant 0 : i32
        %dma_wait3A_183 = arith.constant 0 : i32
        %dma_wait3A_184 = tpu.memref_slice %arg3[%add3A, %dma_wait3A_182, %dma_wait3A_183] : memref<2500x3x128xi32, #tpu.memory_space<hbm>> -> memref<1x3x128xi32, #tpu.memory_space<hbm>>
        %dma_wait3A_185 = tpu.memref_squeeze %dma_wait3A_184 : memref<1x3x128xi32, #tpu.memory_space<hbm>> -> memref<3x128xi32, #tpu.memory_space<hbm>>
        tpu.wait_dma2 semaphore(%run_scoped3A : memref<!tpu.dma_semaphore, #tpu.memory_space<semaphore_mem>>) src(%dma_wait3A_185 : memref<3x128xi32, #tpu.memory_space<hbm>>) dst(%arg5 : memref<3x128xi32, #tpu.memory_space<vmem>>)
        tpu.yield
      }) : () -> ()
      %get3A = arith.constant 1 : i32
      %get3A_30 = arith.index_cast %get3A : i32 to index
      %get3A_31 = arith.constant 0 : index
      %get3A_32 = tpu.vector_load %arg5[%get3A_30, %get3A_31] {strides = array<i32>} : memref<3x128xi32, #tpu.memory_space<vmem>>, vector<1x16xi32>,
      %get3A_33 = vector.shape_cast %get3A_32 : vector<1x16xi32> to vector<16xi32>
      %mul3A_34 = arith.constant 10000 : i32
      %mul3A_35 = vector.broadcast %mul3A_34 : i32 to vector<16xi32>
      %mul3A_36 = arith.muli %get3A_33, %mul3A_35 : vector<16xi32>
      %get3A_37 = arith.constant 0 : i32
      %get3A_38 = arith.index_cast %get3A_37 : i32 to index
      %get3A_39 = arith.constant 0 : index
      %get3A_40 = tpu.vector_load %arg5[%get3A_38, %get3A_39] {strides = array<i32>} : memref<3x128xi32, #tpu.memory_space<vmem>>, vector<1x16xi32>,
      %get3A_41 = vector.shape_cast %get3A_40 : vector<1x16xi32> to vector<16xi32>
      %add3A_42 = arith.addi %mul3A_36, %get3A_41 : vector<16xi32>
      %swap3A = arith.constant 0 : index
      %swap3A_43 = tpu.vector_load %arg7[%swap3A] {strides = array<i32>} : memref<128xi32, #tpu.memory_space<vmem>>, vector<16xi32>,
      %swap3A_44 = vector.shape_cast %swap3A_43 : vector<16xi32> to vector<16xi32>
      %swap3A_45 = vector.shape_cast %add3A_42 : vector<16xi32> to vector<16xi32>
      tpu.vector_store %arg7[%swap3A], %swap3A_45 {strides = array<i32>} : memref<128xi32, #tpu.memory_space<vmem>>, vector<16xi32>,
      %get3A_46 = arith.constant 1 : i32
      %get3A_47 = arith.index_cast %get3A_46 : i32 to index
      %get3A_48 = arith.constant 16 : index
      %get3A_49 = tpu.vector_load %arg5[%get3A_47, %get3A_48] {strides = array<i32>} : memref<3x128xi32, #tpu.memory_space<vmem>>, vector<1x16xi32>,
      %get3A_50 = vector.shape_cast %get3A_49 : vector<1x16xi32> to vector<16xi32>
      %mul3A_51 = arith.constant 10000 : i32
      %mul3A_52 = vector.broadcast %mul3A_51 : i32 to vector<16xi32>
      %mul3A_53 = arith.muli %get3A_50, %mul3A_52 : vector<16xi32>
      %get3A_54 = arith.constant 0 : i32
      %get3A_55 = arith.index_cast %get3A_54 : i32 to index
      %get3A_56 = arith.constant 16 : index
      %get3A_57 = tpu.vector_load %arg5[%get3A_55, %get3A_56] {strides = array<i32>} : memref<3x128xi32, #tpu.memory_space<vmem>>, vector<1x16xi32>,
      %get3A_58 = vector.shape_cast %get3A_57 : vector<1x16xi32> to vector<16xi32>
      %add3A_59 = arith.addi %mul3A_53, %get3A_58 : vector<16xi32>
      %swap3A_60 = arith.constant 16 : index
      %swap3A_61 = tpu.vector_load %arg7[%swap3A_60] {strides = array<i32>} : memref<128xi32, #tpu.memory_space<vmem>>, vector<16xi32>,
      %swap3A_62 = vector.shape_cast %swap3A_61 : vector<16xi32> to vector<16xi32>
      %swap3A_63 = vector.shape_cast %add3A_59 : vector<16xi32> to vector<16xi32>
      tpu.vector_store %arg7[%swap3A_60], %swap3A_63 {strides = array<i32>} : memref<128xi32, #tpu.memory_space<vmem>>, vector<16xi32>,
      %get3A_64 = arith.constant 1 : i32
      %get3A_65 = arith.index_cast %get3A_64 : i32 to index
      %get3A_66 = arith.constant 32 : index
      %get3A_67 = tpu.vector_load %arg5[%get3A_65, %get3A_66] {strides = array<i32>} : memref<3x128xi32, #tpu.memory_space<vmem>>, vector<1x16xi32>,
      %get3A_68 = vector.shape_cast %get3A_67 : vector<1x16xi32> to vector<16xi32>
      %mul3A_69 = arith.constant 10000 : i32
      %mul3A_70 = vector.broadcast %mul3A_69 : i32 to vector<16xi32>
      %mul3A_71 = arith.muli %get3A_68, %mul3A_70 : vector<16xi32>
      %get3A_72 = arith.constant 0 : i32
      %get3A_73 = arith.index_cast %get3A_72 : i32 to index
      %get3A_74 = arith.constant 32 : index
      %get3A_75 = tpu.vector_load %arg5[%get3A_73, %get3A_74] {strides = array<i32>} : memref<3x128xi32, #tpu.memory_space<vmem>>, vector<1x16xi32>,
      %get3A_76 = vector.shape_cast %get3A_75 : vector<1x16xi32> to vector<16xi32>
      %add3A_77 = arith.addi %mul3A_71, %get3A_76 : vector<16xi32>
      %swap3A_78 = arith.constant 32 : index
      %swap3A_79 = tpu.vector_load %arg7[%swap3A_78] {strides = array<i32>} : memref<128xi32, #tpu.memory_space<vmem>>, vector<16xi32>,
      %swap3A_80 = vector.shape_cast %swap3A_79 : vector<16xi32> to vector<16xi32>
      %swap3A_81 = vector.shape_cast %add3A_77 : vector<16xi32> to vector<16xi32>
      tpu.vector_store %arg7[%swap3A_78], %swap3A_81 {strides = array<i32>} : memref<128xi32, #tpu.memory_space<vmem>>, vector<16xi32>,
      %get3A_82 = arith.constant 1 : i32
      %get3A_83 = arith.index_cast %get3A_82 : i32 to index
      %get3A_84 = arith.constant 48 : index
      %get3A_85 = tpu.vector_load %arg5[%get3A_83, %get3A_84] {strides = array<i32>} : memref<3x128xi32, #tpu.memory_space<vmem>>, vector<1x16xi32>,
      %get3A_86 = vector.shape_cast %get3A_85 : vector<1x16xi32> to vector<16xi32>
      %mul3A_87 = arith.constant 10000 : i32
      %mul3A_88 = vector.broadcast %mul3A_87 : i32 to vector<16xi32>
      %mul3A_89 = arith.muli %get3A_86, %mul3A_88 : vector<16xi32>
      %get3A_90 = arith.constant 0 : i32
      %get3A_91 = arith.index_cast %get3A_90 : i32 to index
      %get3A_92 = arith.constant 48 : index
      %get3A_93 = tpu.vector_load %arg5[%get3A_91, %get3A_92] {strides = array<i32>} : memref<3x128xi32, #tpu.memory_space<vmem>>, vector<1x16xi32>,
      %get3A_94 = vector.shape_cast %get3A_93 : vector<1x16xi32> to vector<16xi32>
      %add3A_95 = arith.addi %mul3A_89, %get3A_94 : vector<16xi32>
      %swap3A_96 = arith.constant 48 : index
      %swap3A_97 = tpu.vector_load %arg7[%swap3A_96] {strides = array<i32>} : memref<128xi32, #tpu.memory_space<vmem>>, vector<16xi32>,
      %swap3A_98 = vector.shape_cast %swap3A_97 : vector<16xi32> to vector<16xi32>
      %swap3A_99 = vector.shape_cast %add3A_95 : vector<16xi32> to vector<16xi32>
      tpu.vector_store %arg7[%swap3A_96], %swap3A_99 {strides = array<i32>} : memref<128xi32, #tpu.memory_space<vmem>>, vector<16xi32>,
      %get3A_100 = arith.constant 1 : i32
      %get3A_101 = arith.index_cast %get3A_100 : i32 to index
      %get3A_102 = arith.constant 64 : index
      %get3A_103 = tpu.vector_load %arg5[%get3A_101, %get3A_102] {strides = array<i32>} : memref<3x128xi32, #tpu.memory_space<vmem>>, vector<1x16xi32>,
      %get3A_104 = vector.shape_cast %get3A_103 : vector<1x16xi32> to vector<16xi32>
      %mul3A_105 = arith.constant 10000 : i32
      %mul3A_106 = vector.broadcast %mul3A_105 : i32 to vector<16xi32>
      %mul3A_107 = arith.muli %get3A_104, %mul3A_106 : vector<16xi32>
      %get3A_108 = arith.constant 0 : i32
      %get3A_109 = arith.index_cast %get3A_108 : i32 to index
      %get3A_110 = arith.constant 64 : index
      %get3A_111 = tpu.vector_load %arg5[%get3A_109, %get3A_110] {strides = array<i32>} : memref<3x128xi32, #tpu.memory_space<vmem>>, vector<1x16xi32>,
      %get3A_112 = vector.shape_cast %get3A_111 : vector<1x16xi32> to vector<16xi32>
      %add3A_113 = arith.addi %mul3A_107, %get3A_112 : vector<16xi32>
      %swap3A_114 = arith.constant 64 : index
      %swap3A_115 = tpu.vector_load %arg7[%swap3A_114] {strides = array<i32>} : memref<128xi32, #tpu.memory_space<vmem>>, vector<16xi32>,
      %swap3A_116 = vector.shape_cast %swap3A_115 : vector<16xi32> to vector<16xi32>
      %swap3A_117 = vector.shape_cast %add3A_113 : vector<16xi32> to vector<16xi32>
      tpu.vector_store %arg7[%swap3A_114], %swap3A_117 {strides = array<i32>} : memref<128xi32, #tpu.memory_space<vmem>>, vector<16xi32>,
      %get3A_118 = arith.constant 1 : i32
      %get3A_119 = arith.index_cast %get3A_118 : i32 to index
      %get3A_120 = arith.constant 80 : index
      %get3A_121 = tpu.vector_load %arg5[%get3A_119, %get3A_120] {strides = array<i32>} : memref<3x128xi32, #tpu.memory_space<vmem>>, vector<1x16xi32>,
      %get3A_122 = vector.shape_cast %get3A_121 : vector<1x16xi32> to vector<16xi32>
      %mul3A_123 = arith.constant 10000 : i32
      %mul3A_124 = vector.broadcast %mul3A_123 : i32 to vector<16xi32>
      %mul3A_125 = arith.muli %get3A_122, %mul3A_124 : vector<16xi32>
      %get3A_126 = arith.constant 0 : i32
      %get3A_127 = arith.index_cast %get3A_126 : i32 to index
      %get3A_128 = arith.constant 80 : index
      %get3A_129 = tpu.vector_load %arg5[%get3A_127, %get3A_128] {strides = array<i32>} : memref<3x128xi32, #tpu.memory_space<vmem>>, vector<1x16xi32>,
      %get3A_130 = vector.shape_cast %get3A_129 : vector<1x16xi32> to vector<16xi32>
      %add3A_131 = arith.addi %mul3A_125, %get3A_130 : vector<16xi32>
      %swap3A_132 = arith.constant 80 : index
      %swap3A_133 = tpu.vector_load %arg7[%swap3A_132] {strides = array<i32>} : memref<128xi32, #tpu.memory_space<vmem>>, vector<16xi32>,
      %swap3A_134 = vector.shape_cast %swap3A_133 : vector<16xi32> to vector<16xi32>
      %swap3A_135 = vector.shape_cast %add3A_131 : vector<16xi32> to vector<16xi32>
      tpu.vector_store %arg7[%swap3A_132], %swap3A_135 {strides = array<i32>} : memref<128xi32, #tpu.memory_space<vmem>>, vector<16xi32>,
      %get3A_136 = arith.constant 1 : i32
      %get3A_137 = arith.index_cast %get3A_136 : i32 to index
      %get3A_138 = arith.constant 96 : index
      %get3A_139 = tpu.vector_load %arg5[%get3A_137, %get3A_138] {strides = array<i32>} : memref<3x128xi32, #tpu.memory_space<vmem>>, vector<1x16xi32>,
      %get3A_140 = vector.shape_cast %get3A_139 : vector<1x16xi32> to vector<16xi32>
      %mul3A_141 = arith.constant 10000 : i32
      %mul3A_142 = vector.broadcast %mul3A_141 : i32 to vector<16xi32>
      %mul3A_143 = arith.muli %get3A_140, %mul3A_142 : vector<16xi32>
      %get3A_144 = arith.constant 0 : i32
      %get3A_145 = arith.index_cast %get3A_144 : i32 to index
      %get3A_146 = arith.constant 96 : index
      %get3A_147 = tpu.vector_load %arg5[%get3A_145, %get3A_146] {strides = array<i32>} : memref<3x128xi32, #tpu.memory_space<vmem>>, vector<1x16xi32>,
      %get3A_148 = vector.shape_cast %get3A_147 : vector<1x16xi32> to vector<16xi32>
      %add3A_149 = arith.addi %mul3A_143, %get3A_148 : vector<16xi32>
      %swap3A_150 = arith.constant 96 : index
      %swap3A_151 = tpu.vector_load %arg7[%swap3A_150] {strides = array<i32>} : memref<128xi32, #tpu.memory_space<vmem>>, vector<16xi32>,
      %swap3A_152 = vector.shape_cast %swap3A_151 : vector<16xi32> to vector<16xi32>
      %swap3A_153 = vector.shape_cast %add3A_149 : vector<16xi32> to vector<16xi32>
      tpu.vector_store %arg7[%swap3A_150], %swap3A_153 {strides = array<i32>} : memref<128xi32, #tpu.memory_space<vmem>>, vector<16xi32>,
      %get3A_154 = arith.constant 1 : i32
      %get3A_155 = arith.index_cast %get3A_154 : i32 to index
      %get3A_156 = arith.constant 112 : index
      %get3A_157 = tpu.vector_load %arg5[%get3A_155, %get3A_156] {strides = array<i32>} : memref<3x128xi32, #tpu.memory_space<vmem>>, vector<1x16xi32>,
      %get3A_158 = vector.shape_cast %get3A_157 : vector<1x16xi32> to vector<16xi32>
      %mul3A_159 = arith.constant 10000 : i32
      %mul3A_160 = vector.broadcast %mul3A_159 : i32 to vector<16xi32>
      %mul3A_161 = arith.muli %get3A_158, %mul3A_160 : vector<16xi32>
      %get3A_162 = arith.constant 0 : i32
      %get3A_163 = arith.index_cast %get3A_162 : i32 to index
      %get3A_164 = arith.constant 112 : index
      %get3A_165 = tpu.vector_load %arg5[%get3A_163, %get3A_164] {strides = array<i32>} : memref<3x128xi32, #tpu.memory_space<vmem>>, vector<1x16xi32>,
      %get3A_166 = vector.shape_cast %get3A_165 : vector<1x16xi32> to vector<16xi32>
      %add3A_167 = arith.addi %mul3A_161, %get3A_166 : vector<16xi32>
      %swap3A_168 = arith.constant 112 : index
      %swap3A_169 = tpu.vector_load %arg7[%swap3A_168] {strides = array<i32>} : memref<128xi32, #tpu.memory_space<vmem>>, vector<16xi32>,
      %swap3A_170 = vector.shape_cast %swap3A_169 : vector<16xi32> to vector<16xi32>
      %swap3A_171 = vector.shape_cast %add3A_167 : vector<16xi32> to vector<16xi32>
      tpu.vector_store %arg7[%swap3A_168], %swap3A_171 {strides = array<i32>} : memref<128xi32, #tpu.memory_space<vmem>>, vector<16xi32>,
    } else {
    }
    %scan3A_20 = arith.constant 0 : i32
    %scan3A_21 = arith.constant 0 : i32
    %scan3A_22 = arith.constant 40 : i32
    %scan3A_23 = arith.addi %scan3A_21, %scan3A_22 : i32
    %scan3A_24 = arith.constant 1 : i32
    scf.for %scan3A_30 = %scan3A_21 to %scan3A_23 step %scan3A_24  : i32 {
      %mul3A_31 = arith.constant 2 : i32
      %mul3A_32 = arith.muli %mul3A_31, %scan3A_30 : i32
      %add3A_33 = arith.constant 0 : i32
      %add3A_34 = arith.addi %mul3A_32, %add3A_33 : i32
      %mul3A_35 = arith.constant 32 : i32
      %mul3A_36 = arith.muli %add3A_34, %mul3A_35 : i32
      %add3A_37 = arith.addi %mul3A_36, %add3A : i32
      %add3A_38 = arith.constant 32 : i32
      %add3A_39 = arith.addi %add3A_37, %add3A_38 : i32
      %lt3A_40 = arith.constant 2500 : i32
      %lt3A_41 = arith.cmpi slt, %add3A_39, %lt3A_40 : i32
      %convert_element_type3A_42 = arith.extui %lt3A_41 : i1 to i32
      %cond3A_43 = arith.constant 0 : i32
      %cond3A_44 = arith.cmpi ne, %convert_element_type3A_42, %cond3A_43 : i32
      scf.if %cond3A_44 {
        %dma_start3A = arith.constant 0 : i32
        %dma_start3A_73 = arith.constant 0 : i32
        %dma_start3A_74 = tpu.memref_slice %arg3[%add3A_39, %dma_start3A, %dma_start3A_73] : memref<2500x3x128xi32, #tpu.memory_space<hbm>> -> memref<1x3x128xi32, #tpu.memory_space<hbm>>
        %dma_start3A_75 = tpu.memref_squeeze %dma_start3A_74 : memref<1x3x128xi32, #tpu.memory_space<hbm>> -> memref<3x128xi32, #tpu.memory_space<hbm>>
        %dma_start3A_76 = arith.constant 0 : i32
        %dma_start3A_77 = arith.constant 0 : i32
        %dma_start3A_78 = tpu.memref_slice %arg3[%add3A_39, %dma_start3A_76, %dma_start3A_77] : memref<2500x3x128xi32, #tpu.memory_space<hbm>> -> memref<1x3x128xi32, #tpu.memory_space<hbm>>
        %dma_start3A_79 = tpu.memref_squeeze %dma_start3A_78 : memref<1x3x128xi32, #tpu.memory_space<hbm>> -> memref<3x128xi32, #tpu.memory_space<hbm>>
        tpu.enqueue_dma source(%dma_start3A_79 : memref<3x128xi32, #tpu.memory_space<hbm>>) target(%arg6 : memref<3x128xi32, #tpu.memory_space<vmem>>) target_semaphore(%arg12 : memref<!tpu.dma_semaphore, #tpu.memory_space<semaphore_mem>>)
        %dma_start3A_80 = arith.constant 0 : i32
        %dma_start3A_81 = arith.constant 0 : i32
        %dma_start3A_82 = tpu.memref_slice %arg2[%dma_start3A_80, %dma_start3A_81] : memref<270000x128xf32, #tpu.memory_space<hbm>> -> memref<270000x128xf32, #tpu.memory_space<hbm>>
        tpu.enqueue_indirect_dma source(%dma_start3A_82 : memref<270000x128xf32, #tpu.memory_space<hbm>>) target(%arg9 : memref<128x128xf32, #tpu.memory_space<vmem>>) offsets(%arg7 : memref<128xi32, #tpu.memory_space<vmem>>) semaphore(%arg11 : memref<!tpu.dma_semaphore, #tpu.memory_space<semaphore_mem>>)
        %dma_wait3A = arith.constant 0 : i32
        %dma_wait3A_83 = arith.constant 0 : i32
        %dma_wait3A_84 = tpu.memref_slice %arg2[%dma_wait3A, %dma_wait3A_83] : memref<270000x128xf32, #tpu.memory_space<hbm>> -> memref<270000x128xf32, #tpu.memory_space<hbm>>
        tpu.wait_indirect_dma semaphore(%arg11 : memref<!tpu.dma_semaphore, #tpu.memory_space<semaphore_mem>>) src(%dma_wait3A_84 : memref<270000x128xf32, #tpu.memory_space<hbm>>) dst(%arg9 : memref<128x128xf32, #tpu.memory_space<vmem>>)
        %run_scoped3A = arith.constant 2 : i32
        "tpu.region"() ({
          %run_scoped3A_235 = tpu.sem_alloc : memref<!tpu.dma_semaphore, #tpu.memory_space<semaphore_mem>>
          %dma_start3A_236 = arith.constant 0 : i32
          %dma_start3A_237 = tpu.memref_slice %arg5[%run_scoped3A, %dma_start3A_236] : memref<3x128xi32, #tpu.memory_space<vmem>> -> memref<1x128xi32, #tpu.memory_space<vmem>>
          %dma_start3A_238 = tpu.memref_squeeze %dma_start3A_237 : memref<1x128xi32, #tpu.memory_space<vmem>> -> memref<128xi32, #tpu.memory_space<vmem>>
          %dma_start3A_239 = arith.constant 0 : i32
          %dma_start3A_240 = arith.constant 0 : i32
          %dma_start3A_241 = tpu.memref_slice %arg10[%dma_start3A_239, %dma_start3A_240] : memref<10112x128xf32, #tpu.memory_space<vmem_shared>> -> memref<10112x128xf32, #tpu.memory_space<vmem_shared>>
          tpu.enqueue_indirect_dma source(%arg9 : memref<128x128xf32, #tpu.memory_space<vmem>>) target(%dma_start3A_241 : memref<10112x128xf32, #tpu.memory_space<vmem_shared>>) offsets(%dma_start3A_238 : memref<128xi32, #tpu.memory_space<vmem>>) semaphore(%run_scoped3A_235 : memref<!tpu.dma_semaphore, #tpu.memory_space<semaphore_mem>>) {add = true}
          %dma_wait3A_242 = arith.constant 0 : i32
          %dma_wait3A_243 = tpu.memref_slice %arg5[%run_scoped3A, %dma_wait3A_242] : memref<3x128xi32, #tpu.memory_space<vmem>> -> memref<1x128xi32, #tpu.memory_space<vmem>>
          %dma_wait3A_244 = tpu.memref_squeeze %dma_wait3A_243 : memref<1x128xi32, #tpu.memory_space<vmem>> -> memref<128xi32, #tpu.memory_space<vmem>>
          %dma_wait3A_245 = arith.constant 0 : i32
          %dma_wait3A_246 = arith.constant 0 : i32
          %dma_wait3A_247 = tpu.memref_slice %arg10[%dma_wait3A_245, %dma_wait3A_246] : memref<10112x128xf32, #tpu.memory_space<vmem_shared>> -> memref<10112x128xf32, #tpu.memory_space<vmem_shared>>
          tpu.wait_indirect_dma semaphore(%run_scoped3A_235 : memref<!tpu.dma_semaphore, #tpu.memory_space<semaphore_mem>>) src(%arg9 : memref<128x128xf32, #tpu.memory_space<vmem>>) dst(%dma_wait3A_247 : memref<10112x128xf32, #tpu.memory_space<vmem_shared>>)
          tpu.yield
        }) : () -> ()
        %dma_wait3A_85 = arith.constant 0 : i32
        %dma_wait3A_86 = arith.constant 0 : i32
        %dma_wait3A_87 = tpu.memref_slice %arg3[%add3A_39, %dma_wait3A_85, %dma_wait3A_86] : memref<2500x3x128xi32, #tpu.memory_space<hbm>> -> memref<1x3x128xi32, #tpu.memory_space<hbm>>
        %dma_wait3A_88 = tpu.memref_squeeze %dma_wait3A_87 : memref<1x3x128xi32, #tpu.memory_space<hbm>> -> memref<3x128xi32, #tpu.memory_space<hbm>>
        %dma_wait3A_89 = arith.constant 0 : i32
        %dma_wait3A_90 = arith.constant 0 : i32
        %dma_wait3A_91 = tpu.memref_slice %arg3[%add3A_39, %dma_wait3A_89, %dma_wait3A_90] : memref<2500x3x128xi32, #tpu.memory_space<hbm>> -> memref<1x3x128xi32, #tpu.memory_space<hbm>>
        %dma_wait3A_92 = tpu.memref_squeeze %dma_wait3A_91 : memref<1x3x128xi32, #tpu.memory_space<hbm>> -> memref<3x128xi32, #tpu.memory_space<hbm>>
        tpu.wait_dma2 semaphore(%arg12 : memref<!tpu.dma_semaphore, #tpu.memory_space<semaphore_mem>>) src(%dma_wait3A_92 : memref<3x128xi32, #tpu.memory_space<hbm>>) dst(%arg6 : memref<3x128xi32, #tpu.memory_space<vmem>>)
        %get3A = arith.constant 1 : i32
        %get3A_93 = arith.index_cast %get3A : i32 to index
        %get3A_94 = arith.constant 0 : index
        %get3A_95 = tpu.vector_load %arg6[%get3A_93, %get3A_94] {strides = array<i32>} : memref<3x128xi32, #tpu.memory_space<vmem>>, vector<1x16xi32>,
        %get3A_96 = vector.shape_cast %get3A_95 : vector<1x16xi32> to vector<16xi32>
        %mul3A_97 = arith.constant 10000 : i32
        %mul3A_98 = vector.broadcast %mul3A_97 : i32 to vector<16xi32>
        %mul3A_99 = arith.muli %get3A_96, %mul3A_98 : vector<16xi32>
        %get3A_100 = arith.constant 0 : i32
        %get3A_101 = arith.index_cast %get3A_100 : i32 to index
        %get3A_102 = arith.constant 0 : index
        %get3A_103 = tpu.vector_load %arg6[%get3A_101, %get3A_102] {strides = array<i32>} : memref<3x128xi32, #tpu.memory_space<vmem>>, vector<1x16xi32>,
        %get3A_104 = vector.shape_cast %get3A_103 : vector<1x16xi32> to vector<16xi32>
        %add3A_105 = arith.addi %mul3A_99, %get3A_104 : vector<16xi32>
        %swap3A = arith.constant 0 : index
        %swap3A_106 = tpu.vector_load %arg8[%swap3A] {strides = array<i32>} : memref<128xi32, #tpu.memory_space<vmem>>, vector<16xi32>,
        %swap3A_107 = vector.shape_cast %swap3A_106 : vector<16xi32> to vector<16xi32>
        %swap3A_108 = vector.shape_cast %add3A_105 : vector<16xi32> to vector<16xi32>
        tpu.vector_store %arg8[%swap3A], %swap3A_108 {strides = array<i32>} : memref<128xi32, #tpu.memory_space<vmem>>, vector<16xi32>,
        %get3A_109 = arith.constant 1 : i32
        %get3A_110 = arith.index_cast %get3A_109 : i32 to index
        %get3A_111 = arith.constant 16 : index
        %get3A_112 = tpu.vector_load %arg6[%get3A_110, %get3A_111] {strides = array<i32>} : memref<3x128xi32, #tpu.memory_space<vmem>>, vector<1x16xi32>,
        %get3A_113 = vector.shape_cast %get3A_112 : vector<1x16xi32> to vector<16xi32>
        %mul3A_114 = arith.constant 10000 : i32
        %mul3A_115 = vector.broadcast %mul3A_114 : i32 to vector<16xi32>
        %mul3A_116 = arith.muli %get3A_113, %mul3A_115 : vector<16xi32>
        %get3A_117 = arith.constant 0 : i32
        %get3A_118 = arith.index_cast %get3A_117 : i32 to index
        %get3A_119 = arith.constant 16 : index
        %get3A_120 = tpu.vector_load %arg6[%get3A_118, %get3A_119] {strides = array<i32>} : memref<3x128xi32, #tpu.memory_space<vmem>>, vector<1x16xi32>,
        %get3A_121 = vector.shape_cast %get3A_120 : vector<1x16xi32> to vector<16xi32>
        %add3A_122 = arith.addi %mul3A_116, %get3A_121 : vector<16xi32>
        %swap3A_123 = arith.constant 16 : index
        %swap3A_124 = tpu.vector_load %arg8[%swap3A_123] {strides = array<i32>} : memref<128xi32, #tpu.memory_space<vmem>>, vector<16xi32>,
        %swap3A_125 = vector.shape_cast %swap3A_124 : vector<16xi32> to vector<16xi32>
        %swap3A_126 = vector.shape_cast %add3A_122 : vector<16xi32> to vector<16xi32>
        tpu.vector_store %arg8[%swap3A_123], %swap3A_126 {strides = array<i32>} : memref<128xi32, #tpu.memory_space<vmem>>, vector<16xi32>,
        %get3A_127 = arith.constant 1 : i32
        %get3A_128 = arith.index_cast %get3A_127 : i32 to index
        %get3A_129 = arith.constant 32 : index
        %get3A_130 = tpu.vector_load %arg6[%get3A_128, %get3A_129] {strides = array<i32>} : memref<3x128xi32, #tpu.memory_space<vmem>>, vector<1x16xi32>,
        %get3A_131 = vector.shape_cast %get3A_130 : vector<1x16xi32> to vector<16xi32>
        %mul3A_132 = arith.constant 10000 : i32
        %mul3A_133 = vector.broadcast %mul3A_132 : i32 to vector<16xi32>
        %mul3A_134 = arith.muli %get3A_131, %mul3A_133 : vector<16xi32>
        %get3A_135 = arith.constant 0 : i32
        %get3A_136 = arith.index_cast %get3A_135 : i32 to index
        %get3A_137 = arith.constant 32 : index
        %get3A_138 = tpu.vector_load %arg6[%get3A_136, %get3A_137] {strides = array<i32>} : memref<3x128xi32, #tpu.memory_space<vmem>>, vector<1x16xi32>,
        %get3A_139 = vector.shape_cast %get3A_138 : vector<1x16xi32> to vector<16xi32>
        %add3A_140 = arith.addi %mul3A_134, %get3A_139 : vector<16xi32>
        %swap3A_141 = arith.constant 32 : index
        %swap3A_142 = tpu.vector_load %arg8[%swap3A_141] {strides = array<i32>} : memref<128xi32, #tpu.memory_space<vmem>>, vector<16xi32>,
        %swap3A_143 = vector.shape_cast %swap3A_142 : vector<16xi32> to vector<16xi32>
        %swap3A_144 = vector.shape_cast %add3A_140 : vector<16xi32> to vector<16xi32>
        tpu.vector_store %arg8[%swap3A_141], %swap3A_144 {strides = array<i32>} : memref<128xi32, #tpu.memory_space<vmem>>, vector<16xi32>,
        %get3A_145 = arith.constant 1 : i32
        %get3A_146 = arith.index_cast %get3A_145 : i32 to index
        %get3A_147 = arith.constant 48 : index
        %get3A_148 = tpu.vector_load %arg6[%get3A_146, %get3A_147] {strides = array<i32>} : memref<3x128xi32, #tpu.memory_space<vmem>>, vector<1x16xi32>,
        %get3A_149 = vector.shape_cast %get3A_148 : vector<1x16xi32> to vector<16xi32>
        %mul3A_150 = arith.constant 10000 : i32
        %mul3A_151 = vector.broadcast %mul3A_150 : i32 to vector<16xi32>
        %mul3A_152 = arith.muli %get3A_149, %mul3A_151 : vector<16xi32>
        %get3A_153 = arith.constant 0 : i32
        %get3A_154 = arith.index_cast %get3A_153 : i32 to index
        %get3A_155 = arith.constant 48 : index
        %get3A_156 = tpu.vector_load %arg6[%get3A_154, %get3A_155] {strides = array<i32>} : memref<3x128xi32, #tpu.memory_space<vmem>>, vector<1x16xi32>,
        %get3A_157 = vector.shape_cast %get3A_156 : vector<1x16xi32> to vector<16xi32>
        %add3A_158 = arith.addi %mul3A_152, %get3A_157 : vector<16xi32>
        %swap3A_159 = arith.constant 48 : index
        %swap3A_160 = tpu.vector_load %arg8[%swap3A_159] {strides = array<i32>} : memref<128xi32, #tpu.memory_space<vmem>>, vector<16xi32>,
        %swap3A_161 = vector.shape_cast %swap3A_160 : vector<16xi32> to vector<16xi32>
        %swap3A_162 = vector.shape_cast %add3A_158 : vector<16xi32> to vector<16xi32>
        tpu.vector_store %arg8[%swap3A_159], %swap3A_162 {strides = array<i32>} : memref<128xi32, #tpu.memory_space<vmem>>, vector<16xi32>,
        %get3A_163 = arith.constant 1 : i32
        %get3A_164 = arith.index_cast %get3A_163 : i32 to index
        %get3A_165 = arith.constant 64 : index
        %get3A_166 = tpu.vector_load %arg6[%get3A_164, %get3A_165] {strides = array<i32>} : memref<3x128xi32, #tpu.memory_space<vmem>>, vector<1x16xi32>,
        %get3A_167 = vector.shape_cast %get3A_166 : vector<1x16xi32> to vector<16xi32>
        %mul3A_168 = arith.constant 10000 : i32
        %mul3A_169 = vector.broadcast %mul3A_168 : i32 to vector<16xi32>
        %mul3A_170 = arith.muli %get3A_167, %mul3A_169 : vector<16xi32>
        %get3A_171 = arith.constant 0 : i32
        %get3A_172 = arith.index_cast %get3A_171 : i32 to index
        %get3A_173 = arith.constant 64 : index
        %get3A_174 = tpu.vector_load %arg6[%get3A_172, %get3A_173] {strides = array<i32>} : memref<3x128xi32, #tpu.memory_space<vmem>>, vector<1x16xi32>,
        %get3A_175 = vector.shape_cast %get3A_174 : vector<1x16xi32> to vector<16xi32>
        %add3A_176 = arith.addi %mul3A_170, %get3A_175 : vector<16xi32>
        %swap3A_177 = arith.constant 64 : index
        %swap3A_178 = tpu.vector_load %arg8[%swap3A_177] {strides = array<i32>} : memref<128xi32, #tpu.memory_space<vmem>>, vector<16xi32>,
        %swap3A_179 = vector.shape_cast %swap3A_178 : vector<16xi32> to vector<16xi32>
        %swap3A_180 = vector.shape_cast %add3A_176 : vector<16xi32> to vector<16xi32>
        tpu.vector_store %arg8[%swap3A_177], %swap3A_180 {strides = array<i32>} : memref<128xi32, #tpu.memory_space<vmem>>, vector<16xi32>,
        %get3A_181 = arith.constant 1 : i32
        %get3A_182 = arith.index_cast %get3A_181 : i32 to index
        %get3A_183 = arith.constant 80 : index
        %get3A_184 = tpu.vector_load %arg6[%get3A_182, %get3A_183] {strides = array<i32>} : memref<3x128xi32, #tpu.memory_space<vmem>>, vector<1x16xi32>,
        %get3A_185 = vector.shape_cast %get3A_184 : vector<1x16xi32> to vector<16xi32>
        %mul3A_186 = arith.constant 10000 : i32
        %mul3A_187 = vector.broadcast %mul3A_186 : i32 to vector<16xi32>
        %mul3A_188 = arith.muli %get3A_185, %mul3A_187 : vector<16xi32>
        %get3A_189 = arith.constant 0 : i32
        %get3A_190 = arith.index_cast %get3A_189 : i32 to index
        %get3A_191 = arith.constant 80 : index
        %get3A_192 = tpu.vector_load %arg6[%get3A_190, %get3A_191] {strides = array<i32>} : memref<3x128xi32, #tpu.memory_space<vmem>>, vector<1x16xi32>,
        %get3A_193 = vector.shape_cast %get3A_192 : vector<1x16xi32> to vector<16xi32>
        %add3A_194 = arith.addi %mul3A_188, %get3A_193 : vector<16xi32>
        %swap3A_195 = arith.constant 80 : index
        %swap3A_196 = tpu.vector_load %arg8[%swap3A_195] {strides = array<i32>} : memref<128xi32, #tpu.memory_space<vmem>>, vector<16xi32>,
        %swap3A_197 = vector.shape_cast %swap3A_196 : vector<16xi32> to vector<16xi32>
        %swap3A_198 = vector.shape_cast %add3A_194 : vector<16xi32> to vector<16xi32>
        tpu.vector_store %arg8[%swap3A_195], %swap3A_198 {strides = array<i32>} : memref<128xi32, #tpu.memory_space<vmem>>, vector<16xi32>,
        %get3A_199 = arith.constant 1 : i32
        %get3A_200 = arith.index_cast %get3A_199 : i32 to index
        %get3A_201 = arith.constant 96 : index
        %get3A_202 = tpu.vector_load %arg6[%get3A_200, %get3A_201] {strides = array<i32>} : memref<3x128xi32, #tpu.memory_space<vmem>>, vector<1x16xi32>,
        %get3A_203 = vector.shape_cast %get3A_202 : vector<1x16xi32> to vector<16xi32>
        %mul3A_204 = arith.constant 10000 : i32
        %mul3A_205 = vector.broadcast %mul3A_204 : i32 to vector<16xi32>
        %mul3A_206 = arith.muli %get3A_203, %mul3A_205 : vector<16xi32>
        %get3A_207 = arith.constant 0 : i32
        %get3A_208 = arith.index_cast %get3A_207 : i32 to index
        %get3A_209 = arith.constant 96 : index
        %get3A_210 = tpu.vector_load %arg6[%get3A_208, %get3A_209] {strides = array<i32>} : memref<3x128xi32, #tpu.memory_space<vmem>>, vector<1x16xi32>,
        %get3A_211 = vector.shape_cast %get3A_210 : vector<1x16xi32> to vector<16xi32>
        %add3A_212 = arith.addi %mul3A_206, %get3A_211 : vector<16xi32>
        %swap3A_213 = arith.constant 96 : index
        %swap3A_214 = tpu.vector_load %arg8[%swap3A_213] {strides = array<i32>} : memref<128xi32, #tpu.memory_space<vmem>>, vector<16xi32>,
        %swap3A_215 = vector.shape_cast %swap3A_214 : vector<16xi32> to vector<16xi32>
        %swap3A_216 = vector.shape_cast %add3A_212 : vector<16xi32> to vector<16xi32>
        tpu.vector_store %arg8[%swap3A_213], %swap3A_216 {strides = array<i32>} : memref<128xi32, #tpu.memory_space<vmem>>, vector<16xi32>,
        %get3A_217 = arith.constant 1 : i32
        %get3A_218 = arith.index_cast %get3A_217 : i32 to index
        %get3A_219 = arith.constant 112 : index
        %get3A_220 = tpu.vector_load %arg6[%get3A_218, %get3A_219] {strides = array<i32>} : memref<3x128xi32, #tpu.memory_space<vmem>>, vector<1x16xi32>,
        %get3A_221 = vector.shape_cast %get3A_220 : vector<1x16xi32> to vector<16xi32>
        %mul3A_222 = arith.constant 10000 : i32
        %mul3A_223 = vector.broadcast %mul3A_222 : i32 to vector<16xi32>
        %mul3A_224 = arith.muli %get3A_221, %mul3A_223 : vector<16xi32>
        %get3A_225 = arith.constant 0 : i32
        %get3A_226 = arith.index_cast %get3A_225 : i32 to index
        %get3A_227 = arith.constant 112 : index
        %get3A_228 = tpu.vector_load %arg6[%get3A_226, %get3A_227] {strides = array<i32>} : memref<3x128xi32, #tpu.memory_space<vmem>>, vector<1x16xi32>,
        %get3A_229 = vector.shape_cast %get3A_228 : vector<1x16xi32> to vector<16xi32>
        %add3A_230 = arith.addi %mul3A_224, %get3A_229 : vector<16xi32>
        %swap3A_231 = arith.constant 112 : index
        %swap3A_232 = tpu.vector_load %arg8[%swap3A_231] {strides = array<i32>} : memref<128xi32, #tpu.memory_space<vmem>>, vector<16xi32>,
        %swap3A_233 = vector.shape_cast %swap3A_232 : vector<16xi32> to vector<16xi32>
        %swap3A_234 = vector.shape_cast %add3A_230 : vector<16xi32> to vector<16xi32>
        tpu.vector_store %arg8[%swap3A_231], %swap3A_234 {strides = array<i32>} : memref<128xi32, #tpu.memory_space<vmem>>, vector<16xi32>,
      } else {
      }
      %ge3A = arith.constant 2500 : i32
      %ge3A_45 = arith.cmpi sge, %add3A_39, %ge3A : i32
      %lt3A_46 = arith.constant 2500 : i32
      %lt3A_47 = arith.cmpi slt, %add3A_37, %lt3A_46 : i32
      %and3A = arith.andi %ge3A_45, %lt3A_47 : i1
      %convert_element_type3A_48 = arith.extui %and3A : i1 to i32
      %cond3A_49 = arith.constant 0 : i32
      %cond3A_50 = arith.cmpi ne, %convert_element_type3A_48, %cond3A_49 : i32
      scf.if %cond3A_50 {
        %dma_start3A = arith.constant 0 : i32
        %dma_start3A_73 = arith.constant 0 : i32
        %dma_start3A_74 = tpu.memref_slice %arg2[%dma_start3A, %dma_start3A_73] : memref<270000x128xf32, #tpu.memory_space<hbm>> -> memref<270000x128xf32, #tpu.memory_space<hbm>>
        tpu.enqueue_indirect_dma source(%dma_start3A_74 : memref<270000x128xf32, #tpu.memory_space<hbm>>) target(%arg9 : memref<128x128xf32, #tpu.memory_space<vmem>>) offsets(%arg7 : memref<128xi32, #tpu.memory_space<vmem>>) semaphore(%arg11 : memref<!tpu.dma_semaphore, #tpu.memory_space<semaphore_mem>>)
        %dma_wait3A = arith.constant 0 : i32
        %dma_wait3A_75 = arith.constant 0 : i32
        %dma_wait3A_76 = tpu.memref_slice %arg2[%dma_wait3A, %dma_wait3A_75] : memref<270000x128xf32, #tpu.memory_space<hbm>> -> memref<270000x128xf32, #tpu.memory_space<hbm>>
        tpu.wait_indirect_dma semaphore(%arg11 : memref<!tpu.dma_semaphore, #tpu.memory_space<semaphore_mem>>) src(%dma_wait3A_76 : memref<270000x128xf32, #tpu.memory_space<hbm>>) dst(%arg9 : memref<128x128xf32, #tpu.memory_space<vmem>>)
        %run_scoped3A = arith.constant 2 : i32
        "tpu.region"() ({
          %run_scoped3A_77 = tpu.sem_alloc : memref<!tpu.dma_semaphore, #tpu.memory_space<semaphore_mem>>
          %dma_start3A_78 = arith.constant 0 : i32
          %dma_start3A_79 = tpu.memref_slice %arg5[%run_scoped3A, %dma_start3A_78] : memref<3x128xi32, #tpu.memory_space<vmem>> -> memref<1x128xi32, #tpu.memory_space<vmem>>
          %dma_start3A_80 = tpu.memref_squeeze %dma_start3A_79 : memref<1x128xi32, #tpu.memory_space<vmem>> -> memref<128xi32, #tpu.memory_space<vmem>>
          %dma_start3A_81 = arith.constant 0 : i32
          %dma_start3A_82 = arith.constant 0 : i32
          %dma_start3A_83 = tpu.memref_slice %arg10[%dma_start3A_81, %dma_start3A_82] : memref<10112x128xf32, #tpu.memory_space<vmem_shared>> -> memref<10112x128xf32, #tpu.memory_space<vmem_shared>>
          tpu.enqueue_indirect_dma source(%arg9 : memref<128x128xf32, #tpu.memory_space<vmem>>) target(%dma_start3A_83 : memref<10112x128xf32, #tpu.memory_space<vmem_shared>>) offsets(%dma_start3A_80 : memref<128xi32, #tpu.memory_space<vmem>>) semaphore(%run_scoped3A_77 : memref<!tpu.dma_semaphore, #tpu.memory_space<semaphore_mem>>) {add = true}
          %dma_wait3A_84 = arith.constant 0 : i32
          %dma_wait3A_85 = tpu.memref_slice %arg5[%run_scoped3A, %dma_wait3A_84] : memref<3x128xi32, #tpu.memory_space<vmem>> -> memref<1x128xi32, #tpu.memory_space<vmem>>
          %dma_wait3A_86 = tpu.memref_squeeze %dma_wait3A_85 : memref<1x128xi32, #tpu.memory_space<vmem>> -> memref<128xi32, #tpu.memory_space<vmem>>
          %dma_wait3A_87 = arith.constant 0 : i32
          %dma_wait3A_88 = arith.constant 0 : i32
          %dma_wait3A_89 = tpu.memref_slice %arg10[%dma_wait3A_87, %dma_wait3A_88] : memref<10112x128xf32, #tpu.memory_space<vmem_shared>> -> memref<10112x128xf32, #tpu.memory_space<vmem_shared>>
          tpu.wait_indirect_dma semaphore(%run_scoped3A_77 : memref<!tpu.dma_semaphore, #tpu.memory_space<semaphore_mem>>) src(%arg9 : memref<128x128xf32, #tpu.memory_space<vmem>>) dst(%dma_wait3A_89 : memref<10112x128xf32, #tpu.memory_space<vmem_shared>>)
          tpu.yield
        }) : () -> ()
      } else {
      }
      %mul3A_51 = arith.constant 2 : i32
      %mul3A_52 = arith.muli %mul3A_51, %scan3A_30 : i32
      %add3A_53 = arith.constant 1 : i32
      %add3A_54 = arith.addi %mul3A_52, %add3A_53 : i32
      %mul3A_55 = arith.constant 32 : i32
      %mul3A_56 = arith.muli %add3A_54, %mul3A_55 : i32
      %add3A_57 = arith.addi %mul3A_56, %add3A : i32
      %add3A_58 = arith.constant 32 : i32
      %add3A_59 = arith.addi %add3A_57, %add3A_58 : i32
      %lt3A_60 = arith.constant 2500 : i32
      %lt3A_61 = arith.cmpi slt, %add3A_59, %lt3A_60 : i32
      %convert_element_type3A_62 = arith.extui %lt3A_61 : i1 to i32
      %cond3A_63 = arith.constant 0 : i32
      %cond3A_64 = arith.cmpi ne, %convert_element_type3A_62, %cond3A_63 : i32
      scf.if %cond3A_64 {
        %dma_start3A = arith.constant 0 : i32
        %dma_start3A_73 = arith.constant 0 : i32
        %dma_start3A_74 = tpu.memref_slice %arg3[%add3A_59, %dma_start3A, %dma_start3A_73] : memref<2500x3x128xi32, #tpu.memory_space<hbm>> -> memref<1x3x128xi32, #tpu.memory_space<hbm>>
        %dma_start3A_75 = tpu.memref_squeeze %dma_start3A_74 : memref<1x3x128xi32, #tpu.memory_space<hbm>> -> memref<3x128xi32, #tpu.memory_space<hbm>>
        %dma_start3A_76 = arith.constant 0 : i32
        %dma_start3A_77 = arith.constant 0 : i32
        %dma_start3A_78 = tpu.memref_slice %arg3[%add3A_59, %dma_start3A_76, %dma_start3A_77] : memref<2500x3x128xi32, #tpu.memory_space<hbm>> -> memref<1x3x128xi32, #tpu.memory_space<hbm>>
        %dma_start3A_79 = tpu.memref_squeeze %dma_start3A_78 : memref<1x3x128xi32, #tpu.memory_space<hbm>> -> memref<3x128xi32, #tpu.memory_space<hbm>>
        tpu.enqueue_dma source(%dma_start3A_79 : memref<3x128xi32, #tpu.memory_space<hbm>>) target(%arg5 : memref<3x128xi32, #tpu.memory_space<vmem>>) target_semaphore(%arg12 : memref<!tpu.dma_semaphore, #tpu.memory_space<semaphore_mem>>)
        %dma_start3A_80 = arith.constant 0 : i32
        %dma_start3A_81 = arith.constant 0 : i32
        %dma_start3A_82 = tpu.memref_slice %arg2[%dma_start3A_80, %dma_start3A_81] : memref<270000x128xf32, #tpu.memory_space<hbm>> -> memref<270000x128xf32, #tpu.memory_space<hbm>>
        tpu.enqueue_indirect_dma source(%dma_start3A_82 : memref<270000x128xf32, #tpu.memory_space<hbm>>) target(%arg9 : memref<128x128xf32, #tpu.memory_space<vmem>>) offsets(%arg8 : memref<128xi32, #tpu.memory_space<vmem>>) semaphore(%arg11 : memref<!tpu.dma_semaphore, #tpu.memory_space<semaphore_mem>>)
        %dma_wait3A = arith.constant 0 : i32
        %dma_wait3A_83 = arith.constant 0 : i32
        %dma_wait3A_84 = tpu.memref_slice %arg2[%dma_wait3A, %dma_wait3A_83] : memref<270000x128xf32, #tpu.memory_space<hbm>> -> memref<270000x128xf32, #tpu.memory_space<hbm>>
        tpu.wait_indirect_dma semaphore(%arg11 : memref<!tpu.dma_semaphore, #tpu.memory_space<semaphore_mem>>) src(%dma_wait3A_84 : memref<270000x128xf32, #tpu.memory_space<hbm>>) dst(%arg9 : memref<128x128xf32, #tpu.memory_space<vmem>>)
        %run_scoped3A = arith.constant 2 : i32
        "tpu.region"() ({
          %run_scoped3A_235 = tpu.sem_alloc : memref<!tpu.dma_semaphore, #tpu.memory_space<semaphore_mem>>
          %dma_start3A_236 = arith.constant 0 : i32
          %dma_start3A_237 = tpu.memref_slice %arg6[%run_scoped3A, %dma_start3A_236] : memref<3x128xi32, #tpu.memory_space<vmem>> -> memref<1x128xi32, #tpu.memory_space<vmem>>
          %dma_start3A_238 = tpu.memref_squeeze %dma_start3A_237 : memref<1x128xi32, #tpu.memory_space<vmem>> -> memref<128xi32, #tpu.memory_space<vmem>>
          %dma_start3A_239 = arith.constant 0 : i32
          %dma_start3A_240 = arith.constant 0 : i32
          %dma_start3A_241 = tpu.memref_slice %arg10[%dma_start3A_239, %dma_start3A_240] : memref<10112x128xf32, #tpu.memory_space<vmem_shared>> -> memref<10112x128xf32, #tpu.memory_space<vmem_shared>>
          tpu.enqueue_indirect_dma source(%arg9 : memref<128x128xf32, #tpu.memory_space<vmem>>) target(%dma_start3A_241 : memref<10112x128xf32, #tpu.memory_space<vmem_shared>>) offsets(%dma_start3A_238 : memref<128xi32, #tpu.memory_space<vmem>>) semaphore(%run_scoped3A_235 : memref<!tpu.dma_semaphore, #tpu.memory_space<semaphore_mem>>) {add = true}
          %dma_wait3A_242 = arith.constant 0 : i32
          %dma_wait3A_243 = tpu.memref_slice %arg6[%run_scoped3A, %dma_wait3A_242] : memref<3x128xi32, #tpu.memory_space<vmem>> -> memref<1x128xi32, #tpu.memory_space<vmem>>
          %dma_wait3A_244 = tpu.memref_squeeze %dma_wait3A_243 : memref<1x128xi32, #tpu.memory_space<vmem>> -> memref<128xi32, #tpu.memory_space<vmem>>
          %dma_wait3A_245 = arith.constant 0 : i32
          %dma_wait3A_246 = arith.constant 0 : i32
          %dma_wait3A_247 = tpu.memref_slice %arg10[%dma_wait3A_245, %dma_wait3A_246] : memref<10112x128xf32, #tpu.memory_space<vmem_shared>> -> memref<10112x128xf32, #tpu.memory_space<vmem_shared>>
          tpu.wait_indirect_dma semaphore(%run_scoped3A_235 : memref<!tpu.dma_semaphore, #tpu.memory_space<semaphore_mem>>) src(%arg9 : memref<128x128xf32, #tpu.memory_space<vmem>>) dst(%dma_wait3A_247 : memref<10112x128xf32, #tpu.memory_space<vmem_shared>>)
          tpu.yield
        }) : () -> ()
        %dma_wait3A_85 = arith.constant 0 : i32
        %dma_wait3A_86 = arith.constant 0 : i32
        %dma_wait3A_87 = tpu.memref_slice %arg3[%add3A_59, %dma_wait3A_85, %dma_wait3A_86] : memref<2500x3x128xi32, #tpu.memory_space<hbm>> -> memref<1x3x128xi32, #tpu.memory_space<hbm>>
        %dma_wait3A_88 = tpu.memref_squeeze %dma_wait3A_87 : memref<1x3x128xi32, #tpu.memory_space<hbm>> -> memref<3x128xi32, #tpu.memory_space<hbm>>
        %dma_wait3A_89 = arith.constant 0 : i32
        %dma_wait3A_90 = arith.constant 0 : i32
        %dma_wait3A_91 = tpu.memref_slice %arg3[%add3A_59, %dma_wait3A_89, %dma_wait3A_90] : memref<2500x3x128xi32, #tpu.memory_space<hbm>> -> memref<1x3x128xi32, #tpu.memory_space<hbm>>
        %dma_wait3A_92 = tpu.memref_squeeze %dma_wait3A_91 : memref<1x3x128xi32, #tpu.memory_space<hbm>> -> memref<3x128xi32, #tpu.memory_space<hbm>>
        tpu.wait_dma2 semaphore(%arg12 : memref<!tpu.dma_semaphore, #tpu.memory_space<semaphore_mem>>) src(%dma_wait3A_92 : memref<3x128xi32, #tpu.memory_space<hbm>>) dst(%arg5 : memref<3x128xi32, #tpu.memory_space<vmem>>)
        %get3A = arith.constant 1 : i32
        %get3A_93 = arith.index_cast %get3A : i32 to index
        %get3A_94 = arith.constant 0 : index
        %get3A_95 = tpu.vector_load %arg5[%get3A_93, %get3A_94] {strides = array<i32>} : memref<3x128xi32, #tpu.memory_space<vmem>>, vector<1x16xi32>,
        %get3A_96 = vector.shape_cast %get3A_95 : vector<1x16xi32> to vector<16xi32>
        %mul3A_97 = arith.constant 10000 : i32
        %mul3A_98 = vector.broadcast %mul3A_97 : i32 to vector<16xi32>
        %mul3A_99 = arith.muli %get3A_96, %mul3A_98 : vector<16xi32>
        %get3A_100 = arith.constant 0 : i32
        %get3A_101 = arith.index_cast %get3A_100 : i32 to index
        %get3A_102 = arith.constant 0 : index
        %get3A_103 = tpu.vector_load %arg5[%get3A_101, %get3A_102] {strides = array<i32>} : memref<3x128xi32, #tpu.memory_space<vmem>>, vector<1x16xi32>,
        %get3A_104 = vector.shape_cast %get3A_103 : vector<1x16xi32> to vector<16xi32>
        %add3A_105 = arith.addi %mul3A_99, %get3A_104 : vector<16xi32>
        %swap3A = arith.constant 0 : index
        %swap3A_106 = tpu.vector_load %arg7[%swap3A] {strides = array<i32>} : memref<128xi32, #tpu.memory_space<vmem>>, vector<16xi32>,
        %swap3A_107 = vector.shape_cast %swap3A_106 : vector<16xi32> to vector<16xi32>
        %swap3A_108 = vector.shape_cast %add3A_105 : vector<16xi32> to vector<16xi32>
        tpu.vector_store %arg7[%swap3A], %swap3A_108 {strides = array<i32>} : memref<128xi32, #tpu.memory_space<vmem>>, vector<16xi32>,
        %get3A_109 = arith.constant 1 : i32
        %get3A_110 = arith.index_cast %get3A_109 : i32 to index
        %get3A_111 = arith.constant 16 : index
        %get3A_112 = tpu.vector_load %arg5[%get3A_110, %get3A_111] {strides = array<i32>} : memref<3x128xi32, #tpu.memory_space<vmem>>, vector<1x16xi32>,
        %get3A_113 = vector.shape_cast %get3A_112 : vector<1x16xi32> to vector<16xi32>
        %mul3A_114 = arith.constant 10000 : i32
        %mul3A_115 = vector.broadcast %mul3A_114 : i32 to vector<16xi32>
        %mul3A_116 = arith.muli %get3A_113, %mul3A_115 : vector<16xi32>
        %get3A_117 = arith.constant 0 : i32
        %get3A_118 = arith.index_cast %get3A_117 : i32 to index
        %get3A_119 = arith.constant 16 : index
        %get3A_120 = tpu.vector_load %arg5[%get3A_118, %get3A_119] {strides = array<i32>} : memref<3x128xi32, #tpu.memory_space<vmem>>, vector<1x16xi32>,
        %get3A_121 = vector.shape_cast %get3A_120 : vector<1x16xi32> to vector<16xi32>
        %add3A_122 = arith.addi %mul3A_116, %get3A_121 : vector<16xi32>
        %swap3A_123 = arith.constant 16 : index
        %swap3A_124 = tpu.vector_load %arg7[%swap3A_123] {strides = array<i32>} : memref<128xi32, #tpu.memory_space<vmem>>, vector<16xi32>,
        %swap3A_125 = vector.shape_cast %swap3A_124 : vector<16xi32> to vector<16xi32>
        %swap3A_126 = vector.shape_cast %add3A_122 : vector<16xi32> to vector<16xi32>
        tpu.vector_store %arg7[%swap3A_123], %swap3A_126 {strides = array<i32>} : memref<128xi32, #tpu.memory_space<vmem>>, vector<16xi32>,
        %get3A_127 = arith.constant 1 : i32
        %get3A_128 = arith.index_cast %get3A_127 : i32 to index
        %get3A_129 = arith.constant 32 : index
        %get3A_130 = tpu.vector_load %arg5[%get3A_128, %get3A_129] {strides = array<i32>} : memref<3x128xi32, #tpu.memory_space<vmem>>, vector<1x16xi32>,
        %get3A_131 = vector.shape_cast %get3A_130 : vector<1x16xi32> to vector<16xi32>
        %mul3A_132 = arith.constant 10000 : i32
        %mul3A_133 = vector.broadcast %mul3A_132 : i32 to vector<16xi32>
        %mul3A_134 = arith.muli %get3A_131, %mul3A_133 : vector<16xi32>
        %get3A_135 = arith.constant 0 : i32
        %get3A_136 = arith.index_cast %get3A_135 : i32 to index
        %get3A_137 = arith.constant 32 : index
        %get3A_138 = tpu.vector_load %arg5[%get3A_136, %get3A_137] {strides = array<i32>} : memref<3x128xi32, #tpu.memory_space<vmem>>, vector<1x16xi32>,
        %get3A_139 = vector.shape_cast %get3A_138 : vector<1x16xi32> to vector<16xi32>
        %add3A_140 = arith.addi %mul3A_134, %get3A_139 : vector<16xi32>
        %swap3A_141 = arith.constant 32 : index
        %swap3A_142 = tpu.vector_load %arg7[%swap3A_141] {strides = array<i32>} : memref<128xi32, #tpu.memory_space<vmem>>, vector<16xi32>,
        %swap3A_143 = vector.shape_cast %swap3A_142 : vector<16xi32> to vector<16xi32>
        %swap3A_144 = vector.shape_cast %add3A_140 : vector<16xi32> to vector<16xi32>
        tpu.vector_store %arg7[%swap3A_141], %swap3A_144 {strides = array<i32>} : memref<128xi32, #tpu.memory_space<vmem>>, vector<16xi32>,
        %get3A_145 = arith.constant 1 : i32
        %get3A_146 = arith.index_cast %get3A_145 : i32 to index
        %get3A_147 = arith.constant 48 : index
        %get3A_148 = tpu.vector_load %arg5[%get3A_146, %get3A_147] {strides = array<i32>} : memref<3x128xi32, #tpu.memory_space<vmem>>, vector<1x16xi32>,
        %get3A_149 = vector.shape_cast %get3A_148 : vector<1x16xi32> to vector<16xi32>
        %mul3A_150 = arith.constant 10000 : i32
        %mul3A_151 = vector.broadcast %mul3A_150 : i32 to vector<16xi32>
        %mul3A_152 = arith.muli %get3A_149, %mul3A_151 : vector<16xi32>
        %get3A_153 = arith.constant 0 : i32
        %get3A_154 = arith.index_cast %get3A_153 : i32 to index
        %get3A_155 = arith.constant 48 : index
        %get3A_156 = tpu.vector_load %arg5[%get3A_154, %get3A_155] {strides = array<i32>} : memref<3x128xi32, #tpu.memory_space<vmem>>, vector<1x16xi32>,
        %get3A_157 = vector.shape_cast %get3A_156 : vector<1x16xi32> to vector<16xi32>
        %add3A_158 = arith.addi %mul3A_152, %get3A_157 : vector<16xi32>
        %swap3A_159 = arith.constant 48 : index
        %swap3A_160 = tpu.vector_load %arg7[%swap3A_159] {strides = array<i32>} : memref<128xi32, #tpu.memory_space<vmem>>, vector<16xi32>,
        %swap3A_161 = vector.shape_cast %swap3A_160 : vector<16xi32> to vector<16xi32>
        %swap3A_162 = vector.shape_cast %add3A_158 : vector<16xi32> to vector<16xi32>
        tpu.vector_store %arg7[%swap3A_159], %swap3A_162 {strides = array<i32>} : memref<128xi32, #tpu.memory_space<vmem>>, vector<16xi32>,
        %get3A_163 = arith.constant 1 : i32
        %get3A_164 = arith.index_cast %get3A_163 : i32 to index
        %get3A_165 = arith.constant 64 : index
        %get3A_166 = tpu.vector_load %arg5[%get3A_164, %get3A_165] {strides = array<i32>} : memref<3x128xi32, #tpu.memory_space<vmem>>, vector<1x16xi32>,
        %get3A_167 = vector.shape_cast %get3A_166 : vector<1x16xi32> to vector<16xi32>
        %mul3A_168 = arith.constant 10000 : i32
        %mul3A_169 = vector.broadcast %mul3A_168 : i32 to vector<16xi32>
        %mul3A_170 = arith.muli %get3A_167, %mul3A_169 : vector<16xi32>
        %get3A_171 = arith.constant 0 : i32
        %get3A_172 = arith.index_cast %get3A_171 : i32 to index
        %get3A_173 = arith.constant 64 : index
        %get3A_174 = tpu.vector_load %arg5[%get3A_172, %get3A_173] {strides = array<i32>} : memref<3x128xi32, #tpu.memory_space<vmem>>, vector<1x16xi32>,
        %get3A_175 = vector.shape_cast %get3A_174 : vector<1x16xi32> to vector<16xi32>
        %add3A_176 = arith.addi %mul3A_170, %get3A_175 : vector<16xi32>
        %swap3A_177 = arith.constant 64 : index
        %swap3A_178 = tpu.vector_load %arg7[%swap3A_177] {strides = array<i32>} : memref<128xi32, #tpu.memory_space<vmem>>, vector<16xi32>,
        %swap3A_179 = vector.shape_cast %swap3A_178 : vector<16xi32> to vector<16xi32>
        %swap3A_180 = vector.shape_cast %add3A_176 : vector<16xi32> to vector<16xi32>
        tpu.vector_store %arg7[%swap3A_177], %swap3A_180 {strides = array<i32>} : memref<128xi32, #tpu.memory_space<vmem>>, vector<16xi32>,
        %get3A_181 = arith.constant 1 : i32
        %get3A_182 = arith.index_cast %get3A_181 : i32 to index
        %get3A_183 = arith.constant 80 : index
        %get3A_184 = tpu.vector_load %arg5[%get3A_182, %get3A_183] {strides = array<i32>} : memref<3x128xi32, #tpu.memory_space<vmem>>, vector<1x16xi32>,
        %get3A_185 = vector.shape_cast %get3A_184 : vector<1x16xi32> to vector<16xi32>
        %mul3A_186 = arith.constant 10000 : i32
        %mul3A_187 = vector.broadcast %mul3A_186 : i32 to vector<16xi32>
        %mul3A_188 = arith.muli %get3A_185, %mul3A_187 : vector<16xi32>
        %get3A_189 = arith.constant 0 : i32
        %get3A_190 = arith.index_cast %get3A_189 : i32 to index
        %get3A_191 = arith.constant 80 : index
        %get3A_192 = tpu.vector_load %arg5[%get3A_190, %get3A_191] {strides = array<i32>} : memref<3x128xi32, #tpu.memory_space<vmem>>, vector<1x16xi32>,
        %get3A_193 = vector.shape_cast %get3A_192 : vector<1x16xi32> to vector<16xi32>
        %add3A_194 = arith.addi %mul3A_188, %get3A_193 : vector<16xi32>
        %swap3A_195 = arith.constant 80 : index
        %swap3A_196 = tpu.vector_load %arg7[%swap3A_195] {strides = array<i32>} : memref<128xi32, #tpu.memory_space<vmem>>, vector<16xi32>,
        %swap3A_197 = vector.shape_cast %swap3A_196 : vector<16xi32> to vector<16xi32>
        %swap3A_198 = vector.shape_cast %add3A_194 : vector<16xi32> to vector<16xi32>
        tpu.vector_store %arg7[%swap3A_195], %swap3A_198 {strides = array<i32>} : memref<128xi32, #tpu.memory_space<vmem>>, vector<16xi32>,
        %get3A_199 = arith.constant 1 : i32
        %get3A_200 = arith.index_cast %get3A_199 : i32 to index
        %get3A_201 = arith.constant 96 : index
        %get3A_202 = tpu.vector_load %arg5[%get3A_200, %get3A_201] {strides = array<i32>} : memref<3x128xi32, #tpu.memory_space<vmem>>, vector<1x16xi32>,
        %get3A_203 = vector.shape_cast %get3A_202 : vector<1x16xi32> to vector<16xi32>
        %mul3A_204 = arith.constant 10000 : i32
        %mul3A_205 = vector.broadcast %mul3A_204 : i32 to vector<16xi32>
        %mul3A_206 = arith.muli %get3A_203, %mul3A_205 : vector<16xi32>
        %get3A_207 = arith.constant 0 : i32
        %get3A_208 = arith.index_cast %get3A_207 : i32 to index
        %get3A_209 = arith.constant 96 : index
        %get3A_210 = tpu.vector_load %arg5[%get3A_208, %get3A_209] {strides = array<i32>} : memref<3x128xi32, #tpu.memory_space<vmem>>, vector<1x16xi32>,
        %get3A_211 = vector.shape_cast %get3A_210 : vector<1x16xi32> to vector<16xi32>
        %add3A_212 = arith.addi %mul3A_206, %get3A_211 : vector<16xi32>
        %swap3A_213 = arith.constant 96 : index
        %swap3A_214 = tpu.vector_load %arg7[%swap3A_213] {strides = array<i32>} : memref<128xi32, #tpu.memory_space<vmem>>, vector<16xi32>,
        %swap3A_215 = vector.shape_cast %swap3A_214 : vector<16xi32> to vector<16xi32>
        %swap3A_216 = vector.shape_cast %add3A_212 : vector<16xi32> to vector<16xi32>
        tpu.vector_store %arg7[%swap3A_213], %swap3A_216 {strides = array<i32>} : memref<128xi32, #tpu.memory_space<vmem>>, vector<16xi32>,
        %get3A_217 = arith.constant 1 : i32
        %get3A_218 = arith.index_cast %get3A_217 : i32 to index
        %get3A_219 = arith.constant 112 : index
        %get3A_220 = tpu.vector_load %arg5[%get3A_218, %get3A_219] {strides = array<i32>} : memref<3x128xi32, #tpu.memory_space<vmem>>, vector<1x16xi32>,
        %get3A_221 = vector.shape_cast %get3A_220 : vector<1x16xi32> to vector<16xi32>
        %mul3A_222 = arith.constant 10000 : i32
        %mul3A_223 = vector.broadcast %mul3A_222 : i32 to vector<16xi32>
        %mul3A_224 = arith.muli %get3A_221, %mul3A_223 : vector<16xi32>
        %get3A_225 = arith.constant 0 : i32
        %get3A_226 = arith.index_cast %get3A_225 : i32 to index
        %get3A_227 = arith.constant 112 : index
        %get3A_228 = tpu.vector_load %arg5[%get3A_226, %get3A_227] {strides = array<i32>} : memref<3x128xi32, #tpu.memory_space<vmem>>, vector<1x16xi32>,
        %get3A_229 = vector.shape_cast %get3A_228 : vector<1x16xi32> to vector<16xi32>
        %add3A_230 = arith.addi %mul3A_224, %get3A_229 : vector<16xi32>
        %swap3A_231 = arith.constant 112 : index
        %swap3A_232 = tpu.vector_load %arg7[%swap3A_231] {strides = array<i32>} : memref<128xi32, #tpu.memory_space<vmem>>, vector<16xi32>,
        %swap3A_233 = vector.shape_cast %swap3A_232 : vector<16xi32> to vector<16xi32>
        %swap3A_234 = vector.shape_cast %add3A_230 : vector<16xi32> to vector<16xi32>
        tpu.vector_store %arg7[%swap3A_231], %swap3A_234 {strides = array<i32>} : memref<128xi32, #tpu.memory_space<vmem>>, vector<16xi32>,
      } else {
      }
      %ge3A_65 = arith.constant 2500 : i32
      %ge3A_66 = arith.cmpi sge, %add3A_59, %ge3A_65 : i32
      %lt3A_67 = arith.constant 2500 : i32
      %lt3A_68 = arith.cmpi slt, %add3A_57, %lt3A_67 : i32
      %and3A_69 = arith.andi %ge3A_66, %lt3A_68 : i1
      %convert_element_type3A_70 = arith.extui %and3A_69 : i1 to i32
      %cond3A_71 = arith.constant 0 : i32
      %cond3A_72 = arith.cmpi ne, %convert_element_type3A_70, %cond3A_71 : i32
      scf.if %cond3A_72 {
        %dma_start3A = arith.constant 0 : i32
        %dma_start3A_73 = arith.constant 0 : i32
        %dma_start3A_74 = tpu.memref_slice %arg2[%dma_start3A, %dma_start3A_73] : memref<270000x128xf32, #tpu.memory_space<hbm>> -> memref<270000x128xf32, #tpu.memory_space<hbm>>
        tpu.enqueue_indirect_dma source(%dma_start3A_74 : memref<270000x128xf32, #tpu.memory_space<hbm>>) target(%arg9 : memref<128x128xf32, #tpu.memory_space<vmem>>) offsets(%arg8 : memref<128xi32, #tpu.memory_space<vmem>>) semaphore(%arg11 : memref<!tpu.dma_semaphore, #tpu.memory_space<semaphore_mem>>)
        %dma_wait3A = arith.constant 0 : i32
        %dma_wait3A_75 = arith.constant 0 : i32
        %dma_wait3A_76 = tpu.memref_slice %arg2[%dma_wait3A, %dma_wait3A_75] : memref<270000x128xf32, #tpu.memory_space<hbm>> -> memref<270000x128xf32, #tpu.memory_space<hbm>>
        tpu.wait_indirect_dma semaphore(%arg11 : memref<!tpu.dma_semaphore, #tpu.memory_space<semaphore_mem>>) src(%dma_wait3A_76 : memref<270000x128xf32, #tpu.memory_space<hbm>>) dst(%arg9 : memref<128x128xf32, #tpu.memory_space<vmem>>)
        %run_scoped3A = arith.constant 2 : i32
        "tpu.region"() ({
          %run_scoped3A_77 = tpu.sem_alloc : memref<!tpu.dma_semaphore, #tpu.memory_space<semaphore_mem>>
          %dma_start3A_78 = arith.constant 0 : i32
          %dma_start3A_79 = tpu.memref_slice %arg6[%run_scoped3A, %dma_start3A_78] : memref<3x128xi32, #tpu.memory_space<vmem>> -> memref<1x128xi32, #tpu.memory_space<vmem>>
          %dma_start3A_80 = tpu.memref_squeeze %dma_start3A_79 : memref<1x128xi32, #tpu.memory_space<vmem>> -> memref<128xi32, #tpu.memory_space<vmem>>
          %dma_start3A_81 = arith.constant 0 : i32
          %dma_start3A_82 = arith.constant 0 : i32
          %dma_start3A_83 = tpu.memref_slice %arg10[%dma_start3A_81, %dma_start3A_82] : memref<10112x128xf32, #tpu.memory_space<vmem_shared>> -> memref<10112x128xf32, #tpu.memory_space<vmem_shared>>
          tpu.enqueue_indirect_dma source(%arg9 : memref<128x128xf32, #tpu.memory_space<vmem>>) target(%dma_start3A_83 : memref<10112x128xf32, #tpu.memory_space<vmem_shared>>) offsets(%dma_start3A_80 : memref<128xi32, #tpu.memory_space<vmem>>) semaphore(%run_scoped3A_77 : memref<!tpu.dma_semaphore, #tpu.memory_space<semaphore_mem>>) {add = true}
          %dma_wait3A_84 = arith.constant 0 : i32
          %dma_wait3A_85 = tpu.memref_slice %arg6[%run_scoped3A, %dma_wait3A_84] : memref<3x128xi32, #tpu.memory_space<vmem>> -> memref<1x128xi32, #tpu.memory_space<vmem>>
          %dma_wait3A_86 = tpu.memref_squeeze %dma_wait3A_85 : memref<1x128xi32, #tpu.memory_space<vmem>> -> memref<128xi32, #tpu.memory_space<vmem>>
          %dma_wait3A_87 = arith.constant 0 : i32
          %dma_wait3A_88 = arith.constant 0 : i32
          %dma_wait3A_89 = tpu.memref_slice %arg10[%dma_wait3A_87, %dma_wait3A_88] : memref<10112x128xf32, #tpu.memory_space<vmem_shared>> -> memref<10112x128xf32, #tpu.memory_space<vmem_shared>>
          tpu.wait_indirect_dma semaphore(%run_scoped3A_77 : memref<!tpu.dma_semaphore, #tpu.memory_space<semaphore_mem>>) src(%arg9 : memref<128x128xf32, #tpu.memory_space<vmem>>) dst(%dma_wait3A_89 : memref<10112x128xf32, #tpu.memory_space<vmem_shared>>)
          tpu.yield
        }) : () -> ()
      } else {
      }
    }
    %scan3A_25 = arith.constant 40 : i32
    %barrier3A_26 = arith.constant 0 : index
    tpu.barrier barrier_id(%barrier3A_26)
    %mul3A_27 = arith.constant 10112 : i32
    %mul3A_28 = arith.muli %arg0, %mul3A_27 : i32
    %add3A_29 = arith.addi %mul3A_28, %mul3A_7 : i32
    "tpu.region"() ({
      %run_scoped3A = tpu.sem_alloc : memref<!tpu.dma_semaphore, #tpu.memory_space<semaphore_mem>>
      %dma_start3A = arith.constant 0 : i32
      %dma_start3A_30 = tpu.memref_slice %arg4[%add3A_29, %dma_start3A] : memref<20224x128xf32, #tpu.memory_space<hbm>> -> memref<632x128xf32, #tpu.memory_space<hbm>>
      %dma_start3A_31 = arith.constant 0 : i32
      %dma_start3A_32 = tpu.memref_slice %arg10[%mul3A_7, %dma_start3A_31] : memref<10112x128xf32, #tpu.memory_space<vmem_shared>> -> memref<632x128xf32, #tpu.memory_space<vmem_shared>>
      tpu.enqueue_dma source(%dma_start3A_32 : memref<632x128xf32, #tpu.memory_space<vmem_shared>>) target(%dma_start3A_30 : memref<632x128xf32, #tpu.memory_space<hbm>>) target_semaphore(%run_scoped3A : memref<!tpu.dma_semaphore, #tpu.memory_space<semaphore_mem>>)
      %dma_wait3A = arith.constant 0 : i32
      %dma_wait3A_33 = tpu.memref_slice %arg4[%add3A_29, %dma_wait3A] : memref<20224x128xf32, #tpu.memory_space<hbm>> -> memref<632x128xf32, #tpu.memory_space<hbm>>
      %dma_wait3A_34 = arith.constant 0 : i32
      %dma_wait3A_35 = tpu.memref_slice %arg10[%mul3A_7, %dma_wait3A_34] : memref<10112x128xf32, #tpu.memory_space<vmem_shared>> -> memref<632x128xf32, #tpu.memory_space<vmem_shared>>
      tpu.wait_dma2 semaphore(%run_scoped3A : memref<!tpu.dma_semaphore, #tpu.memory_space<semaphore_mem>>) src(%dma_wait3A_35 : memref<632x128xf32, #tpu.memory_space<vmem_shared>>) dst(%dma_wait3A_33 : memref<632x128xf32, #tpu.memory_space<hbm>>)
      tpu.yield
    }) : () -> ()
    return
  }
}

#map = affine_map<(d0, d1) -> (0, 0)>
#map1 = affine_map<(d0, d1) -> (0, 0, 0)>
module attributes {stable_mosaic.version = 14 : i64} {
  func.func @_sc_conv_body(%arg0: i32, %arg1: i32, %arg2: memref<270000x128xf32, #tpu.memory_space<hbm>>, %arg3: memref<2500x3x128xi32, #tpu.memory_space<hbm>>, %arg4: memref<20224x128xf32, #tpu.memory_space<hbm>>, %arg5: memref<3x128xi32, #tpu.memory_space<vmem>>, %arg6: memref<3x128xi32, #tpu.memory_space<vmem>>, %arg7: memref<128xi32, #tpu.memory_space<vmem>>, %arg8: memref<128xi32, #tpu.memory_space<vmem>>, %arg9: memref<128x128xf32, #tpu.memory_space<vmem>>, %arg10: memref<10112x128xf32, #tpu.memory_space<vmem_shared>>, %arg11: memref<!tpu.dma_semaphore, #tpu.memory_space<semaphore_mem>>, %arg12: memref<!tpu.dma_semaphore, #tpu.memory_space<semaphore_mem>>) attributes {dimension_semantics = [#tpu.dimension_semantics<core_parallel>, #tpu.dimension_semantics<subcore_parallel>], iteration_bounds = array<i64: 2, 16>, scalar_prefetch = 0 : i64, scratch_operands = 8 : i64, tpu.core_type = #tpu.core_type<sc_vector_subcore>, window_params = [{transform_indices = #map}, {transform_indices = #map1}, {transform_indices = #map}]} {
    %mul3A = arith.constant 16 : i32
    %mul3A_0 = arith.muli %arg0, %mul3A : i32
    %add3A = arith.addi %mul3A_0, %arg1 : i32
    %scan3A = arith.constant 0 : i32
    %scan3A_1 = arith.constant 0 : i32
    %scan3A_2 = arith.constant 128 : i32
    %scan3A_3 = arith.addi %scan3A_1, %scan3A_2 : i32
    %scan3A_4 = arith.constant 1 : i32
    scf.for %scan3A_30 = %scan3A_1 to %scan3A_3 step %scan3A_4  : i32 {
      %broadcast_in_dim3A = arith.constant 0.000000e+00 : f32
      %broadcast_in_dim3A_31 = vector.broadcast %broadcast_in_dim3A : f32 to vector<16xf32>
      %swap3A = arith.index_cast %scan3A_30 : i32 to index
      %swap3A_32 = arith.constant 0 : index
      %swap3A_33 = tpu.vector_load %arg9[%swap3A, %swap3A_32] {strides = array<i32>} : memref<128x128xf32, #tpu.memory_space<vmem>>, vector<1x16xf32>,
      %swap3A_34 = vector.shape_cast %swap3A_33 : vector<1x16xf32> to vector<16xf32>
      %swap3A_35 = vector.shape_cast %broadcast_in_dim3A_31 : vector<16xf32> to vector<1x16xf32>
      tpu.vector_store %arg9[%swap3A, %swap3A_32], %swap3A_35 {strides = array<i32>} : memref<128x128xf32, #tpu.memory_space<vmem>>, vector<1x16xf32>,
      %broadcast_in_dim3A_36 = arith.constant 0.000000e+00 : f32
      %broadcast_in_dim3A_37 = vector.broadcast %broadcast_in_dim3A_36 : f32 to vector<16xf32>
      %swap3A_38 = arith.index_cast %scan3A_30 : i32 to index
      %swap3A_39 = arith.constant 16 : index
      %swap3A_40 = tpu.vector_load %arg9[%swap3A_38, %swap3A_39] {strides = array<i32>} : memref<128x128xf32, #tpu.memory_space<vmem>>, vector<1x16xf32>,
      %swap3A_41 = vector.shape_cast %swap3A_40 : vector<1x16xf32> to vector<16xf32>
      %swap3A_42 = vector.shape_cast %broadcast_in_dim3A_37 : vector<16xf32> to vector<1x16xf32>
      tpu.vector_store %arg9[%swap3A_38, %swap3A_39], %swap3A_42 {strides = array<i32>} : memref<128x128xf32, #tpu.memory_space<vmem>>, vector<1x16xf32>,
      %broadcast_in_dim3A_43 = arith.constant 0.000000e+00 : f32
      %broadcast_in_dim3A_44 = vector.broadcast %broadcast_in_dim3A_43 : f32 to vector<16xf32>
      %swap3A_45 = arith.index_cast %scan3A_30 : i32 to index
      %swap3A_46 = arith.constant 32 : index
      %swap3A_47 = tpu.vector_load %arg9[%swap3A_45, %swap3A_46] {strides = array<i32>} : memref<128x128xf32, #tpu.memory_space<vmem>>, vector<1x16xf32>,
      %swap3A_48 = vector.shape_cast %swap3A_47 : vector<1x16xf32> to vector<16xf32>
      %swap3A_49 = vector.shape_cast %broadcast_in_dim3A_44 : vector<16xf32> to vector<1x16xf32>
      tpu.vector_store %arg9[%swap3A_45, %swap3A_46], %swap3A_49 {strides = array<i32>} : memref<128x128xf32, #tpu.memory_space<vmem>>, vector<1x16xf32>,
      %broadcast_in_dim3A_50 = arith.constant 0.000000e+00 : f32
      %broadcast_in_dim3A_51 = vector.broadcast %broadcast_in_dim3A_50 : f32 to vector<16xf32>
      %swap3A_52 = arith.index_cast %scan3A_30 : i32 to index
      %swap3A_53 = arith.constant 48 : index
      %swap3A_54 = tpu.vector_load %arg9[%swap3A_52, %swap3A_53] {strides = array<i32>} : memref<128x128xf32, #tpu.memory_space<vmem>>, vector<1x16xf32>,
      %swap3A_55 = vector.shape_cast %swap3A_54 : vector<1x16xf32> to vector<16xf32>
      %swap3A_56 = vector.shape_cast %broadcast_in_dim3A_51 : vector<16xf32> to vector<1x16xf32>
      tpu.vector_store %arg9[%swap3A_52, %swap3A_53], %swap3A_56 {strides = array<i32>} : memref<128x128xf32, #tpu.memory_space<vmem>>, vector<1x16xf32>,
      %broadcast_in_dim3A_57 = arith.constant 0.000000e+00 : f32
      %broadcast_in_dim3A_58 = vector.broadcast %broadcast_in_dim3A_57 : f32 to vector<16xf32>
      %swap3A_59 = arith.index_cast %scan3A_30 : i32 to index
      %swap3A_60 = arith.constant 64 : index
      %swap3A_61 = tpu.vector_load %arg9[%swap3A_59, %swap3A_60] {strides = array<i32>} : memref<128x128xf32, #tpu.memory_space<vmem>>, vector<1x16xf32>,
      %swap3A_62 = vector.shape_cast %swap3A_61 : vector<1x16xf32> to vector<16xf32>
      %swap3A_63 = vector.shape_cast %broadcast_in_dim3A_58 : vector<16xf32> to vector<1x16xf32>
      tpu.vector_store %arg9[%swap3A_59, %swap3A_60], %swap3A_63 {strides = array<i32>} : memref<128x128xf32, #tpu.memory_space<vmem>>, vector<1x16xf32>,
      %broadcast_in_dim3A_64 = arith.constant 0.000000e+00 : f32
      %broadcast_in_dim3A_65 = vector.broadcast %broadcast_in_dim3A_64 : f32 to vector<16xf32>
      %swap3A_66 = arith.index_cast %scan3A_30 : i32 to index
      %swap3A_67 = arith.constant 80 : index
      %swap3A_68 = tpu.vector_load %arg9[%swap3A_66, %swap3A_67] {strides = array<i32>} : memref<128x128xf32, #tpu.memory_space<vmem>>, vector<1x16xf32>,
      %swap3A_69 = vector.shape_cast %swap3A_68 : vector<1x16xf32> to vector<16xf32>
      %swap3A_70 = vector.shape_cast %broadcast_in_dim3A_65 : vector<16xf32> to vector<1x16xf32>
      tpu.vector_store %arg9[%swap3A_66, %swap3A_67], %swap3A_70 {strides = array<i32>} : memref<128x128xf32, #tpu.memory_space<vmem>>, vector<1x16xf32>,
      %broadcast_in_dim3A_71 = arith.constant 0.000000e+00 : f32
      %broadcast_in_dim3A_72 = vector.broadcast %broadcast_in_dim3A_71 : f32 to vector<16xf32>
      %swap3A_73 = arith.index_cast %scan3A_30 : i32 to index
      %swap3A_74 = arith.constant 96 : index
      %swap3A_75 = tpu.vector_load %arg9[%swap3A_73, %swap3A_74] {strides = array<i32>} : memref<128x128xf32, #tpu.memory_space<vmem>>, vector<1x16xf32>,
      %swap3A_76 = vector.shape_cast %swap3A_75 : vector<1x16xf32> to vector<16xf32>
      %swap3A_77 = vector.shape_cast %broadcast_in_dim3A_72 : vector<16xf32> to vector<1x16xf32>
      tpu.vector_store %arg9[%swap3A_73, %swap3A_74], %swap3A_77 {strides = array<i32>} : memref<128x128xf32, #tpu.memory_space<vmem>>, vector<1x16xf32>,
      %broadcast_in_dim3A_78 = arith.constant 0.000000e+00 : f32
      %broadcast_in_dim3A_79 = vector.broadcast %broadcast_in_dim3A_78 : f32 to vector<16xf32>
      %swap3A_80 = arith.index_cast %scan3A_30 : i32 to index
      %swap3A_81 = arith.constant 112 : index
      %swap3A_82 = tpu.vector_load %arg9[%swap3A_80, %swap3A_81] {strides = array<i32>} : memref<128x128xf32, #tpu.memory_space<vmem>>, vector<1x16xf32>,
      %swap3A_83 = vector.shape_cast %swap3A_82 : vector<1x16xf32> to vector<16xf32>
      %swap3A_84 = vector.shape_cast %broadcast_in_dim3A_79 : vector<16xf32> to vector<1x16xf32>
      tpu.vector_store %arg9[%swap3A_80, %swap3A_81], %swap3A_84 {strides = array<i32>} : memref<128x128xf32, #tpu.memory_space<vmem>>, vector<1x16xf32>,
    }
    %scan3A_5 = arith.constant 128 : i32
    %mul3A_6 = arith.constant 632 : i32
    %mul3A_7 = arith.muli %arg1, %mul3A_6 : i32
    %add3A_8 = arith.constant 0 : i32
    %add3A_9 = arith.addi %mul3A_7, %add3A_8 : i32
    "tpu.region"() ({
      %run_scoped3A = tpu.sem_alloc : memref<!tpu.dma_semaphore, #tpu.memory_space<semaphore_mem>>
      %dma_start3A = arith.constant 0 : i32
      %dma_start3A_30 = tpu.memref_slice %arg10[%add3A_9, %dma_start3A] : memref<10112x128xf32, #tpu.memory_space<vmem_shared>> -> memref<128x128xf32, #tpu.memory_space<vmem_shared>>
      %dma_start3A_31 = arith.constant 0 : i32
      %dma_start3A_32 = tpu.memref_slice %arg10[%add3A_9, %dma_start3A_31] : memref<10112x128xf32, #tpu.memory_space<vmem_shared>> -> memref<128x128xf32, #tpu.memory_space<vmem_shared>>
      tpu.enqueue_dma source(%arg9 : memref<128x128xf32, #tpu.memory_space<vmem>>) target(%dma_start3A_32 : memref<128x128xf32, #tpu.memory_space<vmem_shared>>) target_semaphore(%run_scoped3A : memref<!tpu.dma_semaphore, #tpu.memory_space<semaphore_mem>>)
      %dma_wait3A = arith.constant 0 : i32
      %dma_wait3A_33 = tpu.memref_slice %arg10[%add3A_9, %dma_wait3A] : memref<10112x128xf32, #tpu.memory_space<vmem_shared>> -> memref<128x128xf32, #tpu.memory_space<vmem_shared>>
      %dma_wait3A_34 = arith.constant 0 : i32
      %dma_wait3A_35 = tpu.memref_slice %arg10[%add3A_9, %dma_wait3A_34] : memref<10112x128xf32, #tpu.memory_space<vmem_shared>> -> memref<128x128xf32, #tpu.memory_space<vmem_shared>>
      tpu.wait_dma2 semaphore(%run_scoped3A : memref<!tpu.dma_semaphore, #tpu.memory_space<semaphore_mem>>) src(%arg9 : memref<128x128xf32, #tpu.memory_space<vmem>>) dst(%dma_wait3A_35 : memref<128x128xf32, #tpu.memory_space<vmem_shared>>)
      tpu.yield
    }) : () -> ()
    %add3A_10 = arith.constant 128 : i32
    %add3A_11 = arith.addi %mul3A_7, %add3A_10 : i32
    "tpu.region"() ({
      %run_scoped3A = tpu.sem_alloc : memref<!tpu.dma_semaphore, #tpu.memory_space<semaphore_mem>>
      %dma_start3A = arith.constant 0 : i32
      %dma_start3A_30 = tpu.memref_slice %arg10[%add3A_11, %dma_start3A] : memref<10112x128xf32, #tpu.memory_space<vmem_shared>> -> memref<128x128xf32, #tpu.memory_space<vmem_shared>>
      %dma_start3A_31 = arith.constant 0 : i32
      %dma_start3A_32 = tpu.memref_slice %arg10[%add3A_11, %dma_start3A_31] : memref<10112x128xf32, #tpu.memory_space<vmem_shared>> -> memref<128x128xf32, #tpu.memory_space<vmem_shared>>
      tpu.enqueue_dma source(%arg9 : memref<128x128xf32, #tpu.memory_space<vmem>>) target(%dma_start3A_32 : memref<128x128xf32, #tpu.memory_space<vmem_shared>>) target_semaphore(%run_scoped3A : memref<!tpu.dma_semaphore, #tpu.memory_space<semaphore_mem>>)
      %dma_wait3A = arith.constant 0 : i32
      %dma_wait3A_33 = tpu.memref_slice %arg10[%add3A_11, %dma_wait3A] : memref<10112x128xf32, #tpu.memory_space<vmem_shared>> -> memref<128x128xf32, #tpu.memory_space<vmem_shared>>
      %dma_wait3A_34 = arith.constant 0 : i32
      %dma_wait3A_35 = tpu.memref_slice %arg10[%add3A_11, %dma_wait3A_34] : memref<10112x128xf32, #tpu.memory_space<vmem_shared>> -> memref<128x128xf32, #tpu.memory_space<vmem_shared>>
      tpu.wait_dma2 semaphore(%run_scoped3A : memref<!tpu.dma_semaphore, #tpu.memory_space<semaphore_mem>>) src(%arg9 : memref<128x128xf32, #tpu.memory_space<vmem>>) dst(%dma_wait3A_35 : memref<128x128xf32, #tpu.memory_space<vmem_shared>>)
      tpu.yield
    }) : () -> ()
    %add3A_12 = arith.constant 256 : i32
    %add3A_13 = arith.addi %mul3A_7, %add3A_12 : i32
    "tpu.region"() ({
      %run_scoped3A = tpu.sem_alloc : memref<!tpu.dma_semaphore, #tpu.memory_space<semaphore_mem>>
      %dma_start3A = arith.constant 0 : i32
      %dma_start3A_30 = tpu.memref_slice %arg10[%add3A_13, %dma_start3A] : memref<10112x128xf32, #tpu.memory_space<vmem_shared>> -> memref<128x128xf32, #tpu.memory_space<vmem_shared>>
      %dma_start3A_31 = arith.constant 0 : i32
      %dma_start3A_32 = tpu.memref_slice %arg10[%add3A_13, %dma_start3A_31] : memref<10112x128xf32, #tpu.memory_space<vmem_shared>> -> memref<128x128xf32, #tpu.memory_space<vmem_shared>>
      tpu.enqueue_dma source(%arg9 : memref<128x128xf32, #tpu.memory_space<vmem>>) target(%dma_start3A_32 : memref<128x128xf32, #tpu.memory_space<vmem_shared>>) target_semaphore(%run_scoped3A : memref<!tpu.dma_semaphore, #tpu.memory_space<semaphore_mem>>)
      %dma_wait3A = arith.constant 0 : i32
      %dma_wait3A_33 = tpu.memref_slice %arg10[%add3A_13, %dma_wait3A] : memref<10112x128xf32, #tpu.memory_space<vmem_shared>> -> memref<128x128xf32, #tpu.memory_space<vmem_shared>>
      %dma_wait3A_34 = arith.constant 0 : i32
      %dma_wait3A_35 = tpu.memref_slice %arg10[%add3A_13, %dma_wait3A_34] : memref<10112x128xf32, #tpu.memory_space<vmem_shared>> -> memref<128x128xf32, #tpu.memory_space<vmem_shared>>
      tpu.wait_dma2 semaphore(%run_scoped3A : memref<!tpu.dma_semaphore, #tpu.memory_space<semaphore_mem>>) src(%arg9 : memref<128x128xf32, #tpu.memory_space<vmem>>) dst(%dma_wait3A_35 : memref<128x128xf32, #tpu.memory_space<vmem_shared>>)
      tpu.yield
    }) : () -> ()
    %add3A_14 = arith.constant 384 : i32
    %add3A_15 = arith.addi %mul3A_7, %add3A_14 : i32
    "tpu.region"() ({
      %run_scoped3A = tpu.sem_alloc : memref<!tpu.dma_semaphore, #tpu.memory_space<semaphore_mem>>
      %dma_start3A = arith.constant 0 : i32
      %dma_start3A_30 = tpu.memref_slice %arg10[%add3A_15, %dma_start3A] : memref<10112x128xf32, #tpu.memory_space<vmem_shared>> -> memref<128x128xf32, #tpu.memory_space<vmem_shared>>
      %dma_start3A_31 = arith.constant 0 : i32
      %dma_start3A_32 = tpu.memref_slice %arg10[%add3A_15, %dma_start3A_31] : memref<10112x128xf32, #tpu.memory_space<vmem_shared>> -> memref<128x128xf32, #tpu.memory_space<vmem_shared>>
      tpu.enqueue_dma source(%arg9 : memref<128x128xf32, #tpu.memory_space<vmem>>) target(%dma_start3A_32 : memref<128x128xf32, #tpu.memory_space<vmem_shared>>) target_semaphore(%run_scoped3A : memref<!tpu.dma_semaphore, #tpu.memory_space<semaphore_mem>>)
      %dma_wait3A = arith.constant 0 : i32
      %dma_wait3A_33 = tpu.memref_slice %arg10[%add3A_15, %dma_wait3A] : memref<10112x128xf32, #tpu.memory_space<vmem_shared>> -> memref<128x128xf32, #tpu.memory_space<vmem_shared>>
      %dma_wait3A_34 = arith.constant 0 : i32
      %dma_wait3A_35 = tpu.memref_slice %arg10[%add3A_15, %dma_wait3A_34] : memref<10112x128xf32, #tpu.memory_space<vmem_shared>> -> memref<128x128xf32, #tpu.memory_space<vmem_shared>>
      tpu.wait_dma2 semaphore(%run_scoped3A : memref<!tpu.dma_semaphore, #tpu.memory_space<semaphore_mem>>) src(%arg9 : memref<128x128xf32, #tpu.memory_space<vmem>>) dst(%dma_wait3A_35 : memref<128x128xf32, #tpu.memory_space<vmem_shared>>)
      tpu.yield
    }) : () -> ()
    %add3A_16 = arith.constant 512 : i32
    %add3A_17 = arith.addi %mul3A_7, %add3A_16 : i32
    "tpu.region"() ({
      %run_scoped3A = tpu.sem_alloc : memref<!tpu.dma_semaphore, #tpu.memory_space<semaphore_mem>>
      %dma_start3A = arith.constant 0 : i32
      %dma_start3A_30 = arith.constant 0 : i32
      %dma_start3A_31 = tpu.memref_slice %arg9[%dma_start3A, %dma_start3A_30] : memref<128x128xf32, #tpu.memory_space<vmem>> -> memref<120x128xf32, #tpu.memory_space<vmem>>
      %dma_start3A_32 = arith.constant 0 : i32
      %dma_start3A_33 = tpu.memref_slice %arg10[%add3A_17, %dma_start3A_32] : memref<10112x128xf32, #tpu.memory_space<vmem_shared>> -> memref<120x128xf32, #tpu.memory_space<vmem_shared>>
      %dma_start3A_34 = arith.constant 0 : i32
      %dma_start3A_35 = tpu.memref_slice %arg10[%add3A_17, %dma_start3A_34] : memref<10112x128xf32, #tpu.memory_space<vmem_shared>> -> memref<120x128xf32, #tpu.memory_space<vmem_shared>>
      %dma_start3A_36 = arith.constant 0 : i32
      %dma_start3A_37 = arith.constant 0 : i32
      %dma_start3A_38 = tpu.memref_slice %arg9[%dma_start3A_36, %dma_start3A_37] : memref<128x128xf32, #tpu.memory_space<vmem>> -> memref<120x128xf32, #tpu.memory_space<vmem>>
      tpu.enqueue_dma source(%dma_start3A_38 : memref<120x128xf32, #tpu.memory_space<vmem>>) target(%dma_start3A_35 : memref<120x128xf32, #tpu.memory_space<vmem_shared>>) target_semaphore(%run_scoped3A : memref<!tpu.dma_semaphore, #tpu.memory_space<semaphore_mem>>)
      %dma_wait3A = arith.constant 0 : i32
      %dma_wait3A_39 = arith.constant 0 : i32
      %dma_wait3A_40 = tpu.memref_slice %arg9[%dma_wait3A, %dma_wait3A_39] : memref<128x128xf32, #tpu.memory_space<vmem>> -> memref<120x128xf32, #tpu.memory_space<vmem>>
      %dma_wait3A_41 = arith.constant 0 : i32
      %dma_wait3A_42 = tpu.memref_slice %arg10[%add3A_17, %dma_wait3A_41] : memref<10112x128xf32, #tpu.memory_space<vmem_shared>> -> memref<120x128xf32, #tpu.memory_space<vmem_shared>>
      %dma_wait3A_43 = arith.constant 0 : i32
      %dma_wait3A_44 = tpu.memref_slice %arg10[%add3A_17, %dma_wait3A_43] : memref<10112x128xf32, #tpu.memory_space<vmem_shared>> -> memref<120x128xf32, #tpu.memory_space<vmem_shared>>
      %dma_wait3A_45 = arith.constant 0 : i32
      %dma_wait3A_46 = arith.constant 0 : i32
      %dma_wait3A_47 = tpu.memref_slice %arg9[%dma_wait3A_45, %dma_wait3A_46] : memref<128x128xf32, #tpu.memory_space<vmem>> -> memref<120x128xf32, #tpu.memory_space<vmem>>
      tpu.wait_dma2 semaphore(%run_scoped3A : memref<!tpu.dma_semaphore, #tpu.memory_space<semaphore_mem>>) src(%dma_wait3A_47 : memref<120x128xf32, #tpu.memory_space<vmem>>) dst(%dma_wait3A_44 : memref<120x128xf32, #tpu.memory_space<vmem_shared>>)
      tpu.yield
    }) : () -> ()
    %barrier3A = arith.constant 0 : index
    tpu.barrier barrier_id(%barrier3A)
    %lt3A = arith.constant 2500 : i32
    %lt3A_18 = arith.cmpi slt, %add3A, %lt3A : i32
    %convert_element_type3A = arith.extui %lt3A_18 : i1 to i32
    %cond3A = arith.constant 0 : i32
    %cond3A_19 = arith.cmpi ne, %convert_element_type3A, %cond3A : i32
    scf.if %cond3A_19 {
      "tpu.region"() ({
        %run_scoped3A = tpu.sem_alloc : memref<!tpu.dma_semaphore, #tpu.memory_space<semaphore_mem>>
        %dma_start3A = arith.constant 0 : i32
        %dma_start3A_172 = arith.constant 0 : i32
        %dma_start3A_173 = tpu.memref_slice %arg3[%add3A, %dma_start3A, %dma_start3A_172] : memref<2500x3x128xi32, #tpu.memory_space<hbm>> -> memref<1x3x128xi32, #tpu.memory_space<hbm>>
        %dma_start3A_174 = tpu.memref_squeeze %dma_start3A_173 : memref<1x3x128xi32, #tpu.memory_space<hbm>> -> memref<3x128xi32, #tpu.memory_space<hbm>>
        %dma_start3A_175 = arith.constant 0 : i32
        %dma_start3A_176 = arith.constant 0 : i32
        %dma_start3A_177 = tpu.memref_slice %arg3[%add3A, %dma_start3A_175, %dma_start3A_176] : memref<2500x3x128xi32, #tpu.memory_space<hbm>> -> memref<1x3x128xi32, #tpu.memory_space<hbm>>
        %dma_start3A_178 = tpu.memref_squeeze %dma_start3A_177 : memref<1x3x128xi32, #tpu.memory_space<hbm>> -> memref<3x128xi32, #tpu.memory_space<hbm>>
        tpu.enqueue_dma source(%dma_start3A_178 : memref<3x128xi32, #tpu.memory_space<hbm>>) target(%arg5 : memref<3x128xi32, #tpu.memory_space<vmem>>) target_semaphore(%run_scoped3A : memref<!tpu.dma_semaphore, #tpu.memory_space<semaphore_mem>>)
        %dma_wait3A = arith.constant 0 : i32
        %dma_wait3A_179 = arith.constant 0 : i32
        %dma_wait3A_180 = tpu.memref_slice %arg3[%add3A, %dma_wait3A, %dma_wait3A_179] : memref<2500x3x128xi32, #tpu.memory_space<hbm>> -> memref<1x3x128xi32, #tpu.memory_space<hbm>>
        %dma_wait3A_181 = tpu.memref_squeeze %dma_wait3A_180 : memref<1x3x128xi32, #tpu.memory_space<hbm>> -> memref<3x128xi32, #tpu.memory_space<hbm>>
        %dma_wait3A_182 = arith.constant 0 : i32
        %dma_wait3A_183 = arith.constant 0 : i32
        %dma_wait3A_184 = tpu.memref_slice %arg3[%add3A, %dma_wait3A_182, %dma_wait3A_183] : memref<2500x3x128xi32, #tpu.memory_space<hbm>> -> memref<1x3x128xi32, #tpu.memory_space<hbm>>
        %dma_wait3A_185 = tpu.memref_squeeze %dma_wait3A_184 : memref<1x3x128xi32, #tpu.memory_space<hbm>> -> memref<3x128xi32, #tpu.memory_space<hbm>>
        tpu.wait_dma2 semaphore(%run_scoped3A : memref<!tpu.dma_semaphore, #tpu.memory_space<semaphore_mem>>) src(%dma_wait3A_185 : memref<3x128xi32, #tpu.memory_space<hbm>>) dst(%arg5 : memref<3x128xi32, #tpu.memory_space<vmem>>)
        tpu.yield
      }) : () -> ()
      %get3A = arith.constant 1 : i32
      %get3A_30 = arith.index_cast %get3A : i32 to index
      %get3A_31 = arith.constant 0 : index
      %get3A_32 = tpu.vector_load %arg5[%get3A_30, %get3A_31] {strides = array<i32>} : memref<3x128xi32, #tpu.memory_space<vmem>>, vector<1x16xi32>,
      %get3A_33 = vector.shape_cast %get3A_32 : vector<1x16xi32> to vector<16xi32>
      %mul3A_34 = arith.constant 10000 : i32
      %mul3A_35 = vector.broadcast %mul3A_34 : i32 to vector<16xi32>
      %mul3A_36 = arith.muli %get3A_33, %mul3A_35 : vector<16xi32>
      %get3A_37 = arith.constant 0 : i32
      %get3A_38 = arith.index_cast %get3A_37 : i32 to index
      %get3A_39 = arith.constant 0 : index
      %get3A_40 = tpu.vector_load %arg5[%get3A_38, %get3A_39] {strides = array<i32>} : memref<3x128xi32, #tpu.memory_space<vmem>>, vector<1x16xi32>,
      %get3A_41 = vector.shape_cast %get3A_40 : vector<1x16xi32> to vector<16xi32>
      %add3A_42 = arith.addi %mul3A_36, %get3A_41 : vector<16xi32>
      %swap3A = arith.constant 0 : index
      %swap3A_43 = tpu.vector_load %arg7[%swap3A] {strides = array<i32>} : memref<128xi32, #tpu.memory_space<vmem>>, vector<16xi32>,
      %swap3A_44 = vector.shape_cast %swap3A_43 : vector<16xi32> to vector<16xi32>
      %swap3A_45 = vector.shape_cast %add3A_42 : vector<16xi32> to vector<16xi32>
      tpu.vector_store %arg7[%swap3A], %swap3A_45 {strides = array<i32>} : memref<128xi32, #tpu.memory_space<vmem>>, vector<16xi32>,
      %get3A_46 = arith.constant 1 : i32
      %get3A_47 = arith.index_cast %get3A_46 : i32 to index
      %get3A_48 = arith.constant 16 : index
      %get3A_49 = tpu.vector_load %arg5[%get3A_47, %get3A_48] {strides = array<i32>} : memref<3x128xi32, #tpu.memory_space<vmem>>, vector<1x16xi32>,
      %get3A_50 = vector.shape_cast %get3A_49 : vector<1x16xi32> to vector<16xi32>
      %mul3A_51 = arith.constant 10000 : i32
      %mul3A_52 = vector.broadcast %mul3A_51 : i32 to vector<16xi32>
      %mul3A_53 = arith.muli %get3A_50, %mul3A_52 : vector<16xi32>
      %get3A_54 = arith.constant 0 : i32
      %get3A_55 = arith.index_cast %get3A_54 : i32 to index
      %get3A_56 = arith.constant 16 : index
      %get3A_57 = tpu.vector_load %arg5[%get3A_55, %get3A_56] {strides = array<i32>} : memref<3x128xi32, #tpu.memory_space<vmem>>, vector<1x16xi32>,
      %get3A_58 = vector.shape_cast %get3A_57 : vector<1x16xi32> to vector<16xi32>
      %add3A_59 = arith.addi %mul3A_53, %get3A_58 : vector<16xi32>
      %swap3A_60 = arith.constant 16 : index
      %swap3A_61 = tpu.vector_load %arg7[%swap3A_60] {strides = array<i32>} : memref<128xi32, #tpu.memory_space<vmem>>, vector<16xi32>,
      %swap3A_62 = vector.shape_cast %swap3A_61 : vector<16xi32> to vector<16xi32>
      %swap3A_63 = vector.shape_cast %add3A_59 : vector<16xi32> to vector<16xi32>
      tpu.vector_store %arg7[%swap3A_60], %swap3A_63 {strides = array<i32>} : memref<128xi32, #tpu.memory_space<vmem>>, vector<16xi32>,
      %get3A_64 = arith.constant 1 : i32
      %get3A_65 = arith.index_cast %get3A_64 : i32 to index
      %get3A_66 = arith.constant 32 : index
      %get3A_67 = tpu.vector_load %arg5[%get3A_65, %get3A_66] {strides = array<i32>} : memref<3x128xi32, #tpu.memory_space<vmem>>, vector<1x16xi32>,
      %get3A_68 = vector.shape_cast %get3A_67 : vector<1x16xi32> to vector<16xi32>
      %mul3A_69 = arith.constant 10000 : i32
      %mul3A_70 = vector.broadcast %mul3A_69 : i32 to vector<16xi32>
      %mul3A_71 = arith.muli %get3A_68, %mul3A_70 : vector<16xi32>
      %get3A_72 = arith.constant 0 : i32
      %get3A_73 = arith.index_cast %get3A_72 : i32 to index
      %get3A_74 = arith.constant 32 : index
      %get3A_75 = tpu.vector_load %arg5[%get3A_73, %get3A_74] {strides = array<i32>} : memref<3x128xi32, #tpu.memory_space<vmem>>, vector<1x16xi32>,
      %get3A_76 = vector.shape_cast %get3A_75 : vector<1x16xi32> to vector<16xi32>
      %add3A_77 = arith.addi %mul3A_71, %get3A_76 : vector<16xi32>
      %swap3A_78 = arith.constant 32 : index
      %swap3A_79 = tpu.vector_load %arg7[%swap3A_78] {strides = array<i32>} : memref<128xi32, #tpu.memory_space<vmem>>, vector<16xi32>,
      %swap3A_80 = vector.shape_cast %swap3A_79 : vector<16xi32> to vector<16xi32>
      %swap3A_81 = vector.shape_cast %add3A_77 : vector<16xi32> to vector<16xi32>
      tpu.vector_store %arg7[%swap3A_78], %swap3A_81 {strides = array<i32>} : memref<128xi32, #tpu.memory_space<vmem>>, vector<16xi32>,
      %get3A_82 = arith.constant 1 : i32
      %get3A_83 = arith.index_cast %get3A_82 : i32 to index
      %get3A_84 = arith.constant 48 : index
      %get3A_85 = tpu.vector_load %arg5[%get3A_83, %get3A_84] {strides = array<i32>} : memref<3x128xi32, #tpu.memory_space<vmem>>, vector<1x16xi32>,
      %get3A_86 = vector.shape_cast %get3A_85 : vector<1x16xi32> to vector<16xi32>
      %mul3A_87 = arith.constant 10000 : i32
      %mul3A_88 = vector.broadcast %mul3A_87 : i32 to vector<16xi32>
      %mul3A_89 = arith.muli %get3A_86, %mul3A_88 : vector<16xi32>
      %get3A_90 = arith.constant 0 : i32
      %get3A_91 = arith.index_cast %get3A_90 : i32 to index
      %get3A_92 = arith.constant 48 : index
      %get3A_93 = tpu.vector_load %arg5[%get3A_91, %get3A_92] {strides = array<i32>} : memref<3x128xi32, #tpu.memory_space<vmem>>, vector<1x16xi32>,
      %get3A_94 = vector.shape_cast %get3A_93 : vector<1x16xi32> to vector<16xi32>
      %add3A_95 = arith.addi %mul3A_89, %get3A_94 : vector<16xi32>
      %swap3A_96 = arith.constant 48 : index
      %swap3A_97 = tpu.vector_load %arg7[%swap3A_96] {strides = array<i32>} : memref<128xi32, #tpu.memory_space<vmem>>, vector<16xi32>,
      %swap3A_98 = vector.shape_cast %swap3A_97 : vector<16xi32> to vector<16xi32>
      %swap3A_99 = vector.shape_cast %add3A_95 : vector<16xi32> to vector<16xi32>
      tpu.vector_store %arg7[%swap3A_96], %swap3A_99 {strides = array<i32>} : memref<128xi32, #tpu.memory_space<vmem>>, vector<16xi32>,
      %get3A_100 = arith.constant 1 : i32
      %get3A_101 = arith.index_cast %get3A_100 : i32 to index
      %get3A_102 = arith.constant 64 : index
      %get3A_103 = tpu.vector_load %arg5[%get3A_101, %get3A_102] {strides = array<i32>} : memref<3x128xi32, #tpu.memory_space<vmem>>, vector<1x16xi32>,
      %get3A_104 = vector.shape_cast %get3A_103 : vector<1x16xi32> to vector<16xi32>
      %mul3A_105 = arith.constant 10000 : i32
      %mul3A_106 = vector.broadcast %mul3A_105 : i32 to vector<16xi32>
      %mul3A_107 = arith.muli %get3A_104, %mul3A_106 : vector<16xi32>
      %get3A_108 = arith.constant 0 : i32
      %get3A_109 = arith.index_cast %get3A_108 : i32 to index
      %get3A_110 = arith.constant 64 : index
      %get3A_111 = tpu.vector_load %arg5[%get3A_109, %get3A_110] {strides = array<i32>} : memref<3x128xi32, #tpu.memory_space<vmem>>, vector<1x16xi32>,
      %get3A_112 = vector.shape_cast %get3A_111 : vector<1x16xi32> to vector<16xi32>
      %add3A_113 = arith.addi %mul3A_107, %get3A_112 : vector<16xi32>
      %swap3A_114 = arith.constant 64 : index
      %swap3A_115 = tpu.vector_load %arg7[%swap3A_114] {strides = array<i32>} : memref<128xi32, #tpu.memory_space<vmem>>, vector<16xi32>,
      %swap3A_116 = vector.shape_cast %swap3A_115 : vector<16xi32> to vector<16xi32>
      %swap3A_117 = vector.shape_cast %add3A_113 : vector<16xi32> to vector<16xi32>
      tpu.vector_store %arg7[%swap3A_114], %swap3A_117 {strides = array<i32>} : memref<128xi32, #tpu.memory_space<vmem>>, vector<16xi32>,
      %get3A_118 = arith.constant 1 : i32
      %get3A_119 = arith.index_cast %get3A_118 : i32 to index
      %get3A_120 = arith.constant 80 : index
      %get3A_121 = tpu.vector_load %arg5[%get3A_119, %get3A_120] {strides = array<i32>} : memref<3x128xi32, #tpu.memory_space<vmem>>, vector<1x16xi32>,
      %get3A_122 = vector.shape_cast %get3A_121 : vector<1x16xi32> to vector<16xi32>
      %mul3A_123 = arith.constant 10000 : i32
      %mul3A_124 = vector.broadcast %mul3A_123 : i32 to vector<16xi32>
      %mul3A_125 = arith.muli %get3A_122, %mul3A_124 : vector<16xi32>
      %get3A_126 = arith.constant 0 : i32
      %get3A_127 = arith.index_cast %get3A_126 : i32 to index
      %get3A_128 = arith.constant 80 : index
      %get3A_129 = tpu.vector_load %arg5[%get3A_127, %get3A_128] {strides = array<i32>} : memref<3x128xi32, #tpu.memory_space<vmem>>, vector<1x16xi32>,
      %get3A_130 = vector.shape_cast %get3A_129 : vector<1x16xi32> to vector<16xi32>
      %add3A_131 = arith.addi %mul3A_125, %get3A_130 : vector<16xi32>
      %swap3A_132 = arith.constant 80 : index
      %swap3A_133 = tpu.vector_load %arg7[%swap3A_132] {strides = array<i32>} : memref<128xi32, #tpu.memory_space<vmem>>, vector<16xi32>,
      %swap3A_134 = vector.shape_cast %swap3A_133 : vector<16xi32> to vector<16xi32>
      %swap3A_135 = vector.shape_cast %add3A_131 : vector<16xi32> to vector<16xi32>
      tpu.vector_store %arg7[%swap3A_132], %swap3A_135 {strides = array<i32>} : memref<128xi32, #tpu.memory_space<vmem>>, vector<16xi32>,
      %get3A_136 = arith.constant 1 : i32
      %get3A_137 = arith.index_cast %get3A_136 : i32 to index
      %get3A_138 = arith.constant 96 : index
      %get3A_139 = tpu.vector_load %arg5[%get3A_137, %get3A_138] {strides = array<i32>} : memref<3x128xi32, #tpu.memory_space<vmem>>, vector<1x16xi32>,
      %get3A_140 = vector.shape_cast %get3A_139 : vector<1x16xi32> to vector<16xi32>
      %mul3A_141 = arith.constant 10000 : i32
      %mul3A_142 = vector.broadcast %mul3A_141 : i32 to vector<16xi32>
      %mul3A_143 = arith.muli %get3A_140, %mul3A_142 : vector<16xi32>
      %get3A_144 = arith.constant 0 : i32
      %get3A_145 = arith.index_cast %get3A_144 : i32 to index
      %get3A_146 = arith.constant 96 : index
      %get3A_147 = tpu.vector_load %arg5[%get3A_145, %get3A_146] {strides = array<i32>} : memref<3x128xi32, #tpu.memory_space<vmem>>, vector<1x16xi32>,
      %get3A_148 = vector.shape_cast %get3A_147 : vector<1x16xi32> to vector<16xi32>
      %add3A_149 = arith.addi %mul3A_143, %get3A_148 : vector<16xi32>
      %swap3A_150 = arith.constant 96 : index
      %swap3A_151 = tpu.vector_load %arg7[%swap3A_150] {strides = array<i32>} : memref<128xi32, #tpu.memory_space<vmem>>, vector<16xi32>,
      %swap3A_152 = vector.shape_cast %swap3A_151 : vector<16xi32> to vector<16xi32>
      %swap3A_153 = vector.shape_cast %add3A_149 : vector<16xi32> to vector<16xi32>
      tpu.vector_store %arg7[%swap3A_150], %swap3A_153 {strides = array<i32>} : memref<128xi32, #tpu.memory_space<vmem>>, vector<16xi32>,
      %get3A_154 = arith.constant 1 : i32
      %get3A_155 = arith.index_cast %get3A_154 : i32 to index
      %get3A_156 = arith.constant 112 : index
      %get3A_157 = tpu.vector_load %arg5[%get3A_155, %get3A_156] {strides = array<i32>} : memref<3x128xi32, #tpu.memory_space<vmem>>, vector<1x16xi32>,
      %get3A_158 = vector.shape_cast %get3A_157 : vector<1x16xi32> to vector<16xi32>
      %mul3A_159 = arith.constant 10000 : i32
      %mul3A_160 = vector.broadcast %mul3A_159 : i32 to vector<16xi32>
      %mul3A_161 = arith.muli %get3A_158, %mul3A_160 : vector<16xi32>
      %get3A_162 = arith.constant 0 : i32
      %get3A_163 = arith.index_cast %get3A_162 : i32 to index
      %get3A_164 = arith.constant 112 : index
      %get3A_165 = tpu.vector_load %arg5[%get3A_163, %get3A_164] {strides = array<i32>} : memref<3x128xi32, #tpu.memory_space<vmem>>, vector<1x16xi32>,
      %get3A_166 = vector.shape_cast %get3A_165 : vector<1x16xi32> to vector<16xi32>
      %add3A_167 = arith.addi %mul3A_161, %get3A_166 : vector<16xi32>
      %swap3A_168 = arith.constant 112 : index
      %swap3A_169 = tpu.vector_load %arg7[%swap3A_168] {strides = array<i32>} : memref<128xi32, #tpu.memory_space<vmem>>, vector<16xi32>,
      %swap3A_170 = vector.shape_cast %swap3A_169 : vector<16xi32> to vector<16xi32>
      %swap3A_171 = vector.shape_cast %add3A_167 : vector<16xi32> to vector<16xi32>
      tpu.vector_store %arg7[%swap3A_168], %swap3A_171 {strides = array<i32>} : memref<128xi32, #tpu.memory_space<vmem>>, vector<16xi32>,
    } else {
    }
    %scan3A_20 = arith.constant 0 : i32
    %scan3A_21 = arith.constant 0 : i32
    %scan3A_22 = arith.constant 40 : i32
    %scan3A_23 = arith.addi %scan3A_21, %scan3A_22 : i32
    %scan3A_24 = arith.constant 1 : i32
    scf.for %scan3A_30 = %scan3A_21 to %scan3A_23 step %scan3A_24  : i32 {
      %mul3A_31 = arith.constant 2 : i32
      %mul3A_32 = arith.muli %mul3A_31, %scan3A_30 : i32
      %add3A_33 = arith.constant 0 : i32
      %add3A_34 = arith.addi %mul3A_32, %add3A_33 : i32
      %mul3A_35 = arith.constant 32 : i32
      %mul3A_36 = arith.muli %add3A_34, %mul3A_35 : i32
      %add3A_37 = arith.addi %mul3A_36, %add3A : i32
      %add3A_38 = arith.constant 32 : i32
      %add3A_39 = arith.addi %add3A_37, %add3A_38 : i32
      %lt3A_40 = arith.constant 2500 : i32
      %lt3A_41 = arith.cmpi slt, %add3A_39, %lt3A_40 : i32
      %convert_element_type3A_42 = arith.extui %lt3A_41 : i1 to i32
      %cond3A_43 = arith.constant 0 : i32
      %cond3A_44 = arith.cmpi ne, %convert_element_type3A_42, %cond3A_43 : i32
      scf.if %cond3A_44 {
        %dma_start3A = arith.constant 0 : i32
        %dma_start3A_73 = arith.constant 0 : i32
        %dma_start3A_74 = tpu.memref_slice %arg3[%add3A_39, %dma_start3A, %dma_start3A_73] : memref<2500x3x128xi32, #tpu.memory_space<hbm>> -> memref<1x3x128xi32, #tpu.memory_space<hbm>>
        %dma_start3A_75 = tpu.memref_squeeze %dma_start3A_74 : memref<1x3x128xi32, #tpu.memory_space<hbm>> -> memref<3x128xi32, #tpu.memory_space<hbm>>
        %dma_start3A_76 = arith.constant 0 : i32
        %dma_start3A_77 = arith.constant 0 : i32
        %dma_start3A_78 = tpu.memref_slice %arg3[%add3A_39, %dma_start3A_76, %dma_start3A_77] : memref<2500x3x128xi32, #tpu.memory_space<hbm>> -> memref<1x3x128xi32, #tpu.memory_space<hbm>>
        %dma_start3A_79 = tpu.memref_squeeze %dma_start3A_78 : memref<1x3x128xi32, #tpu.memory_space<hbm>> -> memref<3x128xi32, #tpu.memory_space<hbm>>
        tpu.enqueue_dma source(%dma_start3A_79 : memref<3x128xi32, #tpu.memory_space<hbm>>) target(%arg6 : memref<3x128xi32, #tpu.memory_space<vmem>>) target_semaphore(%arg12 : memref<!tpu.dma_semaphore, #tpu.memory_space<semaphore_mem>>)
        %dma_start3A_80 = arith.constant 0 : i32
        %dma_start3A_81 = arith.constant 0 : i32
        %dma_start3A_82 = tpu.memref_slice %arg2[%dma_start3A_80, %dma_start3A_81] : memref<270000x128xf32, #tpu.memory_space<hbm>> -> memref<270000x128xf32, #tpu.memory_space<hbm>>
        tpu.enqueue_indirect_dma source(%dma_start3A_82 : memref<270000x128xf32, #tpu.memory_space<hbm>>) target(%arg9 : memref<128x128xf32, #tpu.memory_space<vmem>>) offsets(%arg7 : memref<128xi32, #tpu.memory_space<vmem>>) semaphore(%arg11 : memref<!tpu.dma_semaphore, #tpu.memory_space<semaphore_mem>>)
        %dma_wait3A = arith.constant 0 : i32
        %dma_wait3A_83 = arith.constant 0 : i32
        %dma_wait3A_84 = tpu.memref_slice %arg2[%dma_wait3A, %dma_wait3A_83] : memref<270000x128xf32, #tpu.memory_space<hbm>> -> memref<270000x128xf32, #tpu.memory_space<hbm>>
        tpu.wait_indirect_dma semaphore(%arg11 : memref<!tpu.dma_semaphore, #tpu.memory_space<semaphore_mem>>) src(%dma_wait3A_84 : memref<270000x128xf32, #tpu.memory_space<hbm>>) dst(%arg9 : memref<128x128xf32, #tpu.memory_space<vmem>>)
        %run_scoped3A = arith.constant 2 : i32
        "tpu.region"() ({
          %run_scoped3A_235 = tpu.sem_alloc : memref<!tpu.dma_semaphore, #tpu.memory_space<semaphore_mem>>
          %dma_start3A_236 = arith.constant 0 : i32
          %dma_start3A_237 = tpu.memref_slice %arg5[%run_scoped3A, %dma_start3A_236] : memref<3x128xi32, #tpu.memory_space<vmem>> -> memref<1x128xi32, #tpu.memory_space<vmem>>
          %dma_start3A_238 = tpu.memref_squeeze %dma_start3A_237 : memref<1x128xi32, #tpu.memory_space<vmem>> -> memref<128xi32, #tpu.memory_space<vmem>>
          %dma_start3A_239 = arith.constant 0 : i32
          %dma_start3A_240 = arith.constant 0 : i32
          %dma_start3A_241 = tpu.memref_slice %arg10[%dma_start3A_239, %dma_start3A_240] : memref<10112x128xf32, #tpu.memory_space<vmem_shared>> -> memref<10112x128xf32, #tpu.memory_space<vmem_shared>>
          tpu.enqueue_indirect_dma source(%arg9 : memref<128x128xf32, #tpu.memory_space<vmem>>) target(%dma_start3A_241 : memref<10112x128xf32, #tpu.memory_space<vmem_shared>>) offsets(%dma_start3A_238 : memref<128xi32, #tpu.memory_space<vmem>>) semaphore(%run_scoped3A_235 : memref<!tpu.dma_semaphore, #tpu.memory_space<semaphore_mem>>) {add = true}
          %dma_wait3A_242 = arith.constant 0 : i32
          %dma_wait3A_243 = tpu.memref_slice %arg5[%run_scoped3A, %dma_wait3A_242] : memref<3x128xi32, #tpu.memory_space<vmem>> -> memref<1x128xi32, #tpu.memory_space<vmem>>
          %dma_wait3A_244 = tpu.memref_squeeze %dma_wait3A_243 : memref<1x128xi32, #tpu.memory_space<vmem>> -> memref<128xi32, #tpu.memory_space<vmem>>
          %dma_wait3A_245 = arith.constant 0 : i32
          %dma_wait3A_246 = arith.constant 0 : i32
          %dma_wait3A_247 = tpu.memref_slice %arg10[%dma_wait3A_245, %dma_wait3A_246] : memref<10112x128xf32, #tpu.memory_space<vmem_shared>> -> memref<10112x128xf32, #tpu.memory_space<vmem_shared>>
          tpu.wait_indirect_dma semaphore(%run_scoped3A_235 : memref<!tpu.dma_semaphore, #tpu.memory_space<semaphore_mem>>) src(%arg9 : memref<128x128xf32, #tpu.memory_space<vmem>>) dst(%dma_wait3A_247 : memref<10112x128xf32, #tpu.memory_space<vmem_shared>>)
          tpu.yield
        }) : () -> ()
        %dma_wait3A_85 = arith.constant 0 : i32
        %dma_wait3A_86 = arith.constant 0 : i32
        %dma_wait3A_87 = tpu.memref_slice %arg3[%add3A_39, %dma_wait3A_85, %dma_wait3A_86] : memref<2500x3x128xi32, #tpu.memory_space<hbm>> -> memref<1x3x128xi32, #tpu.memory_space<hbm>>
        %dma_wait3A_88 = tpu.memref_squeeze %dma_wait3A_87 : memref<1x3x128xi32, #tpu.memory_space<hbm>> -> memref<3x128xi32, #tpu.memory_space<hbm>>
        %dma_wait3A_89 = arith.constant 0 : i32
        %dma_wait3A_90 = arith.constant 0 : i32
        %dma_wait3A_91 = tpu.memref_slice %arg3[%add3A_39, %dma_wait3A_89, %dma_wait3A_90] : memref<2500x3x128xi32, #tpu.memory_space<hbm>> -> memref<1x3x128xi32, #tpu.memory_space<hbm>>
        %dma_wait3A_92 = tpu.memref_squeeze %dma_wait3A_91 : memref<1x3x128xi32, #tpu.memory_space<hbm>> -> memref<3x128xi32, #tpu.memory_space<hbm>>
        tpu.wait_dma2 semaphore(%arg12 : memref<!tpu.dma_semaphore, #tpu.memory_space<semaphore_mem>>) src(%dma_wait3A_92 : memref<3x128xi32, #tpu.memory_space<hbm>>) dst(%arg6 : memref<3x128xi32, #tpu.memory_space<vmem>>)
        %get3A = arith.constant 1 : i32
        %get3A_93 = arith.index_cast %get3A : i32 to index
        %get3A_94 = arith.constant 0 : index
        %get3A_95 = tpu.vector_load %arg6[%get3A_93, %get3A_94] {strides = array<i32>} : memref<3x128xi32, #tpu.memory_space<vmem>>, vector<1x16xi32>,
        %get3A_96 = vector.shape_cast %get3A_95 : vector<1x16xi32> to vector<16xi32>
        %mul3A_97 = arith.constant 10000 : i32
        %mul3A_98 = vector.broadcast %mul3A_97 : i32 to vector<16xi32>
        %mul3A_99 = arith.muli %get3A_96, %mul3A_98 : vector<16xi32>
        %get3A_100 = arith.constant 0 : i32
        %get3A_101 = arith.index_cast %get3A_100 : i32 to index
        %get3A_102 = arith.constant 0 : index
        %get3A_103 = tpu.vector_load %arg6[%get3A_101, %get3A_102] {strides = array<i32>} : memref<3x128xi32, #tpu.memory_space<vmem>>, vector<1x16xi32>,
        %get3A_104 = vector.shape_cast %get3A_103 : vector<1x16xi32> to vector<16xi32>
        %add3A_105 = arith.addi %mul3A_99, %get3A_104 : vector<16xi32>
        %swap3A = arith.constant 0 : index
        %swap3A_106 = tpu.vector_load %arg8[%swap3A] {strides = array<i32>} : memref<128xi32, #tpu.memory_space<vmem>>, vector<16xi32>,
        %swap3A_107 = vector.shape_cast %swap3A_106 : vector<16xi32> to vector<16xi32>
        %swap3A_108 = vector.shape_cast %add3A_105 : vector<16xi32> to vector<16xi32>
        tpu.vector_store %arg8[%swap3A], %swap3A_108 {strides = array<i32>} : memref<128xi32, #tpu.memory_space<vmem>>, vector<16xi32>,
        %get3A_109 = arith.constant 1 : i32
        %get3A_110 = arith.index_cast %get3A_109 : i32 to index
        %get3A_111 = arith.constant 16 : index
        %get3A_112 = tpu.vector_load %arg6[%get3A_110, %get3A_111] {strides = array<i32>} : memref<3x128xi32, #tpu.memory_space<vmem>>, vector<1x16xi32>,
        %get3A_113 = vector.shape_cast %get3A_112 : vector<1x16xi32> to vector<16xi32>
        %mul3A_114 = arith.constant 10000 : i32
        %mul3A_115 = vector.broadcast %mul3A_114 : i32 to vector<16xi32>
        %mul3A_116 = arith.muli %get3A_113, %mul3A_115 : vector<16xi32>
        %get3A_117 = arith.constant 0 : i32
        %get3A_118 = arith.index_cast %get3A_117 : i32 to index
        %get3A_119 = arith.constant 16 : index
        %get3A_120 = tpu.vector_load %arg6[%get3A_118, %get3A_119] {strides = array<i32>} : memref<3x128xi32, #tpu.memory_space<vmem>>, vector<1x16xi32>,
        %get3A_121 = vector.shape_cast %get3A_120 : vector<1x16xi32> to vector<16xi32>
        %add3A_122 = arith.addi %mul3A_116, %get3A_121 : vector<16xi32>
        %swap3A_123 = arith.constant 16 : index
        %swap3A_124 = tpu.vector_load %arg8[%swap3A_123] {strides = array<i32>} : memref<128xi32, #tpu.memory_space<vmem>>, vector<16xi32>,
        %swap3A_125 = vector.shape_cast %swap3A_124 : vector<16xi32> to vector<16xi32>
        %swap3A_126 = vector.shape_cast %add3A_122 : vector<16xi32> to vector<16xi32>
        tpu.vector_store %arg8[%swap3A_123], %swap3A_126 {strides = array<i32>} : memref<128xi32, #tpu.memory_space<vmem>>, vector<16xi32>,
        %get3A_127 = arith.constant 1 : i32
        %get3A_128 = arith.index_cast %get3A_127 : i32 to index
        %get3A_129 = arith.constant 32 : index
        %get3A_130 = tpu.vector_load %arg6[%get3A_128, %get3A_129] {strides = array<i32>} : memref<3x128xi32, #tpu.memory_space<vmem>>, vector<1x16xi32>,
        %get3A_131 = vector.shape_cast %get3A_130 : vector<1x16xi32> to vector<16xi32>
        %mul3A_132 = arith.constant 10000 : i32
        %mul3A_133 = vector.broadcast %mul3A_132 : i32 to vector<16xi32>
        %mul3A_134 = arith.muli %get3A_131, %mul3A_133 : vector<16xi32>
        %get3A_135 = arith.constant 0 : i32
        %get3A_136 = arith.index_cast %get3A_135 : i32 to index
        %get3A_137 = arith.constant 32 : index
        %get3A_138 = tpu.vector_load %arg6[%get3A_136, %get3A_137] {strides = array<i32>} : memref<3x128xi32, #tpu.memory_space<vmem>>, vector<1x16xi32>,
        %get3A_139 = vector.shape_cast %get3A_138 : vector<1x16xi32> to vector<16xi32>
        %add3A_140 = arith.addi %mul3A_134, %get3A_139 : vector<16xi32>
        %swap3A_141 = arith.constant 32 : index
        %swap3A_142 = tpu.vector_load %arg8[%swap3A_141] {strides = array<i32>} : memref<128xi32, #tpu.memory_space<vmem>>, vector<16xi32>,
        %swap3A_143 = vector.shape_cast %swap3A_142 : vector<16xi32> to vector<16xi32>
        %swap3A_144 = vector.shape_cast %add3A_140 : vector<16xi32> to vector<16xi32>
        tpu.vector_store %arg8[%swap3A_141], %swap3A_144 {strides = array<i32>} : memref<128xi32, #tpu.memory_space<vmem>>, vector<16xi32>,
        %get3A_145 = arith.constant 1 : i32
        %get3A_146 = arith.index_cast %get3A_145 : i32 to index
        %get3A_147 = arith.constant 48 : index
        %get3A_148 = tpu.vector_load %arg6[%get3A_146, %get3A_147] {strides = array<i32>} : memref<3x128xi32, #tpu.memory_space<vmem>>, vector<1x16xi32>,
        %get3A_149 = vector.shape_cast %get3A_148 : vector<1x16xi32> to vector<16xi32>
        %mul3A_150 = arith.constant 10000 : i32
        %mul3A_151 = vector.broadcast %mul3A_150 : i32 to vector<16xi32>
        %mul3A_152 = arith.muli %get3A_149, %mul3A_151 : vector<16xi32>
        %get3A_153 = arith.constant 0 : i32
        %get3A_154 = arith.index_cast %get3A_153 : i32 to index
        %get3A_155 = arith.constant 48 : index
        %get3A_156 = tpu.vector_load %arg6[%get3A_154, %get3A_155] {strides = array<i32>} : memref<3x128xi32, #tpu.memory_space<vmem>>, vector<1x16xi32>,
        %get3A_157 = vector.shape_cast %get3A_156 : vector<1x16xi32> to vector<16xi32>
        %add3A_158 = arith.addi %mul3A_152, %get3A_157 : vector<16xi32>
        %swap3A_159 = arith.constant 48 : index
        %swap3A_160 = tpu.vector_load %arg8[%swap3A_159] {strides = array<i32>} : memref<128xi32, #tpu.memory_space<vmem>>, vector<16xi32>,
        %swap3A_161 = vector.shape_cast %swap3A_160 : vector<16xi32> to vector<16xi32>
        %swap3A_162 = vector.shape_cast %add3A_158 : vector<16xi32> to vector<16xi32>
        tpu.vector_store %arg8[%swap3A_159], %swap3A_162 {strides = array<i32>} : memref<128xi32, #tpu.memory_space<vmem>>, vector<16xi32>,
        %get3A_163 = arith.constant 1 : i32
        %get3A_164 = arith.index_cast %get3A_163 : i32 to index
        %get3A_165 = arith.constant 64 : index
        %get3A_166 = tpu.vector_load %arg6[%get3A_164, %get3A_165] {strides = array<i32>} : memref<3x128xi32, #tpu.memory_space<vmem>>, vector<1x16xi32>,
        %get3A_167 = vector.shape_cast %get3A_166 : vector<1x16xi32> to vector<16xi32>
        %mul3A_168 = arith.constant 10000 : i32
        %mul3A_169 = vector.broadcast %mul3A_168 : i32 to vector<16xi32>
        %mul3A_170 = arith.muli %get3A_167, %mul3A_169 : vector<16xi32>
        %get3A_171 = arith.constant 0 : i32
        %get3A_172 = arith.index_cast %get3A_171 : i32 to index
        %get3A_173 = arith.constant 64 : index
        %get3A_174 = tpu.vector_load %arg6[%get3A_172, %get3A_173] {strides = array<i32>} : memref<3x128xi32, #tpu.memory_space<vmem>>, vector<1x16xi32>,
        %get3A_175 = vector.shape_cast %get3A_174 : vector<1x16xi32> to vector<16xi32>
        %add3A_176 = arith.addi %mul3A_170, %get3A_175 : vector<16xi32>
        %swap3A_177 = arith.constant 64 : index
        %swap3A_178 = tpu.vector_load %arg8[%swap3A_177] {strides = array<i32>} : memref<128xi32, #tpu.memory_space<vmem>>, vector<16xi32>,
        %swap3A_179 = vector.shape_cast %swap3A_178 : vector<16xi32> to vector<16xi32>
        %swap3A_180 = vector.shape_cast %add3A_176 : vector<16xi32> to vector<16xi32>
        tpu.vector_store %arg8[%swap3A_177], %swap3A_180 {strides = array<i32>} : memref<128xi32, #tpu.memory_space<vmem>>, vector<16xi32>,
        %get3A_181 = arith.constant 1 : i32
        %get3A_182 = arith.index_cast %get3A_181 : i32 to index
        %get3A_183 = arith.constant 80 : index
        %get3A_184 = tpu.vector_load %arg6[%get3A_182, %get3A_183] {strides = array<i32>} : memref<3x128xi32, #tpu.memory_space<vmem>>, vector<1x16xi32>,
        %get3A_185 = vector.shape_cast %get3A_184 : vector<1x16xi32> to vector<16xi32>
        %mul3A_186 = arith.constant 10000 : i32
        %mul3A_187 = vector.broadcast %mul3A_186 : i32 to vector<16xi32>
        %mul3A_188 = arith.muli %get3A_185, %mul3A_187 : vector<16xi32>
        %get3A_189 = arith.constant 0 : i32
        %get3A_190 = arith.index_cast %get3A_189 : i32 to index
        %get3A_191 = arith.constant 80 : index
        %get3A_192 = tpu.vector_load %arg6[%get3A_190, %get3A_191] {strides = array<i32>} : memref<3x128xi32, #tpu.memory_space<vmem>>, vector<1x16xi32>,
        %get3A_193 = vector.shape_cast %get3A_192 : vector<1x16xi32> to vector<16xi32>
        %add3A_194 = arith.addi %mul3A_188, %get3A_193 : vector<16xi32>
        %swap3A_195 = arith.constant 80 : index
        %swap3A_196 = tpu.vector_load %arg8[%swap3A_195] {strides = array<i32>} : memref<128xi32, #tpu.memory_space<vmem>>, vector<16xi32>,
        %swap3A_197 = vector.shape_cast %swap3A_196 : vector<16xi32> to vector<16xi32>
        %swap3A_198 = vector.shape_cast %add3A_194 : vector<16xi32> to vector<16xi32>
        tpu.vector_store %arg8[%swap3A_195], %swap3A_198 {strides = array<i32>} : memref<128xi32, #tpu.memory_space<vmem>>, vector<16xi32>,
        %get3A_199 = arith.constant 1 : i32
        %get3A_200 = arith.index_cast %get3A_199 : i32 to index
        %get3A_201 = arith.constant 96 : index
        %get3A_202 = tpu.vector_load %arg6[%get3A_200, %get3A_201] {strides = array<i32>} : memref<3x128xi32, #tpu.memory_space<vmem>>, vector<1x16xi32>,
        %get3A_203 = vector.shape_cast %get3A_202 : vector<1x16xi32> to vector<16xi32>
        %mul3A_204 = arith.constant 10000 : i32
        %mul3A_205 = vector.broadcast %mul3A_204 : i32 to vector<16xi32>
        %mul3A_206 = arith.muli %get3A_203, %mul3A_205 : vector<16xi32>
        %get3A_207 = arith.constant 0 : i32
        %get3A_208 = arith.index_cast %get3A_207 : i32 to index
        %get3A_209 = arith.constant 96 : index
        %get3A_210 = tpu.vector_load %arg6[%get3A_208, %get3A_209] {strides = array<i32>} : memref<3x128xi32, #tpu.memory_space<vmem>>, vector<1x16xi32>,
        %get3A_211 = vector.shape_cast %get3A_210 : vector<1x16xi32> to vector<16xi32>
        %add3A_212 = arith.addi %mul3A_206, %get3A_211 : vector<16xi32>
        %swap3A_213 = arith.constant 96 : index
        %swap3A_214 = tpu.vector_load %arg8[%swap3A_213] {strides = array<i32>} : memref<128xi32, #tpu.memory_space<vmem>>, vector<16xi32>,
        %swap3A_215 = vector.shape_cast %swap3A_214 : vector<16xi32> to vector<16xi32>
        %swap3A_216 = vector.shape_cast %add3A_212 : vector<16xi32> to vector<16xi32>
        tpu.vector_store %arg8[%swap3A_213], %swap3A_216 {strides = array<i32>} : memref<128xi32, #tpu.memory_space<vmem>>, vector<16xi32>,
        %get3A_217 = arith.constant 1 : i32
        %get3A_218 = arith.index_cast %get3A_217 : i32 to index
        %get3A_219 = arith.constant 112 : index
        %get3A_220 = tpu.vector_load %arg6[%get3A_218, %get3A_219] {strides = array<i32>} : memref<3x128xi32, #tpu.memory_space<vmem>>, vector<1x16xi32>,
        %get3A_221 = vector.shape_cast %get3A_220 : vector<1x16xi32> to vector<16xi32>
        %mul3A_222 = arith.constant 10000 : i32
        %mul3A_223 = vector.broadcast %mul3A_222 : i32 to vector<16xi32>
        %mul3A_224 = arith.muli %get3A_221, %mul3A_223 : vector<16xi32>
        %get3A_225 = arith.constant 0 : i32
        %get3A_226 = arith.index_cast %get3A_225 : i32 to index
        %get3A_227 = arith.constant 112 : index
        %get3A_228 = tpu.vector_load %arg6[%get3A_226, %get3A_227] {strides = array<i32>} : memref<3x128xi32, #tpu.memory_space<vmem>>, vector<1x16xi32>,
        %get3A_229 = vector.shape_cast %get3A_228 : vector<1x16xi32> to vector<16xi32>
        %add3A_230 = arith.addi %mul3A_224, %get3A_229 : vector<16xi32>
        %swap3A_231 = arith.constant 112 : index
        %swap3A_232 = tpu.vector_load %arg8[%swap3A_231] {strides = array<i32>} : memref<128xi32, #tpu.memory_space<vmem>>, vector<16xi32>,
        %swap3A_233 = vector.shape_cast %swap3A_232 : vector<16xi32> to vector<16xi32>
        %swap3A_234 = vector.shape_cast %add3A_230 : vector<16xi32> to vector<16xi32>
        tpu.vector_store %arg8[%swap3A_231], %swap3A_234 {strides = array<i32>} : memref<128xi32, #tpu.memory_space<vmem>>, vector<16xi32>,
      } else {
      }
      %ge3A = arith.constant 2500 : i32
      %ge3A_45 = arith.cmpi sge, %add3A_39, %ge3A : i32
      %lt3A_46 = arith.constant 2500 : i32
      %lt3A_47 = arith.cmpi slt, %add3A_37, %lt3A_46 : i32
      %and3A = arith.andi %ge3A_45, %lt3A_47 : i1
      %convert_element_type3A_48 = arith.extui %and3A : i1 to i32
      %cond3A_49 = arith.constant 0 : i32
      %cond3A_50 = arith.cmpi ne, %convert_element_type3A_48, %cond3A_49 : i32
      scf.if %cond3A_50 {
        %dma_start3A = arith.constant 0 : i32
        %dma_start3A_73 = arith.constant 0 : i32
        %dma_start3A_74 = tpu.memref_slice %arg2[%dma_start3A, %dma_start3A_73] : memref<270000x128xf32, #tpu.memory_space<hbm>> -> memref<270000x128xf32, #tpu.memory_space<hbm>>
        tpu.enqueue_indirect_dma source(%dma_start3A_74 : memref<270000x128xf32, #tpu.memory_space<hbm>>) target(%arg9 : memref<128x128xf32, #tpu.memory_space<vmem>>) offsets(%arg7 : memref<128xi32, #tpu.memory_space<vmem>>) semaphore(%arg11 : memref<!tpu.dma_semaphore, #tpu.memory_space<semaphore_mem>>)
        %dma_wait3A = arith.constant 0 : i32
        %dma_wait3A_75 = arith.constant 0 : i32
        %dma_wait3A_76 = tpu.memref_slice %arg2[%dma_wait3A, %dma_wait3A_75] : memref<270000x128xf32, #tpu.memory_space<hbm>> -> memref<270000x128xf32, #tpu.memory_space<hbm>>
        tpu.wait_indirect_dma semaphore(%arg11 : memref<!tpu.dma_semaphore, #tpu.memory_space<semaphore_mem>>) src(%dma_wait3A_76 : memref<270000x128xf32, #tpu.memory_space<hbm>>) dst(%arg9 : memref<128x128xf32, #tpu.memory_space<vmem>>)
        %run_scoped3A = arith.constant 2 : i32
        "tpu.region"() ({
          %run_scoped3A_77 = tpu.sem_alloc : memref<!tpu.dma_semaphore, #tpu.memory_space<semaphore_mem>>
          %dma_start3A_78 = arith.constant 0 : i32
          %dma_start3A_79 = tpu.memref_slice %arg5[%run_scoped3A, %dma_start3A_78] : memref<3x128xi32, #tpu.memory_space<vmem>> -> memref<1x128xi32, #tpu.memory_space<vmem>>
          %dma_start3A_80 = tpu.memref_squeeze %dma_start3A_79 : memref<1x128xi32, #tpu.memory_space<vmem>> -> memref<128xi32, #tpu.memory_space<vmem>>
          %dma_start3A_81 = arith.constant 0 : i32
          %dma_start3A_82 = arith.constant 0 : i32
          %dma_start3A_83 = tpu.memref_slice %arg10[%dma_start3A_81, %dma_start3A_82] : memref<10112x128xf32, #tpu.memory_space<vmem_shared>> -> memref<10112x128xf32, #tpu.memory_space<vmem_shared>>
          tpu.enqueue_indirect_dma source(%arg9 : memref<128x128xf32, #tpu.memory_space<vmem>>) target(%dma_start3A_83 : memref<10112x128xf32, #tpu.memory_space<vmem_shared>>) offsets(%dma_start3A_80 : memref<128xi32, #tpu.memory_space<vmem>>) semaphore(%run_scoped3A_77 : memref<!tpu.dma_semaphore, #tpu.memory_space<semaphore_mem>>) {add = true}
          %dma_wait3A_84 = arith.constant 0 : i32
          %dma_wait3A_85 = tpu.memref_slice %arg5[%run_scoped3A, %dma_wait3A_84] : memref<3x128xi32, #tpu.memory_space<vmem>> -> memref<1x128xi32, #tpu.memory_space<vmem>>
          %dma_wait3A_86 = tpu.memref_squeeze %dma_wait3A_85 : memref<1x128xi32, #tpu.memory_space<vmem>> -> memref<128xi32, #tpu.memory_space<vmem>>
          %dma_wait3A_87 = arith.constant 0 : i32
          %dma_wait3A_88 = arith.constant 0 : i32
          %dma_wait3A_89 = tpu.memref_slice %arg10[%dma_wait3A_87, %dma_wait3A_88] : memref<10112x128xf32, #tpu.memory_space<vmem_shared>> -> memref<10112x128xf32, #tpu.memory_space<vmem_shared>>
          tpu.wait_indirect_dma semaphore(%run_scoped3A_77 : memref<!tpu.dma_semaphore, #tpu.memory_space<semaphore_mem>>) src(%arg9 : memref<128x128xf32, #tpu.memory_space<vmem>>) dst(%dma_wait3A_89 : memref<10112x128xf32, #tpu.memory_space<vmem_shared>>)
          tpu.yield
        }) : () -> ()
      } else {
      }
      %mul3A_51 = arith.constant 2 : i32
      %mul3A_52 = arith.muli %mul3A_51, %scan3A_30 : i32
      %add3A_53 = arith.constant 1 : i32
      %add3A_54 = arith.addi %mul3A_52, %add3A_53 : i32
      %mul3A_55 = arith.constant 32 : i32
      %mul3A_56 = arith.muli %add3A_54, %mul3A_55 : i32
      %add3A_57 = arith.addi %mul3A_56, %add3A : i32
      %add3A_58 = arith.constant 32 : i32
      %add3A_59 = arith.addi %add3A_57, %add3A_58 : i32
      %lt3A_60 = arith.constant 2500 : i32
      %lt3A_61 = arith.cmpi slt, %add3A_59, %lt3A_60 : i32
      %convert_element_type3A_62 = arith.extui %lt3A_61 : i1 to i32
      %cond3A_63 = arith.constant 0 : i32
      %cond3A_64 = arith.cmpi ne, %convert_element_type3A_62, %cond3A_63 : i32
      scf.if %cond3A_64 {
        %dma_start3A = arith.constant 0 : i32
        %dma_start3A_73 = arith.constant 0 : i32
        %dma_start3A_74 = tpu.memref_slice %arg3[%add3A_59, %dma_start3A, %dma_start3A_73] : memref<2500x3x128xi32, #tpu.memory_space<hbm>> -> memref<1x3x128xi32, #tpu.memory_space<hbm>>
        %dma_start3A_75 = tpu.memref_squeeze %dma_start3A_74 : memref<1x3x128xi32, #tpu.memory_space<hbm>> -> memref<3x128xi32, #tpu.memory_space<hbm>>
        %dma_start3A_76 = arith.constant 0 : i32
        %dma_start3A_77 = arith.constant 0 : i32
        %dma_start3A_78 = tpu.memref_slice %arg3[%add3A_59, %dma_start3A_76, %dma_start3A_77] : memref<2500x3x128xi32, #tpu.memory_space<hbm>> -> memref<1x3x128xi32, #tpu.memory_space<hbm>>
        %dma_start3A_79 = tpu.memref_squeeze %dma_start3A_78 : memref<1x3x128xi32, #tpu.memory_space<hbm>> -> memref<3x128xi32, #tpu.memory_space<hbm>>
        tpu.enqueue_dma source(%dma_start3A_79 : memref<3x128xi32, #tpu.memory_space<hbm>>) target(%arg5 : memref<3x128xi32, #tpu.memory_space<vmem>>) target_semaphore(%arg12 : memref<!tpu.dma_semaphore, #tpu.memory_space<semaphore_mem>>)
        %dma_start3A_80 = arith.constant 0 : i32
        %dma_start3A_81 = arith.constant 0 : i32
        %dma_start3A_82 = tpu.memref_slice %arg2[%dma_start3A_80, %dma_start3A_81] : memref<270000x128xf32, #tpu.memory_space<hbm>> -> memref<270000x128xf32, #tpu.memory_space<hbm>>
        tpu.enqueue_indirect_dma source(%dma_start3A_82 : memref<270000x128xf32, #tpu.memory_space<hbm>>) target(%arg9 : memref<128x128xf32, #tpu.memory_space<vmem>>) offsets(%arg8 : memref<128xi32, #tpu.memory_space<vmem>>) semaphore(%arg11 : memref<!tpu.dma_semaphore, #tpu.memory_space<semaphore_mem>>)
        %dma_wait3A = arith.constant 0 : i32
        %dma_wait3A_83 = arith.constant 0 : i32
        %dma_wait3A_84 = tpu.memref_slice %arg2[%dma_wait3A, %dma_wait3A_83] : memref<270000x128xf32, #tpu.memory_space<hbm>> -> memref<270000x128xf32, #tpu.memory_space<hbm>>
        tpu.wait_indirect_dma semaphore(%arg11 : memref<!tpu.dma_semaphore, #tpu.memory_space<semaphore_mem>>) src(%dma_wait3A_84 : memref<270000x128xf32, #tpu.memory_space<hbm>>) dst(%arg9 : memref<128x128xf32, #tpu.memory_space<vmem>>)
        %run_scoped3A = arith.constant 2 : i32
        "tpu.region"() ({
          %run_scoped3A_235 = tpu.sem_alloc : memref<!tpu.dma_semaphore, #tpu.memory_space<semaphore_mem>>
          %dma_start3A_236 = arith.constant 0 : i32
          %dma_start3A_237 = tpu.memref_slice %arg6[%run_scoped3A, %dma_start3A_236] : memref<3x128xi32, #tpu.memory_space<vmem>> -> memref<1x128xi32, #tpu.memory_space<vmem>>
          %dma_start3A_238 = tpu.memref_squeeze %dma_start3A_237 : memref<1x128xi32, #tpu.memory_space<vmem>> -> memref<128xi32, #tpu.memory_space<vmem>>
          %dma_start3A_239 = arith.constant 0 : i32
          %dma_start3A_240 = arith.constant 0 : i32
          %dma_start3A_241 = tpu.memref_slice %arg10[%dma_start3A_239, %dma_start3A_240] : memref<10112x128xf32, #tpu.memory_space<vmem_shared>> -> memref<10112x128xf32, #tpu.memory_space<vmem_shared>>
          tpu.enqueue_indirect_dma source(%arg9 : memref<128x128xf32, #tpu.memory_space<vmem>>) target(%dma_start3A_241 : memref<10112x128xf32, #tpu.memory_space<vmem_shared>>) offsets(%dma_start3A_238 : memref<128xi32, #tpu.memory_space<vmem>>) semaphore(%run_scoped3A_235 : memref<!tpu.dma_semaphore, #tpu.memory_space<semaphore_mem>>) {add = true}
          %dma_wait3A_242 = arith.constant 0 : i32
          %dma_wait3A_243 = tpu.memref_slice %arg6[%run_scoped3A, %dma_wait3A_242] : memref<3x128xi32, #tpu.memory_space<vmem>> -> memref<1x128xi32, #tpu.memory_space<vmem>>
          %dma_wait3A_244 = tpu.memref_squeeze %dma_wait3A_243 : memref<1x128xi32, #tpu.memory_space<vmem>> -> memref<128xi32, #tpu.memory_space<vmem>>
          %dma_wait3A_245 = arith.constant 0 : i32
          %dma_wait3A_246 = arith.constant 0 : i32
          %dma_wait3A_247 = tpu.memref_slice %arg10[%dma_wait3A_245, %dma_wait3A_246] : memref<10112x128xf32, #tpu.memory_space<vmem_shared>> -> memref<10112x128xf32, #tpu.memory_space<vmem_shared>>
          tpu.wait_indirect_dma semaphore(%run_scoped3A_235 : memref<!tpu.dma_semaphore, #tpu.memory_space<semaphore_mem>>) src(%arg9 : memref<128x128xf32, #tpu.memory_space<vmem>>) dst(%dma_wait3A_247 : memref<10112x128xf32, #tpu.memory_space<vmem_shared>>)
          tpu.yield
        }) : () -> ()
        %dma_wait3A_85 = arith.constant 0 : i32
        %dma_wait3A_86 = arith.constant 0 : i32
        %dma_wait3A_87 = tpu.memref_slice %arg3[%add3A_59, %dma_wait3A_85, %dma_wait3A_86] : memref<2500x3x128xi32, #tpu.memory_space<hbm>> -> memref<1x3x128xi32, #tpu.memory_space<hbm>>
        %dma_wait3A_88 = tpu.memref_squeeze %dma_wait3A_87 : memref<1x3x128xi32, #tpu.memory_space<hbm>> -> memref<3x128xi32, #tpu.memory_space<hbm>>
        %dma_wait3A_89 = arith.constant 0 : i32
        %dma_wait3A_90 = arith.constant 0 : i32
        %dma_wait3A_91 = tpu.memref_slice %arg3[%add3A_59, %dma_wait3A_89, %dma_wait3A_90] : memref<2500x3x128xi32, #tpu.memory_space<hbm>> -> memref<1x3x128xi32, #tpu.memory_space<hbm>>
        %dma_wait3A_92 = tpu.memref_squeeze %dma_wait3A_91 : memref<1x3x128xi32, #tpu.memory_space<hbm>> -> memref<3x128xi32, #tpu.memory_space<hbm>>
        tpu.wait_dma2 semaphore(%arg12 : memref<!tpu.dma_semaphore, #tpu.memory_space<semaphore_mem>>) src(%dma_wait3A_92 : memref<3x128xi32, #tpu.memory_space<hbm>>) dst(%arg5 : memref<3x128xi32, #tpu.memory_space<vmem>>)
        %get3A = arith.constant 1 : i32
        %get3A_93 = arith.index_cast %get3A : i32 to index
        %get3A_94 = arith.constant 0 : index
        %get3A_95 = tpu.vector_load %arg5[%get3A_93, %get3A_94] {strides = array<i32>} : memref<3x128xi32, #tpu.memory_space<vmem>>, vector<1x16xi32>,
        %get3A_96 = vector.shape_cast %get3A_95 : vector<1x16xi32> to vector<16xi32>
        %mul3A_97 = arith.constant 10000 : i32
        %mul3A_98 = vector.broadcast %mul3A_97 : i32 to vector<16xi32>
        %mul3A_99 = arith.muli %get3A_96, %mul3A_98 : vector<16xi32>
        %get3A_100 = arith.constant 0 : i32
        %get3A_101 = arith.index_cast %get3A_100 : i32 to index
        %get3A_102 = arith.constant 0 : index
        %get3A_103 = tpu.vector_load %arg5[%get3A_101, %get3A_102] {strides = array<i32>} : memref<3x128xi32, #tpu.memory_space<vmem>>, vector<1x16xi32>,
        %get3A_104 = vector.shape_cast %get3A_103 : vector<1x16xi32> to vector<16xi32>
        %add3A_105 = arith.addi %mul3A_99, %get3A_104 : vector<16xi32>
        %swap3A = arith.constant 0 : index
        %swap3A_106 = tpu.vector_load %arg7[%swap3A] {strides = array<i32>} : memref<128xi32, #tpu.memory_space<vmem>>, vector<16xi32>,
        %swap3A_107 = vector.shape_cast %swap3A_106 : vector<16xi32> to vector<16xi32>
        %swap3A_108 = vector.shape_cast %add3A_105 : vector<16xi32> to vector<16xi32>
        tpu.vector_store %arg7[%swap3A], %swap3A_108 {strides = array<i32>} : memref<128xi32, #tpu.memory_space<vmem>>, vector<16xi32>,
        %get3A_109 = arith.constant 1 : i32
        %get3A_110 = arith.index_cast %get3A_109 : i32 to index
        %get3A_111 = arith.constant 16 : index
        %get3A_112 = tpu.vector_load %arg5[%get3A_110, %get3A_111] {strides = array<i32>} : memref<3x128xi32, #tpu.memory_space<vmem>>, vector<1x16xi32>,
        %get3A_113 = vector.shape_cast %get3A_112 : vector<1x16xi32> to vector<16xi32>
        %mul3A_114 = arith.constant 10000 : i32
        %mul3A_115 = vector.broadcast %mul3A_114 : i32 to vector<16xi32>
        %mul3A_116 = arith.muli %get3A_113, %mul3A_115 : vector<16xi32>
        %get3A_117 = arith.constant 0 : i32
        %get3A_118 = arith.index_cast %get3A_117 : i32 to index
        %get3A_119 = arith.constant 16 : index
        %get3A_120 = tpu.vector_load %arg5[%get3A_118, %get3A_119] {strides = array<i32>} : memref<3x128xi32, #tpu.memory_space<vmem>>, vector<1x16xi32>,
        %get3A_121 = vector.shape_cast %get3A_120 : vector<1x16xi32> to vector<16xi32>
        %add3A_122 = arith.addi %mul3A_116, %get3A_121 : vector<16xi32>
        %swap3A_123 = arith.constant 16 : index
        %swap3A_124 = tpu.vector_load %arg7[%swap3A_123] {strides = array<i32>} : memref<128xi32, #tpu.memory_space<vmem>>, vector<16xi32>,
        %swap3A_125 = vector.shape_cast %swap3A_124 : vector<16xi32> to vector<16xi32>
        %swap3A_126 = vector.shape_cast %add3A_122 : vector<16xi32> to vector<16xi32>
        tpu.vector_store %arg7[%swap3A_123], %swap3A_126 {strides = array<i32>} : memref<128xi32, #tpu.memory_space<vmem>>, vector<16xi32>,
        %get3A_127 = arith.constant 1 : i32
        %get3A_128 = arith.index_cast %get3A_127 : i32 to index
        %get3A_129 = arith.constant 32 : index
        %get3A_130 = tpu.vector_load %arg5[%get3A_128, %get3A_129] {strides = array<i32>} : memref<3x128xi32, #tpu.memory_space<vmem>>, vector<1x16xi32>,
        %get3A_131 = vector.shape_cast %get3A_130 : vector<1x16xi32> to vector<16xi32>
        %mul3A_132 = arith.constant 10000 : i32
        %mul3A_133 = vector.broadcast %mul3A_132 : i32 to vector<16xi32>
        %mul3A_134 = arith.muli %get3A_131, %mul3A_133 : vector<16xi32>
        %get3A_135 = arith.constant 0 : i32
        %get3A_136 = arith.index_cast %get3A_135 : i32 to index
        %get3A_137 = arith.constant 32 : index
        %get3A_138 = tpu.vector_load %arg5[%get3A_136, %get3A_137] {strides = array<i32>} : memref<3x128xi32, #tpu.memory_space<vmem>>, vector<1x16xi32>,
        %get3A_139 = vector.shape_cast %get3A_138 : vector<1x16xi32> to vector<16xi32>
        %add3A_140 = arith.addi %mul3A_134, %get3A_139 : vector<16xi32>
        %swap3A_141 = arith.constant 32 : index
        %swap3A_142 = tpu.vector_load %arg7[%swap3A_141] {strides = array<i32>} : memref<128xi32, #tpu.memory_space<vmem>>, vector<16xi32>,
        %swap3A_143 = vector.shape_cast %swap3A_142 : vector<16xi32> to vector<16xi32>
        %swap3A_144 = vector.shape_cast %add3A_140 : vector<16xi32> to vector<16xi32>
        tpu.vector_store %arg7[%swap3A_141], %swap3A_144 {strides = array<i32>} : memref<128xi32, #tpu.memory_space<vmem>>, vector<16xi32>,
        %get3A_145 = arith.constant 1 : i32
        %get3A_146 = arith.index_cast %get3A_145 : i32 to index
        %get3A_147 = arith.constant 48 : index
        %get3A_148 = tpu.vector_load %arg5[%get3A_146, %get3A_147] {strides = array<i32>} : memref<3x128xi32, #tpu.memory_space<vmem>>, vector<1x16xi32>,
        %get3A_149 = vector.shape_cast %get3A_148 : vector<1x16xi32> to vector<16xi32>
        %mul3A_150 = arith.constant 10000 : i32
        %mul3A_151 = vector.broadcast %mul3A_150 : i32 to vector<16xi32>
        %mul3A_152 = arith.muli %get3A_149, %mul3A_151 : vector<16xi32>
        %get3A_153 = arith.constant 0 : i32
        %get3A_154 = arith.index_cast %get3A_153 : i32 to index
        %get3A_155 = arith.constant 48 : index
        %get3A_156 = tpu.vector_load %arg5[%get3A_154, %get3A_155] {strides = array<i32>} : memref<3x128xi32, #tpu.memory_space<vmem>>, vector<1x16xi32>,
        %get3A_157 = vector.shape_cast %get3A_156 : vector<1x16xi32> to vector<16xi32>
        %add3A_158 = arith.addi %mul3A_152, %get3A_157 : vector<16xi32>
        %swap3A_159 = arith.constant 48 : index
        %swap3A_160 = tpu.vector_load %arg7[%swap3A_159] {strides = array<i32>} : memref<128xi32, #tpu.memory_space<vmem>>, vector<16xi32>,
        %swap3A_161 = vector.shape_cast %swap3A_160 : vector<16xi32> to vector<16xi32>
        %swap3A_162 = vector.shape_cast %add3A_158 : vector<16xi32> to vector<16xi32>
        tpu.vector_store %arg7[%swap3A_159], %swap3A_162 {strides = array<i32>} : memref<128xi32, #tpu.memory_space<vmem>>, vector<16xi32>,
        %get3A_163 = arith.constant 1 : i32
        %get3A_164 = arith.index_cast %get3A_163 : i32 to index
        %get3A_165 = arith.constant 64 : index
        %get3A_166 = tpu.vector_load %arg5[%get3A_164, %get3A_165] {strides = array<i32>} : memref<3x128xi32, #tpu.memory_space<vmem>>, vector<1x16xi32>,
        %get3A_167 = vector.shape_cast %get3A_166 : vector<1x16xi32> to vector<16xi32>
        %mul3A_168 = arith.constant 10000 : i32
        %mul3A_169 = vector.broadcast %mul3A_168 : i32 to vector<16xi32>
        %mul3A_170 = arith.muli %get3A_167, %mul3A_169 : vector<16xi32>
        %get3A_171 = arith.constant 0 : i32
        %get3A_172 = arith.index_cast %get3A_171 : i32 to index
        %get3A_173 = arith.constant 64 : index
        %get3A_174 = tpu.vector_load %arg5[%get3A_172, %get3A_173] {strides = array<i32>} : memref<3x128xi32, #tpu.memory_space<vmem>>, vector<1x16xi32>,
        %get3A_175 = vector.shape_cast %get3A_174 : vector<1x16xi32> to vector<16xi32>
        %add3A_176 = arith.addi %mul3A_170, %get3A_175 : vector<16xi32>
        %swap3A_177 = arith.constant 64 : index
        %swap3A_178 = tpu.vector_load %arg7[%swap3A_177] {strides = array<i32>} : memref<128xi32, #tpu.memory_space<vmem>>, vector<16xi32>,
        %swap3A_179 = vector.shape_cast %swap3A_178 : vector<16xi32> to vector<16xi32>
        %swap3A_180 = vector.shape_cast %add3A_176 : vector<16xi32> to vector<16xi32>
        tpu.vector_store %arg7[%swap3A_177], %swap3A_180 {strides = array<i32>} : memref<128xi32, #tpu.memory_space<vmem>>, vector<16xi32>,
        %get3A_181 = arith.constant 1 : i32
        %get3A_182 = arith.index_cast %get3A_181 : i32 to index
        %get3A_183 = arith.constant 80 : index
        %get3A_184 = tpu.vector_load %arg5[%get3A_182, %get3A_183] {strides = array<i32>} : memref<3x128xi32, #tpu.memory_space<vmem>>, vector<1x16xi32>,
        %get3A_185 = vector.shape_cast %get3A_184 : vector<1x16xi32> to vector<16xi32>
        %mul3A_186 = arith.constant 10000 : i32
        %mul3A_187 = vector.broadcast %mul3A_186 : i32 to vector<16xi32>
        %mul3A_188 = arith.muli %get3A_185, %mul3A_187 : vector<16xi32>
        %get3A_189 = arith.constant 0 : i32
        %get3A_190 = arith.index_cast %get3A_189 : i32 to index
        %get3A_191 = arith.constant 80 : index
        %get3A_192 = tpu.vector_load %arg5[%get3A_190, %get3A_191] {strides = array<i32>} : memref<3x128xi32, #tpu.memory_space<vmem>>, vector<1x16xi32>,
        %get3A_193 = vector.shape_cast %get3A_192 : vector<1x16xi32> to vector<16xi32>
        %add3A_194 = arith.addi %mul3A_188, %get3A_193 : vector<16xi32>
        %swap3A_195 = arith.constant 80 : index
        %swap3A_196 = tpu.vector_load %arg7[%swap3A_195] {strides = array<i32>} : memref<128xi32, #tpu.memory_space<vmem>>, vector<16xi32>,
        %swap3A_197 = vector.shape_cast %swap3A_196 : vector<16xi32> to vector<16xi32>
        %swap3A_198 = vector.shape_cast %add3A_194 : vector<16xi32> to vector<16xi32>
        tpu.vector_store %arg7[%swap3A_195], %swap3A_198 {strides = array<i32>} : memref<128xi32, #tpu.memory_space<vmem>>, vector<16xi32>,
        %get3A_199 = arith.constant 1 : i32
        %get3A_200 = arith.index_cast %get3A_199 : i32 to index
        %get3A_201 = arith.constant 96 : index
        %get3A_202 = tpu.vector_load %arg5[%get3A_200, %get3A_201] {strides = array<i32>} : memref<3x128xi32, #tpu.memory_space<vmem>>, vector<1x16xi32>,
        %get3A_203 = vector.shape_cast %get3A_202 : vector<1x16xi32> to vector<16xi32>
        %mul3A_204 = arith.constant 10000 : i32
        %mul3A_205 = vector.broadcast %mul3A_204 : i32 to vector<16xi32>
        %mul3A_206 = arith.muli %get3A_203, %mul3A_205 : vector<16xi32>
        %get3A_207 = arith.constant 0 : i32
        %get3A_208 = arith.index_cast %get3A_207 : i32 to index
        %get3A_209 = arith.constant 96 : index
        %get3A_210 = tpu.vector_load %arg5[%get3A_208, %get3A_209] {strides = array<i32>} : memref<3x128xi32, #tpu.memory_space<vmem>>, vector<1x16xi32>,
        %get3A_211 = vector.shape_cast %get3A_210 : vector<1x16xi32> to vector<16xi32>
        %add3A_212 = arith.addi %mul3A_206, %get3A_211 : vector<16xi32>
        %swap3A_213 = arith.constant 96 : index
        %swap3A_214 = tpu.vector_load %arg7[%swap3A_213] {strides = array<i32>} : memref<128xi32, #tpu.memory_space<vmem>>, vector<16xi32>,
        %swap3A_215 = vector.shape_cast %swap3A_214 : vector<16xi32> to vector<16xi32>
        %swap3A_216 = vector.shape_cast %add3A_212 : vector<16xi32> to vector<16xi32>
        tpu.vector_store %arg7[%swap3A_213], %swap3A_216 {strides = array<i32>} : memref<128xi32, #tpu.memory_space<vmem>>, vector<16xi32>,
        %get3A_217 = arith.constant 1 : i32
        %get3A_218 = arith.index_cast %get3A_217 : i32 to index
        %get3A_219 = arith.constant 112 : index
        %get3A_220 = tpu.vector_load %arg5[%get3A_218, %get3A_219] {strides = array<i32>} : memref<3x128xi32, #tpu.memory_space<vmem>>, vector<1x16xi32>,
        %get3A_221 = vector.shape_cast %get3A_220 : vector<1x16xi32> to vector<16xi32>
        %mul3A_222 = arith.constant 10000 : i32
        %mul3A_223 = vector.broadcast %mul3A_222 : i32 to vector<16xi32>
        %mul3A_224 = arith.muli %get3A_221, %mul3A_223 : vector<16xi32>
        %get3A_225 = arith.constant 0 : i32
        %get3A_226 = arith.index_cast %get3A_225 : i32 to index
        %get3A_227 = arith.constant 112 : index
        %get3A_228 = tpu.vector_load %arg5[%get3A_226, %get3A_227] {strides = array<i32>} : memref<3x128xi32, #tpu.memory_space<vmem>>, vector<1x16xi32>,
        %get3A_229 = vector.shape_cast %get3A_228 : vector<1x16xi32> to vector<16xi32>
        %add3A_230 = arith.addi %mul3A_224, %get3A_229 : vector<16xi32>
        %swap3A_231 = arith.constant 112 : index
        %swap3A_232 = tpu.vector_load %arg7[%swap3A_231] {strides = array<i32>} : memref<128xi32, #tpu.memory_space<vmem>>, vector<16xi32>,
        %swap3A_233 = vector.shape_cast %swap3A_232 : vector<16xi32> to vector<16xi32>
        %swap3A_234 = vector.shape_cast %add3A_230 : vector<16xi32> to vector<16xi32>
        tpu.vector_store %arg7[%swap3A_231], %swap3A_234 {strides = array<i32>} : memref<128xi32, #tpu.memory_space<vmem>>, vector<16xi32>,
      } else {
      }
      %ge3A_65 = arith.constant 2500 : i32
      %ge3A_66 = arith.cmpi sge, %add3A_59, %ge3A_65 : i32
      %lt3A_67 = arith.constant 2500 : i32
      %lt3A_68 = arith.cmpi slt, %add3A_57, %lt3A_67 : i32
      %and3A_69 = arith.andi %ge3A_66, %lt3A_68 : i1
      %convert_element_type3A_70 = arith.extui %and3A_69 : i1 to i32
      %cond3A_71 = arith.constant 0 : i32
      %cond3A_72 = arith.cmpi ne, %convert_element_type3A_70, %cond3A_71 : i32
      scf.if %cond3A_72 {
        %dma_start3A = arith.constant 0 : i32
        %dma_start3A_73 = arith.constant 0 : i32
        %dma_start3A_74 = tpu.memref_slice %arg2[%dma_start3A, %dma_start3A_73] : memref<270000x128xf32, #tpu.memory_space<hbm>> -> memref<270000x128xf32, #tpu.memory_space<hbm>>
        tpu.enqueue_indirect_dma source(%dma_start3A_74 : memref<270000x128xf32, #tpu.memory_space<hbm>>) target(%arg9 : memref<128x128xf32, #tpu.memory_space<vmem>>) offsets(%arg8 : memref<128xi32, #tpu.memory_space<vmem>>) semaphore(%arg11 : memref<!tpu.dma_semaphore, #tpu.memory_space<semaphore_mem>>)
        %dma_wait3A = arith.constant 0 : i32
        %dma_wait3A_75 = arith.constant 0 : i32
        %dma_wait3A_76 = tpu.memref_slice %arg2[%dma_wait3A, %dma_wait3A_75] : memref<270000x128xf32, #tpu.memory_space<hbm>> -> memref<270000x128xf32, #tpu.memory_space<hbm>>
        tpu.wait_indirect_dma semaphore(%arg11 : memref<!tpu.dma_semaphore, #tpu.memory_space<semaphore_mem>>) src(%dma_wait3A_76 : memref<270000x128xf32, #tpu.memory_space<hbm>>) dst(%arg9 : memref<128x128xf32, #tpu.memory_space<vmem>>)
        %run_scoped3A = arith.constant 2 : i32
        "tpu.region"() ({
          %run_scoped3A_77 = tpu.sem_alloc : memref<!tpu.dma_semaphore, #tpu.memory_space<semaphore_mem>>
          %dma_start3A_78 = arith.constant 0 : i32
          %dma_start3A_79 = tpu.memref_slice %arg6[%run_scoped3A, %dma_start3A_78] : memref<3x128xi32, #tpu.memory_space<vmem>> -> memref<1x128xi32, #tpu.memory_space<vmem>>
          %dma_start3A_80 = tpu.memref_squeeze %dma_start3A_79 : memref<1x128xi32, #tpu.memory_space<vmem>> -> memref<128xi32, #tpu.memory_space<vmem>>
          %dma_start3A_81 = arith.constant 0 : i32
          %dma_start3A_82 = arith.constant 0 : i32
          %dma_start3A_83 = tpu.memref_slice %arg10[%dma_start3A_81, %dma_start3A_82] : memref<10112x128xf32, #tpu.memory_space<vmem_shared>> -> memref<10112x128xf32, #tpu.memory_space<vmem_shared>>
          tpu.enqueue_indirect_dma source(%arg9 : memref<128x128xf32, #tpu.memory_space<vmem>>) target(%dma_start3A_83 : memref<10112x128xf32, #tpu.memory_space<vmem_shared>>) offsets(%dma_start3A_80 : memref<128xi32, #tpu.memory_space<vmem>>) semaphore(%run_scoped3A_77 : memref<!tpu.dma_semaphore, #tpu.memory_space<semaphore_mem>>) {add = true}
          %dma_wait3A_84 = arith.constant 0 : i32
          %dma_wait3A_85 = tpu.memref_slice %arg6[%run_scoped3A, %dma_wait3A_84] : memref<3x128xi32, #tpu.memory_space<vmem>> -> memref<1x128xi32, #tpu.memory_space<vmem>>
          %dma_wait3A_86 = tpu.memref_squeeze %dma_wait3A_85 : memref<1x128xi32, #tpu.memory_space<vmem>> -> memref<128xi32, #tpu.memory_space<vmem>>
          %dma_wait3A_87 = arith.constant 0 : i32
          %dma_wait3A_88 = arith.constant 0 : i32
          %dma_wait3A_89 = tpu.memref_slice %arg10[%dma_wait3A_87, %dma_wait3A_88] : memref<10112x128xf32, #tpu.memory_space<vmem_shared>> -> memref<10112x128xf32, #tpu.memory_space<vmem_shared>>
          tpu.wait_indirect_dma semaphore(%run_scoped3A_77 : memref<!tpu.dma_semaphore, #tpu.memory_space<semaphore_mem>>) src(%arg9 : memref<128x128xf32, #tpu.memory_space<vmem>>) dst(%dma_wait3A_89 : memref<10112x128xf32, #tpu.memory_space<vmem_shared>>)
          tpu.yield
        }) : () -> ()
      } else {
      }
    }
    %scan3A_25 = arith.constant 40 : i32
    %barrier3A_26 = arith.constant 0 : index
    tpu.barrier barrier_id(%barrier3A_26)
    %mul3A_27 = arith.constant 10112 : i32
    %mul3A_28 = arith.muli %arg0, %mul3A_27 : i32
    %add3A_29 = arith.addi %mul3A_28, %mul3A_7 : i32
    "tpu.region"() ({
      %run_scoped3A = tpu.sem_alloc : memref<!tpu.dma_semaphore, #tpu.memory_space<semaphore_mem>>
      %dma_start3A = arith.constant 0 : i32
      %dma_start3A_30 = tpu.memref_slice %arg4[%add3A_29, %dma_start3A] : memref<20224x128xf32, #tpu.memory_space<hbm>> -> memref<632x128xf32, #tpu.memory_space<hbm>>
      %dma_start3A_31 = arith.constant 0 : i32
      %dma_start3A_32 = tpu.memref_slice %arg10[%mul3A_7, %dma_start3A_31] : memref<10112x128xf32, #tpu.memory_space<vmem_shared>> -> memref<632x128xf32, #tpu.memory_space<vmem_shared>>
      tpu.enqueue_dma source(%dma_start3A_32 : memref<632x128xf32, #tpu.memory_space<vmem_shared>>) target(%dma_start3A_30 : memref<632x128xf32, #tpu.memory_space<hbm>>) target_semaphore(%run_scoped3A : memref<!tpu.dma_semaphore, #tpu.memory_space<semaphore_mem>>)
      %dma_wait3A = arith.constant 0 : i32
      %dma_wait3A_33 = tpu.memref_slice %arg4[%add3A_29, %dma_wait3A] : memref<20224x128xf32, #tpu.memory_space<hbm>> -> memref<632x128xf32, #tpu.memory_space<hbm>>
      %dma_wait3A_34 = arith.constant 0 : i32
      %dma_wait3A_35 = tpu.memref_slice %arg10[%mul3A_7, %dma_wait3A_34] : memref<10112x128xf32, #tpu.memory_space<vmem_shared>> -> memref<632x128xf32, #tpu.memory_space<vmem_shared>>
      tpu.wait_dma2 semaphore(%run_scoped3A : memref<!tpu.dma_semaphore, #tpu.memory_space<semaphore_mem>>) src(%dma_wait3A_35 : memref<632x128xf32, #tpu.memory_space<vmem_shared>>) dst(%dma_wait3A_33 : memref<632x128xf32, #tpu.memory_space<hbm>>)
      tpu.yield
    }) : () -> ()
    return
  }
}

module attributes {stable_mosaic.version = 14 : i64} {
  func.func @_mm_kernel(%arg0: i32, %arg1: i32, %arg2: memref<10000x128xf32, #tpu.memory_space<vmem>>, %arg3: memref<1x128x128xf32, #tpu.memory_space<vmem>>, %arg4: memref<1x10000x128xf32, #tpu.memory_space<vmem>>) attributes {dimension_semantics = [#tpu.dimension_semantics<arbitrary>, #tpu.dimension_semantics<arbitrary>], iteration_bounds = array<i64: 1, 27>, scalar_prefetch = 0 : i64, scratch_operands = 0 : i64, tpu.core_type = #tpu.core_type<tc>, window_params = [{transform_indices = @transform_0, window_bounds = array<i64: 10000, 128>}, {transform_indices = @transform_1, window_bounds = array<i64: 1, 128, 128>}, {transform_indices = @transform_2, window_bounds = array<i64: 1, 10000, 128>}]} {
    %get3A = arith.constant 0 : index
    %get3A_0 = arith.constant 0 : index
    %get3A_1 = vector.load %arg2[%get3A, %get3A_0] : memref<10000x128xf32, #tpu.memory_space<vmem>>, vector<10000x128xf32>
    %get3A_2 = arith.constant 0 : index
    %get3A_3 = arith.constant 0 : index
    %get3A_4 = arith.constant 0 : index
    %get3A_5 = vector.load %arg3[%get3A_2, %get3A_3, %get3A_4] : memref<1x128x128xf32, #tpu.memory_space<vmem>>, vector<1x128x128xf32>
    %get3A_6 = vector.shape_cast %get3A_5 : vector<1x128x128xf32> to vector<128x128xf32>
    %dot_general3A = arith.constant dense<0.000000e+00> : vector<10000x128xf32>
    %dot_general3A_7 = tpu.matmul %get3A_1, %get3A_6, %dot_general3A {dimension_numbers = #tpu.dot_dimension_numbers<[1], [0], [0], [1], [0, 0, 1, 1], [], []>, transpose_lhs_hint = false} : vector<10000x128xf32>, vector<128x128xf32>, vector<10000x128xf32> -> vector<10000x128xf32>
    %swap3A = arith.constant 0 : index
    %swap3A_8 = arith.constant 0 : index
    %swap3A_9 = arith.constant 0 : index
    %swap3A_10 = vector.load %arg4[%swap3A, %swap3A_8, %swap3A_9] : memref<1x10000x128xf32, #tpu.memory_space<vmem>>, vector<1x10000x128xf32>
    %swap3A_11 = vector.shape_cast %swap3A_10 : vector<1x10000x128xf32> to vector<10000x128xf32>
    %swap3A_12 = vector.shape_cast %dot_general3A_7 : vector<10000x128xf32> to vector<1x10000x128xf32>
    tpu.vector_store %arg4[%swap3A, %swap3A_8, %swap3A_9], %swap3A_12 {strides = array<i32>} : memref<1x10000x128xf32, #tpu.memory_space<vmem>>, vector<1x10000x128xf32>,
    return
  }
  func.func @transform_0(%arg0: i32, %arg1: i32) -> (i32, i32) {
    %c0_i32 = arith.constant 0 : i32
    %c0_i32_0 = arith.constant 0 : i32
    return %arg0, %c0_i32 : i32, i32
  }
  func.func @transform_1(%arg0: i32, %arg1: i32) -> (i32, i32, i32) {
    %c0_i32 = arith.constant 0 : i32
    %c0_i32_0 = arith.constant 0 : i32
    %c0_i32_1 = arith.constant 0 : i32
    return %arg1, %c0_i32, %c0_i32_0 : i32, i32, i32
  }
  func.func @transform_2(%arg0: i32, %arg1: i32) -> (i32, i32, i32) {
    %c0_i32 = arith.constant 0 : i32
    %c0_i32_0 = arith.constant 0 : i32
    return %arg1, %arg0, %c0_i32 : i32, i32, i32
  }
}

module attributes {stable_mosaic.version = 14 : i64} {
  func.func @_bn_relu_kernel(%arg0: memref<2x10112x128xf32, #tpu.memory_space<vmem>>, %arg1: memref<1x128xf32, #tpu.memory_space<vmem>>, %arg2: memref<1x128xf32, #tpu.memory_space<vmem>>, %arg3: memref<10000x128xf32, #tpu.memory_space<vmem>>) attributes {dimension_semantics = [], scalar_prefetch = 0 : i64, scratch_operands = 0 : i64, tpu.core_type = #tpu.core_type<tc>} {
    %get3A = arith.constant 0 : index
    %get3A_0 = arith.constant 0 : index
    %get3A_1 = arith.constant 0 : index
    %get3A_2 = vector.load %arg0[%get3A, %get3A_0, %get3A_1] : memref<2x10112x128xf32, #tpu.memory_space<vmem>>, vector<1x10000x128xf32>
    %get3A_3 = vector.shape_cast %get3A_2 : vector<1x10000x128xf32> to vector<10000x128xf32>
    %get3A_4 = arith.constant 1 : index
    %get3A_5 = arith.constant 0 : index
    %get3A_6 = arith.constant 0 : index
    %get3A_7 = vector.load %arg0[%get3A_4, %get3A_5, %get3A_6] : memref<2x10112x128xf32, #tpu.memory_space<vmem>>, vector<1x10000x128xf32>
    %get3A_8 = vector.shape_cast %get3A_7 : vector<1x10000x128xf32> to vector<10000x128xf32>
    %add3A = arith.addf %get3A_3, %get3A_8 : vector<10000x128xf32>
    %reduce_sum3A = arith.constant dense<0.000000e+00> : vector<128xf32>
    %reduce_sum3A_9 = vector.multi_reduction <add>, %add3A, %reduce_sum3A [0] : vector<10000x128xf32> to vector<128xf32>
    %broadcast_in_dim3A = vector.shape_cast %reduce_sum3A_9 : vector<128xf32> to vector<1x128xf32>
    %div3A = arith.constant 1.000000e+04 : f32
    %div3A_10 = vector.broadcast %div3A : f32 to vector<1x128xf32>
    %div3A_11 = arith.divf %broadcast_in_dim3A, %div3A_10 : vector<1x128xf32>
    %sub3A = vector.broadcast %div3A_11 : vector<1x128xf32> to vector<10000x128xf32>
    %sub3A_12 = arith.subf %add3A, %sub3A : vector<10000x128xf32>
    %square3A = arith.mulf %sub3A_12, %sub3A_12 : vector<10000x128xf32>
    %reduce_sum3A_13 = arith.constant dense<0.000000e+00> : vector<128xf32>
    %reduce_sum3A_14 = vector.multi_reduction <add>, %square3A, %reduce_sum3A_13 [0] : vector<10000x128xf32> to vector<128xf32>
    %broadcast_in_dim3A_15 = vector.shape_cast %reduce_sum3A_14 : vector<128xf32> to vector<1x128xf32>
    %div3A_16 = arith.constant 1.000000e+04 : f32
    %div3A_17 = vector.broadcast %div3A_16 : f32 to vector<1x128xf32>
    %div3A_18 = arith.divf %broadcast_in_dim3A_15, %div3A_17 : vector<1x128xf32>
    %get3A_19 = arith.constant 0 : index
    %get3A_20 = arith.constant 0 : index
    %get3A_21 = vector.load %arg1[%get3A_19, %get3A_20] : memref<1x128xf32, #tpu.memory_space<vmem>>, vector<1x128xf32>
    %sub3A_22 = vector.broadcast %div3A_11 : vector<1x128xf32> to vector<10000x128xf32>
    %sub3A_23 = arith.subf %add3A, %sub3A_22 : vector<10000x128xf32>
    %mul3A = vector.broadcast %get3A_21 : vector<1x128xf32> to vector<10000x128xf32>
    %mul3A_24 = arith.mulf %mul3A, %sub3A_23 : vector<10000x128xf32>
    %add3A_25 = arith.constant 9.99999974E-6 : f32
    %add3A_26 = vector.broadcast %add3A_25 : f32 to vector<1x128xf32>
    %add3A_27 = arith.addf %div3A_18, %add3A_26 : vector<1x128xf32>
    %rsqrt3A = math.rsqrt %add3A_27 : vector<1x128xf32>
    %mul3A_28 = vector.broadcast %rsqrt3A : vector<1x128xf32> to vector<10000x128xf32>
    %mul3A_29 = arith.mulf %mul3A_24, %mul3A_28 : vector<10000x128xf32>
    %get3A_30 = arith.constant 0 : index
    %get3A_31 = arith.constant 0 : index
    %get3A_32 = vector.load %arg2[%get3A_30, %get3A_31] : memref<1x128xf32, #tpu.memory_space<vmem>>, vector<1x128xf32>
    %add3A_33 = vector.broadcast %get3A_32 : vector<1x128xf32> to vector<10000x128xf32>
    %add3A_34 = arith.addf %mul3A_29, %add3A_33 : vector<10000x128xf32>
    %max3A = arith.constant 0.000000e+00 : f32
    %max3A_35 = vector.broadcast %max3A : f32 to vector<10000x128xf32>
    %max3A_36 = arith.maximumf %add3A_34, %max3A_35 : vector<10000x128xf32>
    %swap3A = arith.constant 0 : index
    %swap3A_37 = arith.constant 0 : index
    %swap3A_38 = vector.load %arg3[%swap3A, %swap3A_37] : memref<10000x128xf32, #tpu.memory_space<vmem>>, vector<10000x128xf32>
    tpu.vector_store %arg3[%swap3A, %swap3A_37], %max3A_36 {strides = array<i32>} : memref<10000x128xf32, #tpu.memory_space<vmem>>, vector<10000x128xf32>,
    return
  }
}

module attributes {stable_mosaic.version = 14 : i64} {
  func.func @_bn_res_relu_kernel(%arg0: memref<2x10112x128xf32, #tpu.memory_space<vmem>>, %arg1: memref<10000x128xf32, #tpu.memory_space<vmem>>, %arg2: memref<1x128xf32, #tpu.memory_space<vmem>>, %arg3: memref<1x128xf32, #tpu.memory_space<vmem>>, %arg4: memref<10000x128xf32, #tpu.memory_space<vmem>>) attributes {dimension_semantics = [], scalar_prefetch = 0 : i64, scratch_operands = 0 : i64, tpu.core_type = #tpu.core_type<tc>} {
    %get3A = arith.constant 0 : index
    %get3A_0 = arith.constant 0 : index
    %get3A_1 = arith.constant 0 : index
    %get3A_2 = vector.load %arg0[%get3A, %get3A_0, %get3A_1] : memref<2x10112x128xf32, #tpu.memory_space<vmem>>, vector<1x10000x128xf32>
    %get3A_3 = vector.shape_cast %get3A_2 : vector<1x10000x128xf32> to vector<10000x128xf32>
    %get3A_4 = arith.constant 1 : index
    %get3A_5 = arith.constant 0 : index
    %get3A_6 = arith.constant 0 : index
    %get3A_7 = vector.load %arg0[%get3A_4, %get3A_5, %get3A_6] : memref<2x10112x128xf32, #tpu.memory_space<vmem>>, vector<1x10000x128xf32>
    %get3A_8 = vector.shape_cast %get3A_7 : vector<1x10000x128xf32> to vector<10000x128xf32>
    %add3A = arith.addf %get3A_3, %get3A_8 : vector<10000x128xf32>
    %reduce_sum3A = arith.constant dense<0.000000e+00> : vector<128xf32>
    %reduce_sum3A_9 = vector.multi_reduction <add>, %add3A, %reduce_sum3A [0] : vector<10000x128xf32> to vector<128xf32>
    %broadcast_in_dim3A = vector.shape_cast %reduce_sum3A_9 : vector<128xf32> to vector<1x128xf32>
    %div3A = arith.constant 1.000000e+04 : f32
    %div3A_10 = vector.broadcast %div3A : f32 to vector<1x128xf32>
    %div3A_11 = arith.divf %broadcast_in_dim3A, %div3A_10 : vector<1x128xf32>
    %sub3A = vector.broadcast %div3A_11 : vector<1x128xf32> to vector<10000x128xf32>
    %sub3A_12 = arith.subf %add3A, %sub3A : vector<10000x128xf32>
    %square3A = arith.mulf %sub3A_12, %sub3A_12 : vector<10000x128xf32>
    %reduce_sum3A_13 = arith.constant dense<0.000000e+00> : vector<128xf32>
    %reduce_sum3A_14 = vector.multi_reduction <add>, %square3A, %reduce_sum3A_13 [0] : vector<10000x128xf32> to vector<128xf32>
    %broadcast_in_dim3A_15 = vector.shape_cast %reduce_sum3A_14 : vector<128xf32> to vector<1x128xf32>
    %div3A_16 = arith.constant 1.000000e+04 : f32
    %div3A_17 = vector.broadcast %div3A_16 : f32 to vector<1x128xf32>
    %div3A_18 = arith.divf %broadcast_in_dim3A_15, %div3A_17 : vector<1x128xf32>
    %get3A_19 = arith.constant 0 : index
    %get3A_20 = arith.constant 0 : index
    %get3A_21 = vector.load %arg2[%get3A_19, %get3A_20] : memref<1x128xf32, #tpu.memory_space<vmem>>, vector<1x128xf32>
    %sub3A_22 = vector.broadcast %div3A_11 : vector<1x128xf32> to vector<10000x128xf32>
    %sub3A_23 = arith.subf %add3A, %sub3A_22 : vector<10000x128xf32>
    %mul3A = vector.broadcast %get3A_21 : vector<1x128xf32> to vector<10000x128xf32>
    %mul3A_24 = arith.mulf %mul3A, %sub3A_23 : vector<10000x128xf32>
    %add3A_25 = arith.constant 9.99999974E-6 : f32
    %add3A_26 = vector.broadcast %add3A_25 : f32 to vector<1x128xf32>
    %add3A_27 = arith.addf %div3A_18, %add3A_26 : vector<1x128xf32>
    %rsqrt3A = math.rsqrt %add3A_27 : vector<1x128xf32>
    %mul3A_28 = vector.broadcast %rsqrt3A : vector<1x128xf32> to vector<10000x128xf32>
    %mul3A_29 = arith.mulf %mul3A_24, %mul3A_28 : vector<10000x128xf32>
    %get3A_30 = arith.constant 0 : index
    %get3A_31 = arith.constant 0 : index
    %get3A_32 = vector.load %arg3[%get3A_30, %get3A_31] : memref<1x128xf32, #tpu.memory_space<vmem>>, vector<1x128xf32>
    %add3A_33 = vector.broadcast %get3A_32 : vector<1x128xf32> to vector<10000x128xf32>
    %add3A_34 = arith.addf %mul3A_29, %add3A_33 : vector<10000x128xf32>
    %get3A_35 = arith.constant 0 : index
    %get3A_36 = arith.constant 0 : index
    %get3A_37 = vector.load %arg1[%get3A_35, %get3A_36] : memref<10000x128xf32, #tpu.memory_space<vmem>>, vector<10000x128xf32>
    %add3A_38 = arith.addf %add3A_34, %get3A_37 : vector<10000x128xf32>
    %max3A = arith.constant 0.000000e+00 : f32
    %max3A_39 = vector.broadcast %max3A : f32 to vector<10000x128xf32>
    %max3A_40 = arith.maximumf %add3A_38, %max3A_39 : vector<10000x128xf32>
    %swap3A = arith.constant 0 : index
    %swap3A_41 = arith.constant 0 : index
    %swap3A_42 = vector.load %arg4[%swap3A, %swap3A_41] : memref<10000x128xf32, #tpu.memory_space<vmem>>, vector<10000x128xf32>
    tpu.vector_store %arg4[%swap3A, %swap3A_41], %max3A_40 {strides = array<i32>} : memref<10000x128xf32, #tpu.memory_space<vmem>>, vector<10000x128xf32>,
    return
  }
}

</mosaic_0001>

<sc_bundles>
// kernel: kernel.11.cloned.1.call-start
scs
__scs_entry_jumppad:
0x0: {  	(pc) =	sbr.rel $0x88, $3  }
0x1: {  	(tag) =	ssettag $0x0;
	lr =	simm.s32 $0x1  }
0x2: {  	[smem:$0x3F98] =	sst lr;
	_ =	strace $0xD0000000  }
0x3: {  	_ = 	snop  }
0x4: {  	_ = 	snop  }
0x5: {  	_ = 	snop  }
0x6: {  	_ = 	snop  }
0x7: {  	_ = 	snop  }
__scs_overlays_trampoline_lowered:
0x8: {  	[smem:$0x3FA7] =	sst s0  }
0x9: {  	[smem:$0x3FA8] =	sst s1  }
0xa: {  	[smem:$0x3FA9] =	sst s2  }
0xb: {  	[smem:$0x3FAA] =	sst s3  }
0xc: {  	[smem:$0x3FAB] =	sst s4  }
0xd: {  	[smem:$0x3FAC] =	sst s5  }
0xe: {  	[smem:$0x3FAD] =	sst s6  }
0xf: {  	[smem:$0x3FAE] =	sst s7  }
0x10: {  	[smem:$0x3FAF] =	sst s8  }
0x11: {  	[smem:$0x3FB0] =	sst s9;
	s0 =	simm.s32 @!p0 $0x0  }
0x12: {  	s1 =	sld [smem:$0x3F96];
	s0 =	simm.s32 @p0 $0x1  }
0x13: {  	[smem:$0x3FB1] =	sst s0;
	s0 =	simm.s32 @!p1 $0x0  }
0x14: {  	s2 =	sld [smem:$0x3F95];
	s0 =	simm.s32 @p1 $0x1  }
0x15: {  	[smem:$0x3FB2] =	sst s0;
	s0 =	simm.s32 @!p2 $0x0  }
0x16: {  	s3 =	sld [smem:$0x3FDB];
	s0 =	simm.s32 @p2 $0x1  }
0x17: {  	s4 =	simm.s32 $0x1BF5;
	[smem:$0x3FB4] =	sst s0  }
0x18: {  	s0 =	sld [smem:$0x3F97];
	_ =	swait.ge [sflag:s4], $0x0  }
0x19: {  	s7 =	sld [smem:$0x3F98]  }
0x1a: {  	s8 =	sadd.s32 $0xFFFFE003, lr  }
0x1b: {  	s9 =	sadd.s32 $0xFFFFFEF7, lr;
	s5 =	simm.s32 $0xFFFFFFFF;
	p2 =	slt.u32 s8, $0xFFFFF086  }
0x1c: {  	p1 =	slt.u32 s9, $0xF7A;
	s5 =	simm.s32 @!p2 $0x0  }
0x1d: {  	s5 =	simm.s32 @p1 $0x1;
	p0 =	seq.s32 s7, s2  }
0x1e: {  	s7 =	smul.u32 @!p0 $0xF7A, s2;
	p2 =	seq.s32 @!p0 s5, $0x0  }
0x1f: {  	s9 =	smul.u32 $0xF7A, s1;
	s8 =	simm.s32 @!p0 $0x1BF5;
	p2 =	por !p2, p0  }
0x20: {  	[sflag:s8] =	ssyncset.s32 @!p0 $0xFFFFF086;
	s6 =	sadd.s32 @!p0 s3, s7;
	s7 =	simm.s32 @!p0 $0x108  }
0x21: {  	s3 =	sadd.s32 s3, s9;
	s6 =	sadd.s32 @!p0 $0x88, s6;
	s7 =	simm.s32 @p2 $0x1082  }
0x22: {  	[simem:s7], [sflag:s8] =	dma.local @!p0 [hbm:s6], $0xF7A  }
0x23: {  	s9 =	sor.u32 $0xD0000000, s2;
	s6 =	simm.s32 $0x108;
	_ =	swait.ge @!p0 [sflag:s8], $0x0  }
0x24: {  	s3 =	sadd.s32 $0x88, s3;
	s6 =	simm.s32 @!p1 $0x1082;
	[sflag:s4] =	ssyncset.s32 $0xFFFFF086  }
0x25: {  	[simem:s6], [sflag:s4] =	dma.local [hbm:s3], $0xF7A  }
0x26: {  	[smem:$0x3F98] =	sst s1;
	(tag) =	ssettag s2;
	_ =	strace s9  }
0x27: {  	s1 =	sld [smem:$0x3FA8]  }
0x28: {  	s2 =	sld [smem:$0x3FA9]  }
0x29: {  	s4 =	sld [smem:$0x3FAB]  }
0x2a: {  	p0 =	seq.s32 s5, $0x0;
	s5 =	sld [smem:$0x3FAC]  }
0x2b: {  	s6 =	sld [smem:$0x3FAD]  }
0x2c: {  	s7 =	sld [smem:$0x3FAE]  }
0x2d: {  	s3 =	simm.s32 $0x108;
	s8 =	sld [smem:$0x3FAF]  }
0x2e: {  	s3 =	simm.s32 @!p0 $0x1082;
	s9 =	sld [smem:$0x3FB0]  }
0x2f: {  	lr =	sadd.s32 s0, s3;
	s0 =	sld [smem:$0x3FA7]  }
0x30: {  	s3 =	sld [smem:$0x3FAA]  }
0x31: {  	[smem:$0x3FB3] =	sst s10  }
0x32: {  	s10 =	sld [smem:$0x3FB1];
	_ =	sdelay $0x3  }
0x33: {  	p0 =	seq.s32 s10, $0x1;
	s10 =	sld [smem:$0x3FB3];
	_ =	sdelay $0x3  }
0x34: {  	[smem:$0x3FB3] =	sst s10  }
0x35: {  	s10 =	sld [smem:$0x3FB2];
	_ =	sdelay $0x3  }
0x36: {  	p1 =	seq.s32 s10, $0x1;
	s10 =	sld [smem:$0x3FB3];
	_ =	sdelay $0x3  }
0x37: {  	[smem:$0x3FB3] =	sst s10  }
0x38: {  	s10 =	sld [smem:$0x3FB4]  }
0x39: {  	_ = 	snop;
	(pc) =	sbr.ind lr, $3  }
0x3a: {  	_ = 	snop  }
0x3b: {  	_ = 	snop  }
0x3c: {  	p2 =	seq.s32 s10, $0x1;
	s10 =	sld [smem:$0x3FB3]  }
0x3d: {  	_ =	shalt  }
0x3e: {  	_ =	shalt  }
0x3f: {  	_ =	shalt  }
0x40: {  	_ =	shalt  }
0x41: {  	_ =	shalt  }
0x42: {  	_ =	shalt  }
0x43: {  	_ =	shalt  }
0x44: {  	_ =	shalt  }
0x45: {  	_ =	shalt  }
0x46: {  	_ =	shalt  }
0x47: {  	_ =	shalt  }
0x48: {  	_ =	shalt  }
0x49: {  	_ =	shalt  }
0x4a: {  	_ =	shalt  }
0x4b: {  	_ =	shalt  }
0x4c: {  	_ =	shalt  }
0x4d: {  	_ =	shalt  }
0x4e: {  	_ =	shalt  }
0x4f: {  	_ =	shalt  }
0x50: {  	_ =	shalt  }
0x51: {  	_ =	shalt  }
0x52: {  	_ =	shalt  }
0x53: {  	_ =	shalt  }
0x54: {  	_ =	shalt  }
0x55: {  	_ =	shalt  }
0x56: {  	_ =	shalt  }
0x57: {  	_ =	shalt  }
0x58: {  	_ =	shalt  }
0x59: {  	_ =	shalt  }
0x5a: {  	_ =	shalt  }
0x5b: {  	_ =	shalt  }
0x5c: {  	_ =	shalt  }
0x5d: {  	_ =	shalt  }
0x5e: {  	_ =	shalt  }
0x5f: {  	_ =	shalt  }
0x60: {  	_ =	shalt  }
0x61: {  	_ =	shalt  }
0x62: {  	_ =	shalt  }
0x63: {  	_ =	shalt  }
0x64: {  	_ =	shalt  }
0x65: {  	_ =	shalt  }
0x66: {  	_ =	shalt  }
0x67: {  	_ =	shalt  }
0x68: {  	_ =	shalt  }
0x69: {  	_ =	shalt  }
0x6a: {  	_ =	shalt  }
0x6b: {  	_ =	shalt  }
0x6c: {  	_ =	shalt  }
0x6d: {  	_ =	shalt  }
0x6e: {  	_ =	shalt  }
0x6f: {  	_ =	shalt  }
0x70: {  	_ =	shalt  }
0x71: {  	_ =	shalt  }
0x72: {  	_ =	shalt  }
0x73: {  	_ =	shalt  }
0x74: {  	_ =	shalt  }
0x75: {  	_ =	shalt  }
0x76: {  	_ =	shalt  }
0x77: {  	_ =	shalt  }
0x78: {  	_ =	shalt  }
0x79: {  	_ =	shalt  }
0x7a: {  	_ =	shalt  }
0x7b: {  	_ =	shalt  }
0x7c: {  	_ =	shalt  }
0x7d: {  	_ =	shalt  }
0x7e: {  	_ =	shalt  }
0x7f: {  	_ =	shalt  }
0x80: {  	_ =	shalt  }
0x81: {  	_ =	shalt  }
0x82: {  	_ =	shalt  }
0x83: {  	_ =	shalt  }
0x84: {  	_ =	shalt  }
0x85: {  	_ =	shalt  }
0x86: {  	_ =	shalt  }
0x87: {  	_ =	shalt  }
.Lfunc_end0:
.L_simem_size_0:
called_computation.1_lowered:
.L_overlay_start_0:
0x88: {  	s2 =	sld [smem:$0x3FD9]  }
0x89: {  	s3 =	sld [smem:$0x3FFE];
	_ =	sdelay $0x1  }
0x8a: {  	s1 =	srdreg.scid  }
0x8b: {  	s0 =	sand.u32 $0x1, s1  }
0x8c: {  	s17 =	sshll.u32 s0, $0xA;
	s2 =	sadd.s32 s3, s2  }
0x8d: {  	s2 =	sadd.s32 s2, s17  }
0x8e: {  	[smem:$0x3FBF] =	sst s2  }
0x8f: {  	_ = 	snop  }
0x90: {  	s2 =	sld [smem:$0x3FD0];
	(tm) =	ssettm $0x1  }
0x91: {  	s18 =	sld [smem:$0x3FFB];
	_ =	sdelay $0x3  }
0x92: {  	_ =	strace s18  }
0x93: {  	s3 =	sld [smem:$0x3FFC];
	_ =	sdelay $0x3  }
0x94: {  	_ =	strace s3  }
0x95: {  	s3 =	sld [smem:$0x3FFD];
	_ =	sdelay $0x3  }
0x96: {  	_ =	strace s3  }
0x97: {  	_ =	strace $0x8FFFFFFF  }
0x98: {  	s19 =	sld [smem:$0x3FDB];
	_ =	sdelay $0x1  }
0x99: {  	s4 =	simm.s32 $_scs_section_size  }
0x9a: {  	s5 =	simm.s32 $_size__tile_overlayer_lowered;
	s6 =	simm.s32 $_tile_overlayer_lowered  }
0x9b: {  	s22 =	simm.s32 $0x1BFF;
	s21 =	sshll.u32 s6, $0x1;
	s3 =	sadd.s32 s4, s19  }
0x9c: {  	s7 =	simm.s32 $0x0;
	s20 =	sshll.u32 s5, $0x1;
	s5 =	sadd.s32 s21, s3  }
0x9d: {  	[timem:s7], [sflag:s22] =	dma.local [hbm:s5], s20  }
0x9e: {  	_ =	swait.ge [sflag:s22], s20  }
0x9f: {  	s4 =	ssub.s32 $0x0, s20;
	[sflag:s22] =	ssyncset.done $0x0  }
0xa0: {  	[sflag:s22] =	ssyncadd.s32 s4;
	_ =	sdelay $0x1  }
0xa1: {  	s23 =	simm.s32 $0x1B8B  }
0xa2: {  	_ =	swait.ge [sflag:s23], $0x1  }
0xa3: {  	[sflag:s23] =	ssyncset.done $0x0  }
0xa4: {  	s25 =	simm.s32 $0x1B8E;
	s24 =	sld [smem:$0x3FFE];
	[sflag:s23] =	ssyncadd.s32 $0xFFFFFFFF  }
0xa5: {  	s26 =	simm.s32 $execute0_lowered;
	[smem:$0x3FD2] =	sst s25  }
0xa6: {  	s5 =	sshll.u32 s26, $0x1;
	_ =	strace $0x80000049;
	[dreg:$0x1] =	wrdreg $0xFFFFFFFF  }
0xa7: {  	s28 =	simm.s32 $_size_execute0_lowered;
	s3 =	sadd.s32 s3, s5;
	[dreg:$0x0] =	wrdreg $0x0  }
0xa8: {  	s5 =	sshll.u32 s28, $0x1;
	[dreg:$0x2] =	wrdreg s3  }
0xa9: {  	[dreg:$0x3] =	wrdreg s5  }
0xaa: {  	[dreg:$0x4] =	wrdreg $0xC0  }
0xab: {  	_ =	task [dreg:s7], $0x5FFFF  }
0xac: {  	[dreg:$0x1] =	wrdreg $0xFFFFFFFF  }
0xad: {  	[dreg:$0x0] =	wrdreg $0x60  }
0xae: {  	[dreg:$0x2] =	wrdreg s24  }
0xaf: {  	[dreg:$0x3] =	wrdreg s2  }
0xb0: {  	[dreg:$0x4] =	wrdreg $0x45000  }
0xb1: {  	[dreg:$0x5] =	wrdreg $0x9  }
0xb2: {  	_ =	task.clear_ibuf [dreg:s7], $0x6FFFF;
	_ =	strace $0x90000049  }
0xb3: {  	s29 =	simm.s32 $0x9;
	_ =	strace $0x8000004B  }
0xb4: {  	_ =	swait.ge [sflag:s29], $0x1  }
0xb5: {  	[sflag:s29] =	ssyncadd.s32 $0xFFFFFFFF  }
0xb6: {  	_ =	strace $0x9000004B  }
0xb7: {  	_ =	sfence  }
0xb8: {  	s30 =	sld [smem:$0x0];
	_ =	sdelay $0x2  }
0xb9: {  	s31 =	sshll.u32 s1, $0xD;
	s1 =	sshrl.u32 s1, $0x2  }
0xba: {  	s3 =	sand.u32 $0x4000, s31;
	s1 =	sadd.s32 s1, s30  }
0xbb: {  	s0 =	sor.u32 s3, s0;
	s1 =	sshll.u32 s1, $0x11  }
0xbc: {  	s0 =	sor.u32 s1, s0  }
0xbd: {  	s0 =	sadd.s32 $0x8F2B, s0  }
0xbe: {  	[sflag:s0] =	ssyncadd.remote.s32 $0x1  }
0xbf: {  	_ =	sfence.sel $0xFFFF  }
0xc0: {  	[dreg:$0x0] =	wrdreg $0xFFFFFFFF;
	(pc) =	sbr.abs _section_cstart, $3  }
0xc1: {  	[dreg:$0x1] =	wrdreg $0xFFFFFFFF  }
0xc2: {  	_ =	task.clear_ibuf [dreg:s7], $0x2FFFF;
	_ =	strace $0x9FFFFFFF  }
0xc3: {  	(tm) =	ssettm $0x7FFFFFFF  }
tec
execute0_lowered:
.L_overlay_start_1:
0x0: {  	(tag) =	ssettag $0x1  }
0x1: {  	s5 =	rddreg [dreg:$0x0]  }
0x2: {  	s12 =	rddreg [dreg:$0x1]  }
0x3: {  	s2 =	rddreg [dreg:$0x2]  }
0x4: {  	s0 =	rddreg [dreg:$0x3];
	s4 =	srdreg.scid  }
0x5: {  	s1 =	stileid.u32;
	s3 =	simm.s32 $0x0;
	s17 =	simm.s32 $0x3  }
0x6: {  	s18 =	simm.s32 $0x200;
	s19 =	simm.s32 $0x80;
	s20 =	simm.s32 $0x400  }
0x7: {  	s21 =	simm.s32 $0x1;
	s22 =	simm.s32 $0x100;
	s23 =	simm.s32 $0x4  }
0x8: {  	s24 =	simm.s32 $0x2;
	s25 =	simm.s32 $0x0;
	s6 =	smul.u32 $0x2780, s1  }
0x9: {  	s11 =	sand.u32 $0x1, s4;
	[smem:$0x7FF] =	sst s3;
	s8 =	smul.u32 $0x4F000, s1  }
0xa: {  	s4 =	sadd.s32 $0x1E00, s5;
	s7 =	smul.u32 $0x27800, s11;
	_ =	strace $0x8000004A  }
0xb: {  	s26 =	ssub.s32 $0x2, s11;
	s30 =	sshll.u32 s11, $0x4;
	s11 =	sshll.u32 s11, $0xA  }
0xc: {  	s28 =	sshrl.u32 s26, $0x1;
	s29 =	sshrl.u32 s8, $0x2;
	s16 =	sadd.s32 s11, s12  }
0xd: {  	s11 =	sshll.u32 s1, $0x6;
	s6 =	sadd.s32 s6, s7;
	s14 =	ssub.s32 s26, s28  }
.Ltmp0:
0xe: {  	s31 =	sadd.s32 s11, s16;
	s16 =	simm.s32 $0x500;
	(pc) =	sbr.rel .LBB2_1-.Ltmp0, $4  }
0xf: {  	s13 =	sadd.s32 s6, s5;
	s5 =	sadd.s32 s29, s2;
	s6 =	sor.u32 s1, s30  }
0x10: {  	s14 =	smax.u32 s14, $0x1;
	s7 =	sadd.s32 $0x4000, s5;
	s8 =	sadd.s32 $0x8000, s5  }
0x11: {  	s9 =	sadd.s32 $0xC000, s5;
	s10 =	sadd.s32 $0x10000, s5;
	s15 =	sshll.u32 s6, $0x6  }
0x12: {  	v0 =	vimm.f32 $0.0e+00;
	s13 =	sadd.s32 $0x420A00, s13;
	s12 =	sadd.s32 s12, s15;
	s15 =	sadd.s32 $0x1000, s31  }
.LBB2_8:
0x13: {  	s25 =	sadd.s32 $0x1, s25  }
0x14: {  	[bflag:$0x0] =	sbarrier.arrive $0xFFFF;
	p0 =	sne.s32 s25, s14  }
.Ltmp1:
0x15: {  	s26 =	sor.u32 $0x1C03, s11;
	s28 =	sshrl.u32 s5, $0x3;
	(pc) =	sbr.rel @!p0 .LBB2_9-.Ltmp1, $4  }
0x16: {  	[hbm:s13], [sflag:s26] =	dma.local [spmem:s28], $0x2780  }
0x17: {  	_ =	swait.ge [sflag:s17], $0x2780  }
0x18: {  	[sflag:s17] =	ssyncset.done $0x0  }
0x19: {  	[sflag:s17] =	ssyncadd.s32 $0xFFFFD880  }
.LBB2_1:
0x1a: {  	s26 =	simm.s32 $0x0;
	s28 =	simm.s32 $0x200  }
.LBB2_2:
0x1b: {  	p0 =	sne.s32 s28, $0xFE00;
	[tilespmem:s26+$0x570] =	vst v0  }
0x1c: {  	[tilespmem:s26+$0x500] =	vst v0  }
0x1d: {  	[tilespmem:s26+$0x510] =	vst v0  }
.Ltmp2:
0x1e: {  	[tilespmem:s26+$0x520] =	vst v0;
	(pc) =	sbr.rel @p0 .LBB2_2-.Ltmp2, $4  }
0x1f: {  	[tilespmem:s26+$0x530] =	vst v0  }
0x20: {  	[tilespmem:s26+$0x540] =	vst v0  }
0x21: {  	[tilespmem:s26+$0x550] =	vst v0  }
0x22: {  	[tilespmem:s26+$0x560] =	vst v0;
	s26 =	sshra.s32 s28, $0x2;
	s28 =	sadd.s32 $0x200, s28  }
0x23: {  	[tilespmem:s26+$0x570] =	vst v0  }
0x24: {  	[tilespmem:s26+$0x500] =	vst v0  }
0x25: {  	[tilespmem:s26+$0x510] =	vst v0  }
0x26: {  	[tilespmem:s26+$0x520] =	vst v0  }
0x27: {  	[tilespmem:s26+$0x530] =	vst v0  }
0x28: {  	[tilespmem:s26+$0x540] =	vst v0  }
0x29: {  	[tilespmem:s26+$0x550] =	vst v0  }
0x2a: {  	[tilespmem:s26+$0x560] =	vst v0  }
0x2b: {  	[spmem:s5] =	stream.linear.scatter [tilespmem:s16], [sflag:$0x3], $0x4000, $0x38;
	[tilespmem:$0x18100] =	vst v63  }
0x2c: {  	_ =	swait.ge [sflag:s17], $0x4000  }
0x2d: {  	[sflag:s17] =	ssyncset.done $0x0  }
0x2e: {  	[sflag:s17] =	ssyncadd.s32 $0xFFFFC000  }
0x2f: {  	[spmem:s7] =	stream.linear.scatter [tilespmem:s16], [sflag:$0x3], $0x4000, $0x38;
	[tilespmem:$0x18100] =	vst v63  }
0x30: {  	_ =	swait.ge [sflag:s17], $0x4000  }
0x31: {  	[sflag:s17] =	ssyncset.done $0x0  }
0x32: {  	[sflag:s17] =	ssyncadd.s32 $0xFFFFC000  }
0x33: {  	[spmem:s8] =	stream.linear.scatter [tilespmem:s16], [sflag:$0x3], $0x4000, $0x38;
	[tilespmem:$0x18100] =	vst v63  }
0x34: {  	_ =	swait.ge [sflag:s17], $0x4000  }
0x35: {  	[sflag:s17] =	ssyncset.done $0x0  }
0x36: {  	[sflag:s17] =	ssyncadd.s32 $0xFFFFC000  }
0x37: {  	[spmem:s9] =	stream.linear.scatter [tilespmem:s16], [sflag:$0x3], $0x4000, $0x38;
	[tilespmem:$0x18100] =	vst v63  }
0x38: {  	_ =	swait.ge [sflag:s17], $0x4000  }
0x39: {  	[sflag:s17] =	ssyncset.done $0x0  }
0x3a: {  	[sflag:s17] =	ssyncadd.s32 $0xFFFFC000  }
0x3b: {  	[spmem:s10] =	stream.linear.scatter [tilespmem:s16], [sflag:$0x3], $0x3C00, $0x38;
	[tilespmem:$0x18100] =	vst v63  }
0x3c: {  	_ =	swait.ge [sflag:s17], $0x3C00  }
0x3d: {  	[sflag:s17] =	ssyncset.done $0x0  }
0x3e: {  	[sflag:s17] =	ssyncadd.s32 $0xFFFFC400  }
0x3f: {  	s26 =	simm.s32 $0x0;
	[bflag:$0x0] =	sbarrier.arrive $0xFFFF  }
0x40: {  	[tilespmem:s26], [sflag:$0x3] =	stream.linear.gather [hbm4b:s12+s26], $0x180, $0x38;
	[tilespmem:$0x18100] =	vst v63  }
0x41: {  	_ =	swait.ge [sflag:s17], $0x180  }
0x42: {  	[sflag:s17] =	ssyncset.done $0x0  }
0x43: {  	[sflag:s17] =	ssyncadd.s32 $0xFFFFFE80  }
0x44: {  	v1 =	vld [tilespmem:$0x80]  }
0x45: {  	v2 =	vld [tilespmem:$0x0]  }
0x46: {  	v3 =	vld [tilespmem:$0x90]  }
0x47: {  	v4 =	vld [tilespmem:$0x10]  }
0x48: {  	v5 =	vld [tilespmem:$0xA0]  }
0x49: {  	v6 =	vld [tilespmem:$0x20]  }
0x4a: {  	v7 =	vld [tilespmem:$0xB0]  }
0x4b: {  	v8 =	vld [tilespmem:$0x30]  }
0x4c: {  	v9 =	vld [tilespmem:$0xC0]  }
0x4d: {  	v10 =	vld [tilespmem:$0x40]  }
0x4e: {  	v11 =	vld [tilespmem:$0xD0]  }
0x4f: {  	v12 =	vld [tilespmem:$0x50];
	v1 =	vmul.u32 $0x2710, v1  }
0x50: {  	v13 =	vld [tilespmem:$0xE0];
	v3 =	vmul.u32 $0x2710, v3  }
0x51: {  	v61 =	vld [tilespmem:$0xF0];
	v1 =	vadd.s32 v2, v1;
	v2 =	vmul.u32 $0x2710, v5  }
0x52: {  	v62 =	vld [tilespmem:$0x60];
	[tilespmem:$0x400] =	vst v1;
	v1 =	vadd.s32 v4, v3;
	v3 =	vmul.u32 $0x2710, v7  }
0x53: {  	v63 =	vld [tilespmem:$0x70];
	[tilespmem:$0x410] =	vst v1;
	v1 =	vadd.s32 v6, v2;
	v2 =	vmul.u32 $0x2710, v9  }
0x54: {  	[tilespmem:$0x420] =	vst v1;
	v1 =	vadd.s32 v8, v3;
	v3 =	vmul.u32 $0x2710, v11  }
.Ltmp3:
0x55: {  	[tilespmem:$0x430] =	vst v1;
	v1 =	vadd.s32 v10, v2;
	v2 =	vmul.u32 $0x2710, v13;
	(pc) =	sbr.rel .LBB2_4-.Ltmp3, $4  }
0x56: {  	[tilespmem:$0x440] =	vst v1;
	v1 =	vadd.s32 v12, v3;
	v3 =	vmul.u32 $0x2710, v61  }
0x57: {  	[tilespmem:$0x450] =	vst v1;
	v1 =	vadd.s32 v62, v2  }
0x58: {  	[tilespmem:$0x460] =	vst v1;
	v1 =	vadd.s32 v63, v3  }
0x59: {  	s28 =	smov.u32 s15;
	[tilespmem:$0x470] =	vst v1  }
.LBB2_6:
0x5a: {  	s30 =	sadd.s32 $0xFFFFF800, s28  }
0x5b: {  	[tilespmem:s18], [sflag:$0x2] =	stream.linear.gather [hbm4b:s30+s3], $0x180, $0x38;
	[tilespmem:$0x18100] =	vst v63  }
0x5c: {  	_ = 	snop  }
0x5d: {  	[tilespmem:s16], [sflag:$0x1] =	stream.indirect.gather [hbm4b:s4+s19], $0x80, s20, s19, $0xb8;
	[tilespmem:$0x18100] =	vst v63  }
0x5e: {  	_ =	swait.ge [sflag:s21], $0x4000  }
0x5f: {  	[sflag:s21] =	ssyncset.done $0x0  }
0x60: {  	[sflag:s21] =	ssyncadd.s32 $0xFFFFC000  }
0x61: {  	[spmem:s2] =	stream.indirect.scatter.add.f32 [tilespmem:s16], [sflag:$0x4], $0x80, s22, s19, $0xb8;
	[tilespmem:$0x18100] =	vst v63  }
0x62: {  	_ =	swait.ge [sflag:s23], $0x4000  }
0x63: {  	[sflag:s23] =	ssyncset.done $0x0  }
0x64: {  	[sflag:s23] =	ssyncadd.s32 $0xFFFFC000  }
0x65: {  	_ =	swait.ge [sflag:s24], $0x180  }
0x66: {  	[sflag:s24] =	ssyncset.done $0x0  }
0x67: {  	[sflag:s24] =	ssyncadd.s32 $0xFFFFFE80  }
0x68: {  	v1 =	vld [tilespmem:$0x280]  }
0x69: {  	v2 =	vld [tilespmem:$0x200]  }
0x6a: {  	v3 =	vld [tilespmem:$0x290]  }
0x6b: {  	v4 =	vld [tilespmem:$0x210]  }
0x6c: {  	v5 =	vld [tilespmem:$0x2A0]  }
0x6d: {  	v6 =	vld [tilespmem:$0x220]  }
0x6e: {  	v7 =	vld [tilespmem:$0x2B0]  }
0x6f: {  	v8 =	vld [tilespmem:$0x230]  }
0x70: {  	v9 =	vld [tilespmem:$0x2C0]  }
0x71: {  	v10 =	vld [tilespmem:$0x240]  }
0x72: {  	v11 =	vld [tilespmem:$0x2D0]  }
0x73: {  	v12 =	vld [tilespmem:$0x250];
	v1 =	vmul.u32 $0x2710, v1  }
0x74: {  	v13 =	vld [tilespmem:$0x2E0];
	v3 =	vmul.u32 $0x2710, v3  }
0x75: {  	v61 =	vld [tilespmem:$0x2F0];
	v1 =	vadd.s32 v2, v1;
	v2 =	vmul.u32 $0x2710, v5  }
0x76: {  	v62 =	vld [tilespmem:$0x260];
	[tilespmem:$0x480] =	vst v1;
	v1 =	vadd.s32 v4, v3;
	v3 =	vmul.u32 $0x2710, v7  }
0x77: {  	v63 =	vld [tilespmem:$0x270];
	[tilespmem:$0x490] =	vst v1;
	v1 =	vadd.s32 v6, v2;
	v2 =	vmul.u32 $0x2710, v9  }
0x78: {  	[tilespmem:$0x4A0] =	vst v1;
	v1 =	vadd.s32 v8, v3;
	v3 =	vmul.u32 $0x2710, v11  }
0x79: {  	[tilespmem:$0x4B0] =	vst v1;
	v1 =	vadd.s32 v10, v2;
	v2 =	vmul.u32 $0x2710, v13  }
0x7a: {  	[tilespmem:$0x4C0] =	vst v1;
	v1 =	vadd.s32 v12, v3;
	v3 =	vmul.u32 $0x2710, v61  }
0x7b: {  	[tilespmem:$0x4D0] =	vst v1;
	v1 =	vadd.s32 v62, v2  }
0x7c: {  	p0 =	sgt.u32 s29, $0x983;
	[tilespmem:$0x4E0] =	vst v1;
	v1 =	vadd.s32 v63, v3  }
0x7d: {  	s29 =	simm.s32 @p0 $0x80;
	s30 =	simm.s32 @p0 $0x480;
	s31 =	simm.s32 @p0 $0x500;
	[tilespmem:$0x4F0] =	vst v1  }
0x7e: {  	[tilespmem:s31], [sflag:$0x1] =	stream.indirect.gather @p0 [hbm4b:s4+s29], $0x80, s30, s29, $0xb8;
	[tilespmem:$0x18100] =	vst v63  }
0x7f: {  	s30 =	simm.s32 @p0 $0x1  }
0x80: {  	_ =	swait.ge @p0 [sflag:s30], $0x4000  }
0x81: {  	[sflag:s30] =	ssyncset.done @p0 $0x0  }
0x82: {  	[sflag:s30] =	ssyncadd.s32 @p0 $0xFFFFC000;
	s30 =	simm.s32 @p0 $0x300  }
0x83: {  	[spmem:s2] =	stream.indirect.scatter.add.f32 @p0 [tilespmem:s31], [sflag:$0x3], $0x80, s30, s29, $0xb8;
	[tilespmem:$0x18100] =	vst v63  }
0x84: {  	s29 =	simm.s32 @p0 $0x3  }
0x85: {  	_ =	swait.ge @p0 [sflag:s29], $0x4000  }
0x86: {  	[sflag:s29] =	ssyncset.done @p0 $0x0  }
0x87: {  	[sflag:s29] =	ssyncadd.s32 @p0 $0xFFFFC000;
	s29 =	simm.s32 @!p0 $0x0  }
0x88: {  	[tilespmem:s29], [sflag:$0x2] =	stream.linear.gather @!p0 [hbm4b:s28+s29], $0x180, $0x38;
	[tilespmem:$0x18100] =	vst v63  }
0x89: {  	s30 =	simm.s32 @!p0 $0x480;
	s31 =	simm.s32 @!p0 $0x500;
	s29 =	simm.s32 @!p0 $0x80  }
0x8a: {  	[tilespmem:s31], [sflag:$0x1] =	stream.indirect.gather @!p0 [hbm4b:s4+s29], $0x80, s30, s29, $0xb8;
	[tilespmem:$0x18100] =	vst v63  }
0x8b: {  	s30 =	simm.s32 @!p0 $0x1  }
0x8c: {  	_ =	swait.ge @!p0 [sflag:s30], $0x4000  }
0x8d: {  	[sflag:s30] =	ssyncset.done @!p0 $0x0  }
0x8e: {  	[sflag:s30] =	ssyncadd.s32 @!p0 $0xFFFFC000;
	s30 =	simm.s32 @!p0 $0x300  }
0x8f: {  	[spmem:s2] =	stream.indirect.scatter.add.f32 @!p0 [tilespmem:s31], [sflag:$0x4], $0x80, s30, s29, $0xb8;
	[tilespmem:$0x18100] =	vst v63  }
0x90: {  	s29 =	simm.s32 @!p0 $0x4  }
0x91: {  	_ =	swait.ge @!p0 [sflag:s29], $0x4000  }
0x92: {  	[sflag:s29] =	ssyncset.done @!p0 $0x0  }
0x93: {  	[sflag:s29] =	ssyncadd.s32 @!p0 $0xFFFFC000;
	s29 =	simm.s32 @!p0 $0x2  }
0x94: {  	_ =	swait.ge @!p0 [sflag:s29], $0x180  }
0x95: {  	[sflag:s29] =	ssyncset.done @!p0 $0x0  }
0x96: {  	[sflag:s29] =	ssyncadd.s32 @!p0 $0xFFFFFE80  }
0x97: {  	v1 =	vld @!p0 [tilespmem:$0x80]  }
0x98: {  	v2 =	vld @!p0 [tilespmem:$0x0]  }
0x99: {  	v3 =	vld @!p0 [tilespmem:$0x90]  }
0x9a: {  	v4 =	vld @!p0 [tilespmem:$0x10]  }
0x9b: {  	v5 =	vld @!p0 [tilespmem:$0xA0]  }
0x9c: {  	v6 =	vld @!p0 [tilespmem:$0x20]  }
0x9d: {  	v7 =	vld @!p0 [tilespmem:$0xB0]  }
0x9e: {  	v8 =	vld @!p0 [tilespmem:$0x30]  }
0x9f: {  	v9 =	vld @!p0 [tilespmem:$0xC0]  }
0xa0: {  	v10 =	vld @!p0 [tilespmem:$0x40]  }
0xa1: {  	v11 =	vld @!p0 [tilespmem:$0xD0]  }
0xa2: {  	v12 =	vld @!p0 [tilespmem:$0x50];
	v1 =	vmul.u32 @!p0 $0x2710, v1  }
0xa3: {  	v13 =	vld @!p0 [tilespmem:$0xE0];
	v3 =	vmul.u32 @!p0 $0x2710, v3  }
0xa4: {  	v1 =	vadd.s32 @!p0 v2, v1;
	v2 =	vmul.u32 @!p0 $0x2710, v5;
	v5 =	vld @!p0 [tilespmem:$0xF0]  }
0xa5: {  	[tilespmem:$0x400] =	vst @!p0 v1;
	v1 =	vadd.s32 @!p0 v4, v3;
	v3 =	vmul.u32 @!p0 $0x2710, v7;
	v4 =	vld @!p0 [tilespmem:$0x60]  }
0xa6: {  	[tilespmem:$0x410] =	vst @!p0 v1;
	v1 =	vadd.s32 @!p0 v6, v2;
	v2 =	vmul.u32 @!p0 $0x2710, v9;
	v6 =	vld @!p0 [tilespmem:$0x70]  }
0xa7: {  	[tilespmem:$0x420] =	vst @!p0 v1;
	v1 =	vadd.s32 @!p0 v8, v3;
	v3 =	vmul.u32 @!p0 $0x2710, v11  }
0xa8: {  	[tilespmem:$0x430] =	vst @!p0 v1;
	v1 =	vadd.s32 @!p0 v10, v2;
	v2 =	vmul.u32 @!p0 $0x2710, v13  }
0xa9: {  	[tilespmem:$0x440] =	vst @!p0 v1;
	v1 =	vadd.s32 @!p0 v12, v3;
	v3 =	vmul.u32 @!p0 $0x2710, v5  }
0xaa: {  	[tilespmem:$0x450] =	vst @!p0 v1;
	v1 =	vadd.s32 @!p0 v4, v2  }
0xab: {  	[tilespmem:$0x460] =	vst @!p0 v1;
	v1 =	vadd.s32 @!p0 v6, v3  }
0xac: {  	[tilespmem:$0x470] =	vst @!p0 v1  }
.LBB2_7:
0xad: {  	s26 =	sadd.s32 $0x40, s26  }
0xae: {  	p0 =	sne.s32 s26, $0xA00  }
.Ltmp4:
0xaf: {  	_ = 	snop;
	(pc) =	sbr.rel @!p0 .LBB2_8-.Ltmp4, $2  }
0xb0: {  	_ =	sdelay $0x2  }
0xb1: {  	s28 =	sadd.s32 $0x1000, s28  }
.LBB2_4:
0xb2: {  	s29 =	sadd.s32 s26, s6  }
0xb3: {  	s30 =	sadd.s32 $0x20, s29  }
0xb4: {  	p0 =	slt.u32 s30, $0x9C4  }
.Ltmp5:
0xb5: {  	_ = 	snop;
	(pc) =	sbr.rel @p0 .LBB2_6-.Ltmp5, $1  }
0xb6: {  	_ =	sdelay $0x3  }
0xb7: {  	s29 =	sadd.s32 $0xFFFFF65C, s29  }
0xb8: {  	p0 =	sgt.u32 s29, $0x1F  }
0xb9: {  	s29 =	simm.s32 @!p0 $0x80;
	s30 =	simm.s32 @!p0 $0x400;
	s31 =	simm.s32 @!p0 $0x500  }
0xba: {  	[tilespmem:s31], [sflag:$0x1] =	stream.indirect.gather @!p0 [hbm4b:s4+s29], $0x80, s30, s29, $0xb8;
	[tilespmem:$0x18100] =	vst v63  }
0xbb: {  	s30 =	simm.s32 @!p0 $0x1  }
0xbc: {  	_ =	swait.ge @!p0 [sflag:s30], $0x4000  }
0xbd: {  	[sflag:s30] =	ssyncset.done @!p0 $0x0  }
0xbe: {  	[sflag:s30] =	ssyncadd.s32 @!p0 $0xFFFFC000;
	s30 =	simm.s32 @!p0 $0x100  }
0xbf: {  	[spmem:s2] =	stream.indirect.scatter.add.f32 @!p0 [tilespmem:s31], [sflag:$0x4], $0x80, s30, s29, $0xb8;
	[tilespmem:$0x18100] =	vst v63  }
.Ltmp6:
0xc0: {  	_ = 	snop;
	(pc) =	sbr.rel .LBB2_7-.Ltmp6, $4  }
0xc1: {  	s29 =	simm.s32 @!p0 $0x4  }
0xc2: {  	_ =	swait.ge @!p0 [sflag:s29], $0x4000  }
0xc3: {  	[sflag:s29] =	ssyncset.done @!p0 $0x0  }
0xc4: {  	[sflag:s29] =	ssyncadd.s32 @!p0 $0xFFFFC000  }
.LBB2_9:
0xc5: {  	_ =	sfence.sel $0x180000  }
0xc6: {  	[bflag:$0x0] =	sbarrier.arrive $0xFFFF  }
0xc7: {  	p0 =	sne.s32 s1, $0x0;
	_ =	strace $0x9000004A  }
0xc8: {  	s0 =	sadd.s32 @!p0 $0x100000, s0;
	[bflag:$0x2] =	sbarrier.arrive $0xFFFF  }
0xc9: {  	[sflag:s0] =	ssyncadd.tile.s32 @!p0 $0x1;
	_ =	shalt  }
.Lfunc_end2:
_tile_overlayer_lowered:
.L_overlay_start_2:
0xca: {  	(tag) =	ssettag $0x2  }
0xcb: {  	s0 =	rddreg [dreg:$0x0];
	s2 =	stileid.u32  }
0xcc: {  	s1 =	rddreg [dreg:$0x1];
	p0 =	sne.s32 s2, $0x0  }
0xcd: {  	s3 =	rddreg [dreg:$0x2];
	[bflag:$0x3] =	sbarrier.arrive $0xFFFF;
	s2 =	simm.s32 @!p0 $0x1C03  }
0xce: {  	[timem:s3], [sflag:s2] =	dma.local @!p0 [hbm:s0], s1  }
0xcf: {  	s0 =	simm.s32 @!p0 $0x3  }
0xd0: {  	_ =	swait.ge @!p0 [sflag:s0], s1  }
0xd1: {  	s1 =	ssub.s32 @!p0 $0x0, s1;
	[sflag:s0] =	ssyncset.done @!p0 $0x0  }
0xd2: {  	[sflag:s0] =	ssyncadd.s32 @!p0 s1  }
0xd3: {  	[bflag:$0x3] =	sbarrier.arrive $0xFFFF  }
0xd4: {  	_ =	shalt  }

// kernel: kernel.8.cloned.1.call-start
scs
__scs_entry_jumppad:
0x0: {  	(pc) =	sbr.rel $0x88, $3  }
0x1: {  	(tag) =	ssettag $0x0;
	lr =	simm.s32 $0x1  }
0x2: {  	[smem:$0x3F98] =	sst lr;
	_ =	strace $0xD0000000  }
0x3: {  	_ = 	snop  }
0x4: {  	_ = 	snop  }
0x5: {  	_ = 	snop  }
0x6: {  	_ = 	snop  }
0x7: {  	_ = 	snop  }
__scs_overlays_trampoline_lowered:
0x8: {  	[smem:$0x3FA7] =	sst s0  }
0x9: {  	[smem:$0x3FA8] =	sst s1  }
0xa: {  	[smem:$0x3FA9] =	sst s2  }
0xb: {  	[smem:$0x3FAA] =	sst s3  }
0xc: {  	[smem:$0x3FAB] =	sst s4  }
0xd: {  	[smem:$0x3FAC] =	sst s5  }
0xe: {  	[smem:$0x3FAD] =	sst s6  }
0xf: {  	[smem:$0x3FAE] =	sst s7  }
0x10: {  	[smem:$0x3FAF] =	sst s8  }
0x11: {  	[smem:$0x3FB0] =	sst s9;
	s0 =	simm.s32 @!p0 $0x0  }
0x12: {  	s1 =	sld [smem:$0x3F96];
	s0 =	simm.s32 @p0 $0x1  }
0x13: {  	[smem:$0x3FB1] =	sst s0;
	s0 =	simm.s32 @!p1 $0x0  }
0x14: {  	s2 =	sld [smem:$0x3F95];
	s0 =	simm.s32 @p1 $0x1  }
0x15: {  	[smem:$0x3FB2] =	sst s0;
	s0 =	simm.s32 @!p2 $0x0  }
0x16: {  	s3 =	sld [smem:$0x3FDB];
	s0 =	simm.s32 @p2 $0x1  }
0x17: {  	s4 =	simm.s32 $0x1BF5;
	[smem:$0x3FB4] =	sst s0  }
0x18: {  	s0 =	sld [smem:$0x3F97];
	_ =	swait.ge [sflag:s4], $0x0  }
0x19: {  	s7 =	sld [smem:$0x3F98]  }
0x1a: {  	s8 =	sadd.s32 $0xFFFFE003, lr  }
0x1b: {  	s9 =	sadd.s32 $0xFFFFFEF7, lr;
	s5 =	simm.s32 $0xFFFFFFFF;
	p2 =	slt.u32 s8, $0xFFFFF086  }
0x1c: {  	p1 =	slt.u32 s9, $0xF7A;
	s5 =	simm.s32 @!p2 $0x0  }
0x1d: {  	s5 =	simm.s32 @p1 $0x1;
	p0 =	seq.s32 s7, s2  }
0x1e: {  	s7 =	smul.u32 @!p0 $0xF7A, s2;
	p2 =	seq.s32 @!p0 s5, $0x0  }
0x1f: {  	s9 =	smul.u32 $0xF7A, s1;
	s8 =	simm.s32 @!p0 $0x1BF5;
	p2 =	por !p2, p0  }
0x20: {  	[sflag:s8] =	ssyncset.s32 @!p0 $0xFFFFF086;
	s6 =	sadd.s32 @!p0 s3, s7;
	s7 =	simm.s32 @!p0 $0x108  }
0x21: {  	s3 =	sadd.s32 s3, s9;
	s6 =	sadd.s32 @!p0 $0x88, s6;
	s7 =	simm.s32 @p2 $0x1082  }
0x22: {  	[simem:s7], [sflag:s8] =	dma.local @!p0 [hbm:s6], $0xF7A  }
0x23: {  	s9 =	sor.u32 $0xD0000000, s2;
	s6 =	simm.s32 $0x108;
	_ =	swait.ge @!p0 [sflag:s8], $0x0  }
0x24: {  	s3 =	sadd.s32 $0x88, s3;
	s6 =	simm.s32 @!p1 $0x1082;
	[sflag:s4] =	ssyncset.s32 $0xFFFFF086  }
0x25: {  	[simem:s6], [sflag:s4] =	dma.local [hbm:s3], $0xF7A  }
0x26: {  	[smem:$0x3F98] =	sst s1;
	(tag) =	ssettag s2;
	_ =	strace s9  }
0x27: {  	s1 =	sld [smem:$0x3FA8]  }
0x28: {  	s2 =	sld [smem:$0x3FA9]  }
0x29: {  	s4 =	sld [smem:$0x3FAB]  }
0x2a: {  	p0 =	seq.s32 s5, $0x0;
	s5 =	sld [smem:$0x3FAC]  }
0x2b: {  	s6 =	sld [smem:$0x3FAD]  }
0x2c: {  	s7 =	sld [smem:$0x3FAE]  }
0x2d: {  	s3 =	simm.s32 $0x108;
	s8 =	sld [smem:$0x3FAF]  }
0x2e: {  	s3 =	simm.s32 @!p0 $0x1082;
	s9 =	sld [smem:$0x3FB0]  }
0x2f: {  	lr =	sadd.s32 s0, s3;
	s0 =	sld [smem:$0x3FA7]  }
0x30: {  	s3 =	sld [smem:$0x3FAA]  }
0x31: {  	[smem:$0x3FB3] =	sst s10  }
0x32: {  	s10 =	sld [smem:$0x3FB1];
	_ =	sdelay $0x3  }
0x33: {  	p0 =	seq.s32 s10, $0x1;
	s10 =	sld [smem:$0x3FB3];
	_ =	sdelay $0x3  }
0x34: {  	[smem:$0x3FB3] =	sst s10  }
0x35: {  	s10 =	sld [smem:$0x3FB2];
	_ =	sdelay $0x3  }
0x36: {  	p1 =	seq.s32 s10, $0x1;
	s10 =	sld [smem:$0x3FB3];
	_ =	sdelay $0x3  }
0x37: {  	[smem:$0x3FB3] =	sst s10  }
0x38: {  	s10 =	sld [smem:$0x3FB4]  }
0x39: {  	_ = 	snop;
	(pc) =	sbr.ind lr, $3  }
0x3a: {  	_ = 	snop  }
0x3b: {  	_ = 	snop  }
0x3c: {  	p2 =	seq.s32 s10, $0x1;
	s10 =	sld [smem:$0x3FB3]  }
0x3d: {  	_ =	shalt  }
0x3e: {  	_ =	shalt  }
0x3f: {  	_ =	shalt  }
0x40: {  	_ =	shalt  }
0x41: {  	_ =	shalt  }
0x42: {  	_ =	shalt  }
0x43: {  	_ =	shalt  }
0x44: {  	_ =	shalt  }
0x45: {  	_ =	shalt  }
0x46: {  	_ =	shalt  }
0x47: {  	_ =	shalt  }
0x48: {  	_ =	shalt  }
0x49: {  	_ =	shalt  }
0x4a: {  	_ =	shalt  }
0x4b: {  	_ =	shalt  }
0x4c: {  	_ =	shalt  }
0x4d: {  	_ =	shalt  }
0x4e: {  	_ =	shalt  }
0x4f: {  	_ =	shalt  }
0x50: {  	_ =	shalt  }
0x51: {  	_ =	shalt  }
0x52: {  	_ =	shalt  }
0x53: {  	_ =	shalt  }
0x54: {  	_ =	shalt  }
0x55: {  	_ =	shalt  }
0x56: {  	_ =	shalt  }
0x57: {  	_ =	shalt  }
0x58: {  	_ =	shalt  }
0x59: {  	_ =	shalt  }
0x5a: {  	_ =	shalt  }
0x5b: {  	_ =	shalt  }
0x5c: {  	_ =	shalt  }
0x5d: {  	_ =	shalt  }
0x5e: {  	_ =	shalt  }
0x5f: {  	_ =	shalt  }
0x60: {  	_ =	shalt  }
0x61: {  	_ =	shalt  }
0x62: {  	_ =	shalt  }
0x63: {  	_ =	shalt  }
0x64: {  	_ =	shalt  }
0x65: {  	_ =	shalt  }
0x66: {  	_ =	shalt  }
0x67: {  	_ =	shalt  }
0x68: {  	_ =	shalt  }
0x69: {  	_ =	shalt  }
0x6a: {  	_ =	shalt  }
0x6b: {  	_ =	shalt  }
0x6c: {  	_ =	shalt  }
0x6d: {  	_ =	shalt  }
0x6e: {  	_ =	shalt  }
0x6f: {  	_ =	shalt  }
0x70: {  	_ =	shalt  }
0x71: {  	_ =	shalt  }
0x72: {  	_ =	shalt  }
0x73: {  	_ =	shalt  }
0x74: {  	_ =	shalt  }
0x75: {  	_ =	shalt  }
0x76: {  	_ =	shalt  }
0x77: {  	_ =	shalt  }
0x78: {  	_ =	shalt  }
0x79: {  	_ =	shalt  }
0x7a: {  	_ =	shalt  }
0x7b: {  	_ =	shalt  }
0x7c: {  	_ =	shalt  }
0x7d: {  	_ =	shalt  }
0x7e: {  	_ =	shalt  }
0x7f: {  	_ =	shalt  }
0x80: {  	_ =	shalt  }
0x81: {  	_ =	shalt  }
0x82: {  	_ =	shalt  }
0x83: {  	_ =	shalt  }
0x84: {  	_ =	shalt  }
0x85: {  	_ =	shalt  }
0x86: {  	_ =	shalt  }
0x87: {  	_ =	shalt  }
.Lfunc_end0:
.L_simem_size_0:
called_computation_lowered:
.L_overlay_start_0:
0x88: {  	s2 =	sld [smem:$0x3FD9]  }
0x89: {  	s3 =	sld [smem:$0x3FFE];
	_ =	sdelay $0x1  }
0x8a: {  	s1 =	srdreg.scid  }
0x8b: {  	s0 =	sand.u32 $0x1, s1  }
0x8c: {  	s17 =	sshll.u32 s0, $0xA;
	s2 =	sadd.s32 s3, s2  }
0x8d: {  	s2 =	sadd.s32 s2, s17  }
0x8e: {  	[smem:$0x3FBF] =	sst s2  }
0x8f: {  	_ = 	snop  }
0x90: {  	s2 =	sld [smem:$0x3FD0];
	(tm) =	ssettm $0x1  }
0x91: {  	s18 =	sld [smem:$0x3FFB];
	_ =	sdelay $0x3  }
0x92: {  	_ =	strace s18  }
0x93: {  	s3 =	sld [smem:$0x3FFC];
	_ =	sdelay $0x3  }
0x94: {  	_ =	strace s3  }
0x95: {  	s3 =	sld [smem:$0x3FFD];
	_ =	sdelay $0x3  }
0x96: {  	_ =	strace s3  }
0x97: {  	_ =	strace $0x8FFFFFFF  }
0x98: {  	s19 =	sld [smem:$0x3FDB];
	_ =	sdelay $0x1  }
0x99: {  	s4 =	simm.s32 $_scs_section_size  }
0x9a: {  	s5 =	simm.s32 $_size__tile_overlayer_lowered;
	s6 =	simm.s32 $_tile_overlayer_lowered  }
0x9b: {  	s22 =	simm.s32 $0x1BFF;
	s21 =	sshll.u32 s6, $0x1;
	s3 =	sadd.s32 s4, s19  }
0x9c: {  	s7 =	simm.s32 $0x0;
	s20 =	sshll.u32 s5, $0x1;
	s5 =	sadd.s32 s21, s3  }
0x9d: {  	[timem:s7], [sflag:s22] =	dma.local [hbm:s5], s20  }
0x9e: {  	_ =	swait.ge [sflag:s22], s20  }
0x9f: {  	s4 =	ssub.s32 $0x0, s20;
	[sflag:s22] =	ssyncset.done $0x0  }
0xa0: {  	[sflag:s22] =	ssyncadd.s32 s4;
	_ =	sdelay $0x1  }
0xa1: {  	s23 =	simm.s32 $0x1B8B  }
0xa2: {  	_ =	swait.ge [sflag:s23], $0x1  }
0xa3: {  	[sflag:s23] =	ssyncset.done $0x0  }
0xa4: {  	s25 =	simm.s32 $0x1B8E;
	s24 =	sld [smem:$0x3FFE];
	[sflag:s23] =	ssyncadd.s32 $0xFFFFFFFF  }
0xa5: {  	s26 =	simm.s32 $execute0_lowered;
	[smem:$0x3FD2] =	sst s25  }
0xa6: {  	s5 =	sshll.u32 s26, $0x1;
	_ =	strace $0x80000046;
	[dreg:$0x1] =	wrdreg $0xFFFFFFFF  }
0xa7: {  	s28 =	simm.s32 $_size_execute0_lowered;
	s3 =	sadd.s32 s3, s5;
	[dreg:$0x0] =	wrdreg $0x0  }
0xa8: {  	s5 =	sshll.u32 s28, $0x1;
	[dreg:$0x2] =	wrdreg s3  }
0xa9: {  	[dreg:$0x3] =	wrdreg s5  }
0xaa: {  	[dreg:$0x4] =	wrdreg $0xC0  }
0xab: {  	_ =	task [dreg:s7], $0x5FFFF  }
0xac: {  	[dreg:$0x1] =	wrdreg $0xFFFFFFFF  }
0xad: {  	[dreg:$0x0] =	wrdreg $0x60  }
0xae: {  	[dreg:$0x2] =	wrdreg s24  }
0xaf: {  	[dreg:$0x3] =	wrdreg s2  }
0xb0: {  	[dreg:$0x4] =	wrdreg $0x45000  }
0xb1: {  	[dreg:$0x5] =	wrdreg $0x9  }
0xb2: {  	_ =	task.clear_ibuf [dreg:s7], $0x6FFFF;
	_ =	strace $0x90000046  }
0xb3: {  	s29 =	simm.s32 $0x9;
	_ =	strace $0x80000048  }
0xb4: {  	_ =	swait.ge [sflag:s29], $0x1  }
0xb5: {  	[sflag:s29] =	ssyncadd.s32 $0xFFFFFFFF  }
0xb6: {  	_ =	strace $0x90000048  }
0xb7: {  	_ =	sfence  }
0xb8: {  	s30 =	sld [smem:$0x0];
	_ =	sdelay $0x2  }
0xb9: {  	s31 =	sshll.u32 s1, $0xD;
	s1 =	sshrl.u32 s1, $0x2  }
0xba: {  	s3 =	sand.u32 $0x4000, s31;
	s1 =	sadd.s32 s1, s30  }
0xbb: {  	s0 =	sor.u32 s3, s0;
	s1 =	sshll.u32 s1, $0x11  }
0xbc: {  	s0 =	sor.u32 s1, s0  }
0xbd: {  	s0 =	sadd.s32 $0x8F2B, s0  }
0xbe: {  	[sflag:s0] =	ssyncadd.remote.s32 $0x1  }
0xbf: {  	_ =	sfence.sel $0xFFFF  }
0xc0: {  	[dreg:$0x0] =	wrdreg $0xFFFFFFFF;
	(pc) =	sbr.abs _section_cstart, $3  }
0xc1: {  	[dreg:$0x1] =	wrdreg $0xFFFFFFFF  }
0xc2: {  	_ =	task.clear_ibuf [dreg:s7], $0x2FFFF;
	_ =	strace $0x9FFFFFFF  }
0xc3: {  	(tm) =	ssettm $0x7FFFFFFF  }
tec
execute0_lowered:
.L_overlay_start_1:
0x0: {  	(tag) =	ssettag $0x1  }
0x1: {  	s5 =	rddreg [dreg:$0x0]  }
0x2: {  	s12 =	rddreg [dreg:$0x1]  }
0x3: {  	s2 =	rddreg [dreg:$0x2]  }
0x4: {  	s0 =	rddreg [dreg:$0x3];
	s4 =	srdreg.scid  }
0x5: {  	s1 =	stileid.u32;
	s3 =	simm.s32 $0x0;
	s17 =	simm.s32 $0x3  }
0x6: {  	s18 =	simm.s32 $0x200;
	s19 =	simm.s32 $0x80;
	s20 =	simm.s32 $0x400  }
0x7: {  	s21 =	simm.s32 $0x1;
	s22 =	simm.s32 $0x100;
	s23 =	simm.s32 $0x4  }
0x8: {  	s24 =	simm.s32 $0x2;
	s25 =	simm.s32 $0x0;
	s6 =	smul.u32 $0x2780, s1  }
0x9: {  	s11 =	sand.u32 $0x1, s4;
	[smem:$0x7FF] =	sst s3;
	s8 =	smul.u32 $0x4F000, s1  }
0xa: {  	s4 =	sadd.s32 $0x1E00, s5;
	s7 =	smul.u32 $0x27800, s11;
	_ =	strace $0x80000047  }
0xb: {  	s26 =	ssub.s32 $0x2, s11;
	s30 =	sshll.u32 s11, $0x4;
	s11 =	sshll.u32 s11, $0xA  }
0xc: {  	s28 =	sshrl.u32 s26, $0x1;
	s29 =	sshrl.u32 s8, $0x2;
	s16 =	sadd.s32 s11, s12  }
0xd: {  	s11 =	sshll.u32 s1, $0x6;
	s6 =	sadd.s32 s6, s7;
	s14 =	ssub.s32 s26, s28  }
.Ltmp0:
0xe: {  	s31 =	sadd.s32 s11, s16;
	s16 =	simm.s32 $0x500;
	(pc) =	sbr.rel .LBB2_1-.Ltmp0, $4  }
0xf: {  	s13 =	sadd.s32 s6, s5;
	s5 =	sadd.s32 s29, s2;
	s6 =	sor.u32 s1, s30  }
0x10: {  	s14 =	smax.u32 s14, $0x1;
	s7 =	sadd.s32 $0x4000, s5;
	s8 =	sadd.s32 $0x8000, s5  }
0x11: {  	s9 =	sadd.s32 $0xC000, s5;
	s10 =	sadd.s32 $0x10000, s5;
	s15 =	sshll.u32 s6, $0x6  }
0x12: {  	v0 =	vimm.f32 $0.0e+00;
	s13 =	sadd.s32 $0x420A00, s13;
	s12 =	sadd.s32 s12, s15;
	s15 =	sadd.s32 $0x1000, s31  }
.LBB2_8:
0x13: {  	s25 =	sadd.s32 $0x1, s25  }
0x14: {  	[bflag:$0x0] =	sbarrier.arrive $0xFFFF;
	p0 =	sne.s32 s25, s14  }
.Ltmp1:
0x15: {  	s26 =	sor.u32 $0x1C03, s11;
	s28 =	sshrl.u32 s5, $0x3;
	(pc) =	sbr.rel @!p0 .LBB2_9-.Ltmp1, $4  }
0x16: {  	[hbm:s13], [sflag:s26] =	dma.local [spmem:s28], $0x2780  }
0x17: {  	_ =	swait.ge [sflag:s17], $0x2780  }
0x18: {  	[sflag:s17] =	ssyncset.done $0x0  }
0x19: {  	[sflag:s17] =	ssyncadd.s32 $0xFFFFD880  }
.LBB2_1:
0x1a: {  	s26 =	simm.s32 $0x0;
	s28 =	simm.s32 $0x200  }
.LBB2_2:
0x1b: {  	p0 =	sne.s32 s28, $0xFE00;
	[tilespmem:s26+$0x570] =	vst v0  }
0x1c: {  	[tilespmem:s26+$0x500] =	vst v0  }
0x1d: {  	[tilespmem:s26+$0x510] =	vst v0  }
.Ltmp2:
0x1e: {  	[tilespmem:s26+$0x520] =	vst v0;
	(pc) =	sbr.rel @p0 .LBB2_2-.Ltmp2, $4  }
0x1f: {  	[tilespmem:s26+$0x530] =	vst v0  }
0x20: {  	[tilespmem:s26+$0x540] =	vst v0  }
0x21: {  	[tilespmem:s26+$0x550] =	vst v0  }
0x22: {  	[tilespmem:s26+$0x560] =	vst v0;
	s26 =	sshra.s32 s28, $0x2;
	s28 =	sadd.s32 $0x200, s28  }
0x23: {  	[tilespmem:s26+$0x570] =	vst v0  }
0x24: {  	[tilespmem:s26+$0x500] =	vst v0  }
0x25: {  	[tilespmem:s26+$0x510] =	vst v0  }
0x26: {  	[tilespmem:s26+$0x520] =	vst v0  }
0x27: {  	[tilespmem:s26+$0x530] =	vst v0  }
0x28: {  	[tilespmem:s26+$0x540] =	vst v0  }
0x29: {  	[tilespmem:s26+$0x550] =	vst v0  }
0x2a: {  	[tilespmem:s26+$0x560] =	vst v0  }
0x2b: {  	[spmem:s5] =	stream.linear.scatter [tilespmem:s16], [sflag:$0x3], $0x4000, $0x38;
	[tilespmem:$0x18100] =	vst v63  }
0x2c: {  	_ =	swait.ge [sflag:s17], $0x4000  }
0x2d: {  	[sflag:s17] =	ssyncset.done $0x0  }
0x2e: {  	[sflag:s17] =	ssyncadd.s32 $0xFFFFC000  }
0x2f: {  	[spmem:s7] =	stream.linear.scatter [tilespmem:s16], [sflag:$0x3], $0x4000, $0x38;
	[tilespmem:$0x18100] =	vst v63  }
0x30: {  	_ =	swait.ge [sflag:s17], $0x4000  }
0x31: {  	[sflag:s17] =	ssyncset.done $0x0  }
0x32: {  	[sflag:s17] =	ssyncadd.s32 $0xFFFFC000  }
0x33: {  	[spmem:s8] =	stream.linear.scatter [tilespmem:s16], [sflag:$0x3], $0x4000, $0x38;
	[tilespmem:$0x18100] =	vst v63  }
0x34: {  	_ =	swait.ge [sflag:s17], $0x4000  }
0x35: {  	[sflag:s17] =	ssyncset.done $0x0  }
0x36: {  	[sflag:s17] =	ssyncadd.s32 $0xFFFFC000  }
0x37: {  	[spmem:s9] =	stream.linear.scatter [tilespmem:s16], [sflag:$0x3], $0x4000, $0x38;
	[tilespmem:$0x18100] =	vst v63  }
0x38: {  	_ =	swait.ge [sflag:s17], $0x4000  }
0x39: {  	[sflag:s17] =	ssyncset.done $0x0  }
0x3a: {  	[sflag:s17] =	ssyncadd.s32 $0xFFFFC000  }
0x3b: {  	[spmem:s10] =	stream.linear.scatter [tilespmem:s16], [sflag:$0x3], $0x3C00, $0x38;
	[tilespmem:$0x18100] =	vst v63  }
0x3c: {  	_ =	swait.ge [sflag:s17], $0x3C00  }
0x3d: {  	[sflag:s17] =	ssyncset.done $0x0  }
0x3e: {  	[sflag:s17] =	ssyncadd.s32 $0xFFFFC400  }
0x3f: {  	s26 =	simm.s32 $0x0;
	[bflag:$0x0] =	sbarrier.arrive $0xFFFF  }
0x40: {  	[tilespmem:s26], [sflag:$0x3] =	stream.linear.gather [hbm4b:s12+s26], $0x180, $0x38;
	[tilespmem:$0x18100] =	vst v63  }
0x41: {  	_ =	swait.ge [sflag:s17], $0x180  }
0x42: {  	[sflag:s17] =	ssyncset.done $0x0  }
0x43: {  	[sflag:s17] =	ssyncadd.s32 $0xFFFFFE80  }
0x44: {  	v1 =	vld [tilespmem:$0x80]  }
0x45: {  	v2 =	vld [tilespmem:$0x0]  }
0x46: {  	v3 =	vld [tilespmem:$0x90]  }
0x47: {  	v4 =	vld [tilespmem:$0x10]  }
0x48: {  	v5 =	vld [tilespmem:$0xA0]  }
0x49: {  	v6 =	vld [tilespmem:$0x20]  }
0x4a: {  	v7 =	vld [tilespmem:$0xB0]  }
0x4b: {  	v8 =	vld [tilespmem:$0x30]  }
0x4c: {  	v9 =	vld [tilespmem:$0xC0]  }
0x4d: {  	v10 =	vld [tilespmem:$0x40]  }
0x4e: {  	v11 =	vld [tilespmem:$0xD0]  }
0x4f: {  	v12 =	vld [tilespmem:$0x50];
	v1 =	vmul.u32 $0x2710, v1  }
0x50: {  	v13 =	vld [tilespmem:$0xE0];
	v3 =	vmul.u32 $0x2710, v3  }
0x51: {  	v61 =	vld [tilespmem:$0xF0];
	v1 =	vadd.s32 v2, v1;
	v2 =	vmul.u32 $0x2710, v5  }
0x52: {  	v62 =	vld [tilespmem:$0x60];
	[tilespmem:$0x400] =	vst v1;
	v1 =	vadd.s32 v4, v3;
	v3 =	vmul.u32 $0x2710, v7  }
0x53: {  	v63 =	vld [tilespmem:$0x70];
	[tilespmem:$0x410] =	vst v1;
	v1 =	vadd.s32 v6, v2;
	v2 =	vmul.u32 $0x2710, v9  }
0x54: {  	[tilespmem:$0x420] =	vst v1;
	v1 =	vadd.s32 v8, v3;
	v3 =	vmul.u32 $0x2710, v11  }
.Ltmp3:
0x55: {  	[tilespmem:$0x430] =	vst v1;
	v1 =	vadd.s32 v10, v2;
	v2 =	vmul.u32 $0x2710, v13;
	(pc) =	sbr.rel .LBB2_4-.Ltmp3, $4  }
0x56: {  	[tilespmem:$0x440] =	vst v1;
	v1 =	vadd.s32 v12, v3;
	v3 =	vmul.u32 $0x2710, v61  }
0x57: {  	[tilespmem:$0x450] =	vst v1;
	v1 =	vadd.s32 v62, v2  }
0x58: {  	[tilespmem:$0x460] =	vst v1;
	v1 =	vadd.s32 v63, v3  }
0x59: {  	s28 =	smov.u32 s15;
	[tilespmem:$0x470] =	vst v1  }
.LBB2_6:
0x5a: {  	s30 =	sadd.s32 $0xFFFFF800, s28  }
0x5b: {  	[tilespmem:s18], [sflag:$0x2] =	stream.linear.gather [hbm4b:s30+s3], $0x180, $0x38;
	[tilespmem:$0x18100] =	vst v63  }
0x5c: {  	_ = 	snop  }
0x5d: {  	[tilespmem:s16], [sflag:$0x1] =	stream.indirect.gather [hbm4b:s4+s19], $0x80, s20, s19, $0xb8;
	[tilespmem:$0x18100] =	vst v63  }
0x5e: {  	_ =	swait.ge [sflag:s21], $0x4000  }
0x5f: {  	[sflag:s21] =	ssyncset.done $0x0  }
0x60: {  	[sflag:s21] =	ssyncadd.s32 $0xFFFFC000  }
0x61: {  	[spmem:s2] =	stream.indirect.scatter.add.f32 [tilespmem:s16], [sflag:$0x4], $0x80, s22, s19, $0xb8;
	[tilespmem:$0x18100] =	vst v63  }
0x62: {  	_ =	swait.ge [sflag:s23], $0x4000  }
0x63: {  	[sflag:s23] =	ssyncset.done $0x0  }
0x64: {  	[sflag:s23] =	ssyncadd.s32 $0xFFFFC000  }
0x65: {  	_ =	swait.ge [sflag:s24], $0x180  }
0x66: {  	[sflag:s24] =	ssyncset.done $0x0  }
0x67: {  	[sflag:s24] =	ssyncadd.s32 $0xFFFFFE80  }
0x68: {  	v1 =	vld [tilespmem:$0x280]  }
0x69: {  	v2 =	vld [tilespmem:$0x200]  }
0x6a: {  	v3 =	vld [tilespmem:$0x290]  }
0x6b: {  	v4 =	vld [tilespmem:$0x210]  }
0x6c: {  	v5 =	vld [tilespmem:$0x2A0]  }
0x6d: {  	v6 =	vld [tilespmem:$0x220]  }
0x6e: {  	v7 =	vld [tilespmem:$0x2B0]  }
0x6f: {  	v8 =	vld [tilespmem:$0x230]  }
0x70: {  	v9 =	vld [tilespmem:$0x2C0]  }
0x71: {  	v10 =	vld [tilespmem:$0x240]  }
0x72: {  	v11 =	vld [tilespmem:$0x2D0]  }
0x73: {  	v12 =	vld [tilespmem:$0x250];
	v1 =	vmul.u32 $0x2710, v1  }
0x74: {  	v13 =	vld [tilespmem:$0x2E0];
	v3 =	vmul.u32 $0x2710, v3  }
0x75: {  	v61 =	vld [tilespmem:$0x2F0];
	v1 =	vadd.s32 v2, v1;
	v2 =	vmul.u32 $0x2710, v5  }
0x76: {  	v62 =	vld [tilespmem:$0x260];
	[tilespmem:$0x480] =	vst v1;
	v1 =	vadd.s32 v4, v3;
	v3 =	vmul.u32 $0x2710, v7  }
0x77: {  	v63 =	vld [tilespmem:$0x270];
	[tilespmem:$0x490] =	vst v1;
	v1 =	vadd.s32 v6, v2;
	v2 =	vmul.u32 $0x2710, v9  }
0x78: {  	[tilespmem:$0x4A0] =	vst v1;
	v1 =	vadd.s32 v8, v3;
	v3 =	vmul.u32 $0x2710, v11  }
0x79: {  	[tilespmem:$0x4B0] =	vst v1;
	v1 =	vadd.s32 v10, v2;
	v2 =	vmul.u32 $0x2710, v13  }
0x7a: {  	[tilespmem:$0x4C0] =	vst v1;
	v1 =	vadd.s32 v12, v3;
	v3 =	vmul.u32 $0x2710, v61  }
0x7b: {  	[tilespmem:$0x4D0] =	vst v1;
	v1 =	vadd.s32 v62, v2  }
0x7c: {  	p0 =	sgt.u32 s29, $0x983;
	[tilespmem:$0x4E0] =	vst v1;
	v1 =	vadd.s32 v63, v3  }
0x7d: {  	s29 =	simm.s32 @p0 $0x80;
	s30 =	simm.s32 @p0 $0x480;
	s31 =	simm.s32 @p0 $0x500;
	[tilespmem:$0x4F0] =	vst v1  }
0x7e: {  	[tilespmem:s31], [sflag:$0x1] =	stream.indirect.gather @p0 [hbm4b:s4+s29], $0x80, s30, s29, $0xb8;
	[tilespmem:$0x18100] =	vst v63  }
0x7f: {  	s30 =	simm.s32 @p0 $0x1  }
0x80: {  	_ =	swait.ge @p0 [sflag:s30], $0x4000  }
0x81: {  	[sflag:s30] =	ssyncset.done @p0 $0x0  }
0x82: {  	[sflag:s30] =	ssyncadd.s32 @p0 $0xFFFFC000;
	s30 =	simm.s32 @p0 $0x300  }
0x83: {  	[spmem:s2] =	stream.indirect.scatter.add.f32 @p0 [tilespmem:s31], [sflag:$0x3], $0x80, s30, s29, $0xb8;
	[tilespmem:$0x18100] =	vst v63  }
0x84: {  	s29 =	simm.s32 @p0 $0x3  }
0x85: {  	_ =	swait.ge @p0 [sflag:s29], $0x4000  }
0x86: {  	[sflag:s29] =	ssyncset.done @p0 $0x0  }
0x87: {  	[sflag:s29] =	ssyncadd.s32 @p0 $0xFFFFC000;
	s29 =	simm.s32 @!p0 $0x0  }
0x88: {  	[tilespmem:s29], [sflag:$0x2] =	stream.linear.gather @!p0 [hbm4b:s28+s29], $0x180, $0x38;
	[tilespmem:$0x18100] =	vst v63  }
0x89: {  	s30 =	simm.s32 @!p0 $0x480;
	s31 =	simm.s32 @!p0 $0x500;
	s29 =	simm.s32 @!p0 $0x80  }
0x8a: {  	[tilespmem:s31], [sflag:$0x1] =	stream.indirect.gather @!p0 [hbm4b:s4+s29], $0x80, s30, s29, $0xb8;
	[tilespmem:$0x18100] =	vst v63  }
0x8b: {  	s30 =	simm.s32 @!p0 $0x1  }
0x8c: {  	_ =	swait.ge @!p0 [sflag:s30], $0x4000  }
0x8d: {  	[sflag:s30] =	ssyncset.done @!p0 $0x0  }
0x8e: {  	[sflag:s30] =	ssyncadd.s32 @!p0 $0xFFFFC000;
	s30 =	simm.s32 @!p0 $0x300  }
0x8f: {  	[spmem:s2] =	stream.indirect.scatter.add.f32 @!p0 [tilespmem:s31], [sflag:$0x4], $0x80, s30, s29, $0xb8;
	[tilespmem:$0x18100] =	vst v63  }
0x90: {  	s29 =	simm.s32 @!p0 $0x4  }
0x91: {  	_ =	swait.ge @!p0 [sflag:s29], $0x4000  }
0x92: {  	[sflag:s29] =	ssyncset.done @!p0 $0x0  }
0x93: {  	[sflag:s29] =	ssyncadd.s32 @!p0 $0xFFFFC000;
	s29 =	simm.s32 @!p0 $0x2  }
0x94: {  	_ =	swait.ge @!p0 [sflag:s29], $0x180  }
0x95: {  	[sflag:s29] =	ssyncset.done @!p0 $0x0  }
0x96: {  	[sflag:s29] =	ssyncadd.s32 @!p0 $0xFFFFFE80  }
0x97: {  	v1 =	vld @!p0 [tilespmem:$0x80]  }
0x98: {  	v2 =	vld @!p0 [tilespmem:$0x0]  }
0x99: {  	v3 =	vld @!p0 [tilespmem:$0x90]  }
0x9a: {  	v4 =	vld @!p0 [tilespmem:$0x10]  }
0x9b: {  	v5 =	vld @!p0 [tilespmem:$0xA0]  }
0x9c: {  	v6 =	vld @!p0 [tilespmem:$0x20]  }
0x9d: {  	v7 =	vld @!p0 [tilespmem:$0xB0]  }
0x9e: {  	v8 =	vld @!p0 [tilespmem:$0x30]  }
0x9f: {  	v9 =	vld @!p0 [tilespmem:$0xC0]  }
0xa0: {  	v10 =	vld @!p0 [tilespmem:$0x40]  }
0xa1: {  	v11 =	vld @!p0 [tilespmem:$0xD0]  }
0xa2: {  	v12 =	vld @!p0 [tilespmem:$0x50];
	v1 =	vmul.u32 @!p0 $0x2710, v1  }
0xa3: {  	v13 =	vld @!p0 [tilespmem:$0xE0];
	v3 =	vmul.u32 @!p0 $0x2710, v3  }
0xa4: {  	v1 =	vadd.s32 @!p0 v2, v1;
	v2 =	vmul.u32 @!p0 $0x2710, v5;
	v5 =	vld @!p0 [tilespmem:$0xF0]  }
0xa5: {  	[tilespmem:$0x400] =	vst @!p0 v1;
	v1 =	vadd.s32 @!p0 v4, v3;
	v3 =	vmul.u32 @!p0 $0x2710, v7;
	v4 =	vld @!p0 [tilespmem:$0x60]  }
0xa6: {  	[tilespmem:$0x410] =	vst @!p0 v1;
	v1 =	vadd.s32 @!p0 v6, v2;
	v2 =	vmul.u32 @!p0 $0x2710, v9;
	v6 =	vld @!p0 [tilespmem:$0x70]  }
0xa7: {  	[tilespmem:$0x420] =	vst @!p0 v1;
	v1 =	vadd.s32 @!p0 v8, v3;
	v3 =	vmul.u32 @!p0 $0x2710, v11  }
0xa8: {  	[tilespmem:$0x430] =	vst @!p0 v1;
	v1 =	vadd.s32 @!p0 v10, v2;
	v2 =	vmul.u32 @!p0 $0x2710, v13  }
0xa9: {  	[tilespmem:$0x440] =	vst @!p0 v1;
	v1 =	vadd.s32 @!p0 v12, v3;
	v3 =	vmul.u32 @!p0 $0x2710, v5  }
0xaa: {  	[tilespmem:$0x450] =	vst @!p0 v1;
	v1 =	vadd.s32 @!p0 v4, v2  }
0xab: {  	[tilespmem:$0x460] =	vst @!p0 v1;
	v1 =	vadd.s32 @!p0 v6, v3  }
0xac: {  	[tilespmem:$0x470] =	vst @!p0 v1  }
.LBB2_7:
0xad: {  	s26 =	sadd.s32 $0x40, s26  }
0xae: {  	p0 =	sne.s32 s26, $0xA00  }
.Ltmp4:
0xaf: {  	_ = 	snop;
	(pc) =	sbr.rel @!p0 .LBB2_8-.Ltmp4, $2  }
0xb0: {  	_ =	sdelay $0x2  }
0xb1: {  	s28 =	sadd.s32 $0x1000, s28  }
.LBB2_4:
0xb2: {  	s29 =	sadd.s32 s26, s6  }
0xb3: {  	s30 =	sadd.s32 $0x20, s29  }
0xb4: {  	p0 =	slt.u32 s30, $0x9C4  }
.Ltmp5:
0xb5: {  	_ = 	snop;
	(pc) =	sbr.rel @p0 .LBB2_6-.Ltmp5, $1  }
0xb6: {  	_ =	sdelay $0x3  }
0xb7: {  	s29 =	sadd.s32 $0xFFFFF65C, s29  }
0xb8: {  	p0 =	sgt.u32 s29, $0x1F  }
0xb9: {  	s29 =	simm.s32 @!p0 $0x80;
	s30 =	simm.s32 @!p0 $0x400;
	s31 =	simm.s32 @!p0 $0x500  }
0xba: {  	[tilespmem:s31], [sflag:$0x1] =	stream.indirect.gather @!p0 [hbm4b:s4+s29], $0x80, s30, s29, $0xb8;
	[tilespmem:$0x18100] =	vst v63  }
0xbb: {  	s30 =	simm.s32 @!p0 $0x1  }
0xbc: {  	_ =	swait.ge @!p0 [sflag:s30], $0x4000  }
0xbd: {  	[sflag:s30] =	ssyncset.done @!p0 $0x0  }
0xbe: {  	[sflag:s30] =	ssyncadd.s32 @!p0 $0xFFFFC000;
	s30 =	simm.s32 @!p0 $0x100  }
0xbf: {  	[spmem:s2] =	stream.indirect.scatter.add.f32 @!p0 [tilespmem:s31], [sflag:$0x4], $0x80, s30, s29, $0xb8;
	[tilespmem:$0x18100] =	vst v63  }
.Ltmp6:
0xc0: {  	_ = 	snop;
	(pc) =	sbr.rel .LBB2_7-.Ltmp6, $4  }
0xc1: {  	s29 =	simm.s32 @!p0 $0x4  }
0xc2: {  	_ =	swait.ge @!p0 [sflag:s29], $0x4000  }
0xc3: {  	[sflag:s29] =	ssyncset.done @!p0 $0x0  }
0xc4: {  	[sflag:s29] =	ssyncadd.s32 @!p0 $0xFFFFC000  }
.LBB2_9:
0xc5: {  	_ =	sfence.sel $0x180000  }
0xc6: {  	[bflag:$0x0] =	sbarrier.arrive $0xFFFF  }
0xc7: {  	p0 =	sne.s32 s1, $0x0;
	_ =	strace $0x90000047  }
0xc8: {  	s0 =	sadd.s32 @!p0 $0x100000, s0;
	[bflag:$0x2] =	sbarrier.arrive $0xFFFF  }
0xc9: {  	[sflag:s0] =	ssyncadd.tile.s32 @!p0 $0x1;
	_ =	shalt  }
.Lfunc_end2:
_tile_overlayer_lowered:
.L_overlay_start_2:
0xca: {  	(tag) =	ssettag $0x2  }
0xcb: {  	s0 =	rddreg [dreg:$0x0];
	s2 =	stileid.u32  }
0xcc: {  	s1 =	rddreg [dreg:$0x1];
	p0 =	sne.s32 s2, $0x0  }
0xcd: {  	s3 =	rddreg [dreg:$0x2];
	[bflag:$0x3] =	sbarrier.arrive $0xFFFF;
	s2 =	simm.s32 @!p0 $0x1C03  }
0xce: {  	[timem:s3], [sflag:s2] =	dma.local @!p0 [hbm:s0], s1  }
0xcf: {  	s0 =	simm.s32 @!p0 $0x3  }
0xd0: {  	_ =	swait.ge @!p0 [sflag:s0], s1  }
0xd1: {  	s1 =	ssub.s32 @!p0 $0x0, s1;
	[sflag:s0] =	ssyncset.done @!p0 $0x0  }
0xd2: {  	[sflag:s0] =	ssyncadd.s32 @!p0 s1  }
0xd3: {  	[bflag:$0x3] =	sbarrier.arrive $0xFFFF  }
0xd4: {  	_ =	shalt  }

</sc_bundles>
